<compile_context>
chip_gen: v7x
topology: tpu7x:2x2x1
jax: 0.10.2.dev20260603
libtpu: 0.0.44.dev20260713+nightly
codegen_flags: <defaults>
</compile_context>

<pallas_src>
import functools
import jax
import jax.numpy as jnp
import numpy as np
from jax import lax
from jax.experimental import pallas as pl
from jax.experimental.pallas import tpu as pltpu
from jax.experimental.pallas import tpu_sc as plsc

H = 224; W = 224; N = H * W; C = 96; HEADS = 6; HD = C // HEADS
WS = 8; M = 128; RC = 10; RCP = 16; GS = 128; HID = 192; K = 5
NG = N // GS
TR = 8
TT = TR * W
NT = H // TR
NWIN = W // WS
GB = 28
LOGM = float(np.log(M))


def _gelu(x):
    return 0.5 * x * (1.0 + lax.erf(x * (2.0 ** -0.5)))


def _ln(x, w, b):
    mu = jnp.mean(x, -1, keepdims=True)
    var = jnp.mean((x - mu) * (x - mu), -1, keepdims=True)
    return (x - mu) * jax.lax.rsqrt(var + 1e-5) * w + b


def _r_body(td_ref, wk_ref, bk_ref, wv_ref, bv_ref, rpi_ref, rpb_tab_ref,
            knT_out, v_out, rpb_out):
    td = td_ref[...]
    k = jnp.dot(td, wk_ref[...], preferred_element_type=jnp.float32) + bk_ref[...]
    nrm = jnp.sqrt(jnp.sum(k * k, -1, keepdims=True))
    kn = k / jnp.maximum(nrm, 1e-12)
    knT_out[...] = kn.T
    v_out[...] = jnp.dot(td, wv_ref[...], preferred_element_type=jnp.float32) + bv_ref[...]
    rpi = rpi_ref[...]
    ids = lax.broadcasted_iota(jnp.int32, (32, 128, 256), 2)
    oh = (rpi[:, :, None] == ids).astype(jnp.float32)
    tab = jnp.dot(oh.reshape(4096, 256), rpb_tab_ref[...],
                  preferred_element_type=jnp.float32)
    rpb_out[...] = tab.T.reshape(8, WS * WS, WS * WS)


def _b_body(tk_ref, pos_out, hist, offs):
    p = pl.program_id(0)
    i = pl.program_id(1)

    @pl.when(jnp.logical_and(p == 0, i == 0))
    def _():
        hist[...] = jnp.zeros((M, 1), jnp.float32)

    @pl.when(jnp.logical_and(p == 1, i == 0))
    def _():
        r = lax.broadcasted_iota(jnp.int32, (M, M), 0)
        c = lax.broadcasted_iota(jnp.int32, (M, M), 1)
        lo = (c < r).astype(jnp.float32)
        offs[...] = jnp.dot(lo, hist[...], preferred_element_type=jnp.float32)
        hist[...] = jnp.zeros((M, 1), jnp.float32)

    cat_rows = lax.broadcasted_iota(jnp.int32, (M, M), 0)
    ti = lax.broadcasted_iota(jnp.int32, (M, M), 0)
    tj = lax.broadcasted_iota(jnp.int32, (M, M), 1)
    upi = (ti <= tj).astype(jnp.float32)

    for s in range(TT // M):
        tkrow = tk_ref[0, s:s + 1, :]
        ohT = (jnp.broadcast_to(tkrow, (M, M)) == cat_rows).astype(jnp.float32)
        csum = jnp.sum(ohT, axis=1, keepdims=True)

        @pl.when(p == 0)
        def _():
            hist[...] = hist[...] + csum

        @pl.when(p == 1)
        def _():
            inclT = jnp.dot(ohT, upi, preferred_element_type=jnp.float32)
            exclT = inclT - ohT
            base = offs[...] + hist[...]
            ps = jnp.sum(ohT * (exclT + base), axis=0)
            pos_out[0, s, :] = ps.astype(jnp.int32)
            hist[...] = hist[...] + csum


def _make_sc_permute(d, scatter):
    info = plsc.get_sparse_core_info()
    nw = info.num_cores * info.num_subcores
    bpw = N // nw
    chunk = 224
    while bpw % chunk:
        chunk //= 2
    nch = bpw // chunk
    mesh = plsc.VectorSubcoreMesh(core_axis_name="c", subcore_axis_name="s")

    @functools.partial(
        pl.kernel, mesh=mesh,
        out_type=jax.ShapeDtypeStruct((N, d), jnp.float32),
        scratch_types=[
            pltpu.VMEM((chunk,), jnp.int32),
            pltpu.VMEM((chunk, d), jnp.float32),
            pltpu.SemaphoreType.DMA,
        ],
    )
    def k(src_hbm, pos_hbm, out_hbm, idx_v, rows_v, sem):
        wid = lax.axis_index("s") * info.num_cores + lax.axis_index("c")
        base = wid * bpw

        def body(j, carry):
            cb = base + j * chunk
            pltpu.sync_copy(pos_hbm.at[pl.ds(cb, chunk)], idx_v)
            if scatter:
                pltpu.sync_copy(src_hbm.at[pl.ds(cb, chunk)], rows_v)
                pltpu.async_copy(rows_v, out_hbm.at[idx_v], sem).wait()
            else:
                pltpu.async_copy(src_hbm.at[idx_v], rows_v, sem).wait()
                pltpu.sync_copy(rows_v, out_hbm.at[pl.ds(cb, chunk)])
            return carry

        lax.fori_loop(0, nch, body, 0)

    return k


def _d_body(shuf_ref, ls_ref, wp_ref, bp_ref, out_ref):
    blk = shuf_ref[...].reshape(GB, GS, 384)
    ls = ls_ref[0, 0]
    outs = []
    for h in range(HEADS):
        qh = blk[:, :, h * HD:(h + 1) * HD]
        kh = blk[:, :, C + h * HD:C + (h + 1) * HD]
        vh = blk[:, :, 2 * C + h * HD:2 * C + (h + 1) * HD]
        aw = lax.dot_general(qh, kh, (((2,), (2,)), ((0,), (0,))),
                             preferred_element_type=jnp.float32) * ls
        aw = aw - jnp.max(aw, -1, keepdims=True)
        aw = jnp.exp(aw)
        aw = aw / jnp.sum(aw, -1, keepdims=True)
        outs.append(lax.dot_general(aw, vh, (((2,), (1,)), ((0,), (0,))),
                                    preferred_element_type=jnp.float32))
    y = jnp.concatenate(outs, axis=2).reshape(GB * GS, C)
    yp = jnp.dot(y, wp_ref[...], preferred_element_type=jnp.float32) + bp_ref[...]
    out_ref[...] = jnp.concatenate([yp, jnp.zeros((GB * GS, M - C), jnp.float32)], axis=1)


def _f_body(xbp_ref, xbc_ref, xbn_ref, xap_ref, xac_ref, xan_ref,
            w1_ref, b1_ref, dw_ref, bdw_ref, w2_ref, b2_ref, out_ref):
    i = pl.program_id(0)
    xp = (xbp_ref[...] + xap_ref[:, :C]).reshape(TR, W, C)[TR - 2:TR]
    xc = (xbc_ref[...] + xac_ref[:, :C]).reshape(TR, W, C)
    xn_ = (xbn_ref[...] + xan_ref[:, :C]).reshape(TR, W, C)[0:2]
    xh = jnp.concatenate([xp, xc, xn_], axis=0)
    x2 = _ln(xh.reshape((TR + 4) * W, C), 1.0, 0.0)
    t = jnp.dot(x2, w1_ref[...], preferred_element_type=jnp.float32) + b1_ref[...]
    t = _gelu(t).reshape(TR + 4, W, HID)
    ri = lax.broadcasted_iota(jnp.int32, (TR + 4, 1, 1), 0)
    t = jnp.where(jnp.logical_and(i == 0, ri < 2), 0.0, t)
    t = jnp.where(jnp.logical_and(i == pl.num_programs(0) - 1, ri >= TR + 2), 0.0, t)
    zc = jnp.zeros((TR + 4, 2, HID), jnp.float32)
    tp = jnp.concatenate([zc, t, zc], axis=1)
    acc = jnp.zeros((TR, W, HID), jnp.float32)
    for dx in range(K):
        tdx = tp[:, dx:dx + W, :]
        for dy in range(K):
            acc = acc + tdx[dy:dy + TR] * dw_ref[dy * K + dx, :]
    dwv = _gelu(acc + bdw_ref[...])
    tt = (t[2:2 + TR] + dwv).reshape(TT, HID)
    y = jnp.dot(tt, w2_ref[...], preferred_element_type=jnp.float32) + b2_ref[...]
    out_ref[...] = xc.reshape(TT, C) + y


def _g_body(sim_ref, x_ref, td_ref, sg_ref, td_out, esum, wsum):
    i = pl.program_id(0)

    @pl.when(i == 0)
    def _():
        esum[...] = jnp.zeros((1, M), jnp.float32)
        wsum[...] = jnp.zeros((M, C), jnp.float32)

    e = jnp.exp(sim_ref[...])
    esum[...] = esum[...] + jnp.sum(e, axis=0, keepdims=True)
    wsum[...] = wsum[...] + lax.dot_general(
        e, x_ref[...], (((0,), (0,)), ((), ())),
        preferred_element_type=jnp.float32)

    @pl.when(i == pl.num_programs(0) - 1)
    def _():
        agg = wsum[...] / esum[...].reshape(M, 1)
        s = jax.nn.sigmoid(sg_ref[...])
        tdn = s * td_ref[...] + (1.0 - s) * agg
        td_out[...] = _ln(tdn, 1.0, 0.0)


def kernel(x, td, params, rpi):
    p = params
    f32 = jnp.float32
    xf = x.reshape(N, C)
    tdf = td.reshape(M, C)

    wk16 = jnp.zeros((C, RCP), f32).at[:, :RC].set(p['atd_wk_w'].T)
    bk16 = jnp.zeros((1, RCP), f32).at[0, :RC].set(p['atd_wk_b'])
    wq16 = jnp.zeros((C, RCP), f32).at[:, :RC].set(p['atd_wq_w'].T)
    bq16 = jnp.zeros((1, RCP), f32).at[0, :RC].set(p['atd_wq_b'])
    rpi32 = rpi.astype(jnp.int32).reshape(32, 128)
    rpb_tab = jnp.zeros((256, 8), f32).at[:(2 * WS - 1) ** 2, :HEADS].set(p['win_rpb'])

    knT, vtd, rpb8 = pl.pallas_call(
        _r_body,
        out_shape=[jax.ShapeDtypeStruct((RCP, M), f32),
                   jax.ShapeDtypeStruct((M, C), f32),
                   jax.ShapeDtypeStruct((8, WS * WS, WS * WS), f32)],
    )(tdf, wk16, bk16, p['atd_wv_w'].T, p['atd_wv_b'].reshape(1, C), rpi32, rpb_tab)
    rpb = rpb8[:HEADS]

    grid_a = (NT,)
    bs = lambda ch: pl.BlockSpec((TT, ch), lambda i: (i, 0))
    full = lambda shp: pl.BlockSpec(shp, lambda i: tuple(0 for _ in shp))
    qkv, sim, tk3d, x_base = pl.pallas_call(
        _a_full_body,
        grid=grid_a,
        in_specs=[bs(C), full((C, 3 * C)), full((1, 3 * C)), full((C, RCP)),
                  full((1, RCP)), full((1, M)), full((RCP, M)), full((M, C)),
                  full((HEADS, WS * WS, WS * WS)), full((C, C)), full((1, C))],
        out_specs=[bs(384), bs(M), pl.BlockSpec((1, TT // M, M), lambda i: (i, 0, 0)),
                   bs(C)],
        out_shape=[jax.ShapeDtypeStruct((N, 384), f32),
                   jax.ShapeDtypeStruct((N, M), f32),
                   jax.ShapeDtypeStruct((NT, TT // M, M), jnp.int32),
                   jax.ShapeDtypeStruct((N, C), f32)],
    )(xf, p['wqkv_w'].T, p['wqkv_b'].reshape(1, 3 * C), wq16, bq16,
      p['atd_scale'].reshape(1, M), knT, vtd, rpb,
      p['win_proj_w'].T, p['win_proj_b'].reshape(1, C))

    pos3d = pl.pallas_call(
        _b_body,
        grid=(2, NT),
        in_specs=[pl.BlockSpec((1, TT // M, M), lambda pp, i: (i, 0, 0))],
        out_specs=pl.BlockSpec((1, TT // M, M), lambda pp, i: (i, 0, 0)),
        out_shape=jax.ShapeDtypeStruct((NT, TT // M, M), jnp.int32),
        scratch_shapes=[pltpu.VMEM((M, 1), f32), pltpu.VMEM((M, 1), f32)],
    )(tk3d)
    pos = pos3d.reshape(N)

    shuf = _make_sc_permute(384, True)(qkv, pos)

    ls = jnp.exp(jnp.minimum(p['aca_logit_scale'], jnp.log(1.0 / 0.01))).reshape(1, 1)
    y2 = pl.pallas_call(
        _d_body,
        grid=(NG // GB,),
        in_specs=[pl.BlockSpec((GB * GS, 384), lambda i: (i, 0)),
                  pl.BlockSpec((1, 1), lambda i: (0, 0)),
                  pl.BlockSpec((C, C), lambda i: (0, 0)),
                  pl.BlockSpec((1, C), lambda i: (0, 0))],
        out_specs=pl.BlockSpec((GB * GS, M), lambda i: (i, 0)),
        out_shape=jax.ShapeDtypeStruct((N, M), f32),
    )(shuf, ls, p['aca_proj_w'].T, p['aca_proj_b'].reshape(1, C))

    x_aca = _make_sc_permute(M, False)(y2, pos)

    dw25 = p['dw_w'].reshape(HID, K * K).T
    clamp = lambda j: jnp.clip(j, 0, NT - 1)
    x_fin = pl.pallas_call(
        _f_body,
        grid=(NT,),
        in_specs=[pl.BlockSpec((TT, C), lambda i: (clamp(i - 1), 0)),
                  pl.BlockSpec((TT, C), lambda i: (i, 0)),
                  pl.BlockSpec((TT, C), lambda i: (clamp(i + 1), 0)),
                  pl.BlockSpec((TT, M), lambda i: (clamp(i - 1), 0)),
                  pl.BlockSpec((TT, M), lambda i: (i, 0)),
                  pl.BlockSpec((TT, M), lambda i: (clamp(i + 1), 0)),
                  pl.BlockSpec((C, HID), lambda i: (0, 0)),
                  pl.BlockSpec((1, HID), lambda i: (0, 0)),
                  pl.BlockSpec((K * K, HID), lambda i: (0, 0)),
                  pl.BlockSpec((1, HID), lambda i: (0, 0)),
                  pl.BlockSpec((HID, C), lambda i: (0, 0)),
                  pl.BlockSpec((1, C), lambda i: (0, 0))],
        out_specs=pl.BlockSpec((TT, C), lambda i: (i, 0)),
        out_shape=jax.ShapeDtypeStruct((N, C), f32),
    )(x_base, x_base, x_base, x_aca, x_aca, x_aca,
      p['fc1_w'].T, p['fc1_b'].reshape(1, HID), dw25,
      p['dw_b'].reshape(1, HID), p['fc2_w'].T, p['fc2_b'].reshape(1, C))

    td_new = pl.pallas_call(
        _g_body,
        grid=(NT,),
        in_specs=[pl.BlockSpec((TT, M), lambda i: (i, 0)),
                  pl.BlockSpec((TT, C), lambda i: (i, 0)),
                  pl.BlockSpec((M, C), lambda i: (0, 0)),
                  pl.BlockSpec((M, 1), lambda i: (0, 0))],
        out_specs=pl.BlockSpec((M, C), lambda i: (0, 0)),
        out_shape=jax.ShapeDtypeStruct((M, C), f32),
        scratch_shapes=[pltpu.VMEM((1, M), f32), pltpu.VMEM((M, C), f32)],
    )(sim, x_fin, tdf, p['sigma'])

    return x_fin.reshape(1, N, C), td_new.reshape(1, M, C)


def _a_full_body(x_ref, wqkv_ref, bqkv_ref, wq_ref, bq_ref, scale_ref,
                 knT_ref, vtd_ref, rpb_ref, wp_ref, bp_ref,
                 qkv_out, sim_out, tk_out, xb_out):
    x = x_ref[...]
    xn = _ln(x, 1.0, 0.0)
    qkv = jnp.dot(xn, wqkv_ref[...], preferred_element_type=jnp.float32) + bqkv_ref[...]
    qkv_out[...] = jnp.concatenate([qkv, jnp.zeros((TT, 384 - 3 * C), jnp.float32)], axis=1)
    q = jnp.dot(xn, wq_ref[...], preferred_element_type=jnp.float32) + bq_ref[...]
    qn = q / jnp.maximum(jnp.sqrt(jnp.sum(q * q, -1, keepdims=True)), 1e-12)
    att = jnp.dot(qn, knT_ref[...], preferred_element_type=jnp.float32)
    att = att * (1.0 + jnp.clip(scale_ref[...], 0.0, 1.0) * LOGM)
    amax = jnp.max(att, -1, keepdims=True)
    iot = lax.broadcasted_iota(jnp.int32, (TT, M), 1)
    ids = jnp.min(jnp.where(att >= amax, iot, M), axis=-1)
    tk_out[0] = ids.reshape(TT // M, M)
    e = jnp.exp(att - amax)
    sim = e / jnp.sum(e, -1, keepdims=True)
    sim_out[...] = sim
    x_atd = jnp.dot(sim, vtd_ref[...], preferred_element_type=jnp.float32)
    wtok = qkv.reshape(TR, NWIN, WS, 3 * C).transpose(1, 0, 2, 3) \
              .reshape(NWIN, WS * WS, 3 * C)
    outs = []
    for h in range(HEADS):
        qh = wtok[:, :, h * HD:(h + 1) * HD] * (HD ** -0.5)
        kh = wtok[:, :, C + h * HD:C + (h + 1) * HD]
        vh = wtok[:, :, 2 * C + h * HD:2 * C + (h + 1) * HD]
        aw = lax.dot_general(qh, kh, (((2,), (2,)), ((0,), (0,))),
                             preferred_element_type=jnp.float32)
        aw = aw + rpb_ref[h][None]
        aw = aw - jnp.max(aw, -1, keepdims=True)
        aw = jnp.exp(aw)
        aw = aw / jnp.sum(aw, -1, keepdims=True)
        outs.append(lax.dot_general(aw, vh, (((2,), (1,)), ((0,), (0,))),
                                    preferred_element_type=jnp.float32))
    wo = jnp.concatenate(outs, axis=2).reshape(NWIN * WS * WS, C)
    wo = jnp.dot(wo, wp_ref[...], preferred_element_type=jnp.float32) + bp_ref[...]
    x_win = wo.reshape(NWIN, TR, WS, C).transpose(1, 0, 2, 3).reshape(TT, C)
    xb_out[...] = x + x_atd + x_win

# --- scband reference (transcript-rebuilt; emitter-appended) ---
"""Pipeline reference for scband-atdtransformer-layer-63385127354519 (READ-ONLY COPY).

The authoritative reference and input builder live on the scoring server;
editing this copy changes nothing except your own understanding.
"""

import jax, jax.numpy as jnp
import numpy as np
from jax import lax

B = 1; H = 224; W = 224; N = H * W; C = 96; HEADS = 6; HD = C // HEADS
WS = 8; M = 128; RC = 10; GS = 128; HID = 192; K = 5


def setup_inputs(seed: int = 0) -> dict:
    key = jax.random.key(seed)
    ks = jax.random.split(key, 16)
    def nrm(k, shp, s=0.02):
        return jax.random.normal(k, shp, dtype=jnp.float32) * s
    params = {
        'norm1_w': jnp.ones((C,), jnp.float32), 'norm1_b': jnp.zeros((C,), jnp.float32),
        'norm2_w': jnp.ones((C,), jnp.float32), 'norm2_b': jnp.zeros((C,), jnp.float32),
        'norm3_w': jnp.ones((C,), jnp.float32), 'norm3_b': jnp.zeros((C,), jnp.float32),
        'wqkv_w': nrm(ks[0], (3 * C, C)), 'wqkv_b': jnp.zeros((3 * C,), jnp.float32),
        'atd_wq_w': nrm(ks[1], (RC, C)), 'atd_wq_b': jnp.zeros((RC,), jnp.float32),
        'atd_wk_w': nrm(ks[2], (RC, C)), 'atd_wk_b': jnp.zeros((RC,), jnp.float32),
        'atd_wv_w': nrm(ks[3], (C, C)), 'atd_wv_b': jnp.zeros((C,), jnp.float32),
        'atd_scale': 0.5 * jnp.ones((M,), jnp.float32),
        'aca_proj_w': nrm(ks[4], (C, C)), 'aca_proj_b': jnp.zeros((C,), jnp.float32),
        'aca_logit_scale': jnp.log(10.0) * jnp.ones((1, 1), jnp.float32),
        'win_rpb': nrm(ks[5], ((2 * WS - 1) ** 2, HEADS)),
        'win_proj_w': nrm(ks[6], (C, C)), 'win_proj_b': jnp.zeros((C,), jnp.float32),
        'fc1_w': nrm(ks[7], (HID, C)), 'fc1_b': jnp.zeros((HID,), jnp.float32),
        'dw_w': nrm(ks[8], (HID, 1, K, K)), 'dw_b': jnp.zeros((HID,), jnp.float32),
        'fc2_w': nrm(ks[9], (C, HID)), 'fc2_b': jnp.zeros((C,), jnp.float32),
        'sigma': jnp.zeros((M, 1), jnp.float32),
    }
    x = jax.random.normal(ks[10], (B, N, C), dtype=jnp.float32)
    td = jax.random.normal(ks[11], (B, M, C), dtype=jnp.float32)
    rpi = jax.random.randint(ks[12], (WS * WS, WS * WS), 0, (2 * WS - 1) ** 2)
    return {'x': x, 'td': td, 'params': params, 'rpi': rpi}


def _layer_norm(x, w, b):
    mu = jnp.mean(x, -1, keepdims=True)
    var = jnp.var(x, -1, keepdims=True)
    return (x - mu) / jnp.sqrt(var + 1e-5) * w + b


def _forward(x, td, p, rpi):
    b, n, c = x.shape
    shortcut = x
    xn = _layer_norm(x, p['norm1_w'], p['norm1_b'])
    qkv = xn @ p['wqkv_w'].T + p['wqkv_b']

    # ---- ATD_CA: cross attention with token dictionary ----
    q = xn @ p['atd_wq_w'].T + p['atd_wq_b']
    k = td @ p['atd_wk_w'].T + p['atd_wk_b']
    v = td @ p['atd_wv_w'].T + p['atd_wv_b']
    qn = q / jnp.maximum(jnp.linalg.norm(q, axis=-1, keepdims=True), 1e-12)
    kn = k / jnp.maximum(jnp.linalg.norm(k, axis=-1, keepdims=True), 1e-12)
    attn = jnp.einsum('bnr,bmr->bnm', qn, kn)
    scale = jnp.clip(p['atd_scale'], 0.0, 1.0)
    attn = attn * (1.0 + scale * float(np.log(M)))
    sim = jax.nn.softmax(attn, axis=-1)
    x_atd = jnp.einsum('bnm,bmc->bnc', sim, v)

    # ---- AC_MSA: category-sorted sparse attention ----
    gs = min(n, GS); ng = (n + gs - 1) // gs; pad_n = ng * gs - n
    tk_id = jnp.argmax(sim, axis=-1)
    sort_idx = jnp.argsort(tk_id, axis=-1)
    ar = jnp.broadcast_to(jnp.arange(n)[None, :], (b, n))
    inv_idx = jnp.zeros_like(sort_idx).at[jnp.arange(b)[:, None], sort_idx].set(ar)
    shuf = jnp.take_along_axis(qkv, sort_idx[..., None], axis=1)
    pad = jnp.flip(shuf[:, n - pad_n:n, :], axis=1)
    padded = jnp.concatenate([shuf, pad], axis=1)
    y = padded.reshape(b, ng, gs, 3, HEADS, c // HEADS).transpose(3, 0, 1, 4, 2, 5)
    q2, k2, v2 = y[0], y[1], y[2]
    attn2 = jnp.einsum('bghnd,bghmd->bghnm', q2, k2)
    ls = jnp.exp(jnp.minimum(p['aca_logit_scale'], jnp.log(1.0 / 0.01)))
    attn2 = jax.nn.softmax(attn2 * ls, axis=-1)
    y2 = jnp.einsum('bghnm,bghmd->bghnd', attn2, v2).transpose(0, 1, 3, 2, 4).reshape(b, n + pad_n, c)[:, :n, :]
    x_aca = jnp.take_along_axis(y2, inv_idx[..., None], axis=1)
    x_aca = x_aca @ p['aca_proj_w'].T + p['aca_proj_b']

    # ---- window attention (shift_size = 0) ----
    qkv_img = qkv.reshape(b, H, W, 3 * c)
    xw = qkv_img.reshape(b, H // WS, WS, W // WS, WS, 3 * c).transpose(0, 1, 3, 2, 4, 5).reshape(-1, WS * WS, 3 * c)
    b_ = xw.shape[0]; nn_ = WS * WS
    qkv3 = xw.reshape(b_, nn_, 3, HEADS, c // HEADS).transpose(2, 0, 3, 1, 4)
    qw, kw, vw = qkv3[0], qkv3[1], qkv3[2]
    qw = qw * ((c // HEADS) ** -0.5)
    aw = jnp.einsum('bhnd,bhmd->bhnm', qw, kw)
    rpb = p['win_rpb'][rpi.reshape(-1)].reshape(nn_, nn_, HEADS).transpose(2, 0, 1)
    aw = jax.nn.softmax(aw + rpb[None], axis=-1)
    xw_out = jnp.einsum('bhnm,bhmd->bhnd', aw, vw).transpose(0, 2, 1, 3).reshape(b_, nn_, c)
    xw_out = xw_out @ p['win_proj_w'].T + p['win_proj_b']
    x_win = xw_out.reshape(b, H // WS, W // WS, WS, WS, c).transpose(0, 1, 3, 2, 4, 5).reshape(b, n, c)

    x = shortcut + x_win + x_atd + x_aca

    # ---- ConvFFN ----
    x2 = _layer_norm(x, p['norm2_w'], p['norm2_b'])
    t = x2 @ p['fc1_w'].T + p['fc1_b']
    t = jax.nn.gelu(t, approximate=False)
    timg = t.transpose(0, 2, 1).reshape(b, HID, H, W)
    dw = lax.conv_general_dilated(timg, p['dw_w'], window_strides=(1, 1), padding=((2, 2), (2, 2)), feature_group_count=HID, dimension_numbers=('NCHW', 'OIHW', 'NCHW'))
    dw = jax.nn.gelu(dw + p['dw_b'][None, :, None, None], approximate=False)
    dw = dw.reshape(b, HID, n).transpose(0, 2, 1)
    t = t + dw
    t = t @ p['fc2_w'].T + p['fc2_b']
    x = x + t

    # ---- adaptive token refinement (is_last=False) ----
    s = jax.nn.sigmoid(p['sigma'])
    mask_soft = jax.nn.softmax(jnp.swapaxes(sim, -1, -2), axis=-1)
    td_new = s * td + (1.0 - s) * jnp.einsum('bmn,bnc->bmc', mask_soft, x)
    td_new = _layer_norm(td_new, p['norm3_w'], p['norm3_b'])
    return x, td_new


def reference(x, td, params, rpi):
    return _forward(x, td, params, rpi)

if __name__ == "__main__":
    import jax
    _d = setup_inputs()
    print(jax.jit(kernel)(*tuple(_d.values())))

</pallas_src>

<mosaic_0001>
#map = affine_map<(d0, d1) -> (0, 0)>
#map1 = affine_map<(d0, d1) -> (0)>
module attributes {stable_mosaic.version = 14 : i64} {
  func.func @k(%arg0: i32, %arg1: i32, %arg2: memref<50176x384xf32, #tpu.memory_space<hbm>>, %arg3: memref<50176xi32, #tpu.memory_space<hbm>>, %arg4: memref<50176x384xf32, #tpu.memory_space<hbm>>, %arg5: memref<224xi32, #tpu.memory_space<vmem>>, %arg6: memref<224x384xf32, #tpu.memory_space<vmem>>, %arg7: memref<!tpu.dma_semaphore, #tpu.memory_space<semaphore_mem>>) attributes {dimension_semantics = [#tpu.dimension_semantics<core_parallel>, #tpu.dimension_semantics<subcore_parallel>], iteration_bounds = array<i64: 2, 16>, scalar_prefetch = 0 : i64, scratch_operands = 3 : i64, tpu.core_type = #tpu.core_type<sc_vector_subcore>, window_params = [{transform_indices = #map}, {transform_indices = #map1}, {transform_indices = #map}]} {
    %mul3A = arith.constant 2 : i32
    %mul3A_0 = arith.muli %arg1, %mul3A : i32
    %add3A = arith.addi %mul3A_0, %arg0 : i32
    %mul3A_1 = arith.constant 1568 : i32
    %mul3A_2 = arith.muli %add3A, %mul3A_1 : i32
    %scan3A = arith.constant 0 : i32
    %scan3A_3 = arith.constant 0 : i32
    %scan3A_4 = arith.constant 7 : i32
    %scan3A_5 = arith.addi %scan3A_3, %scan3A_4 : i32
    %scan3A_6 = arith.constant 1 : i32
    scf.for %scan3A_8 = %scan3A_3 to %scan3A_5 step %scan3A_6  : i32 {
      %mul3A_9 = arith.constant 224 : i32
      %mul3A_10 = arith.muli %scan3A_8, %mul3A_9 : i32
      %add3A_11 = arith.addi %mul3A_2, %mul3A_10 : i32
      "tpu.region"() ({
        %run_scoped3A = tpu.sem_alloc : memref<!tpu.dma_semaphore, #tpu.memory_space<semaphore_mem>>
        %dma_start3A_16 = tpu.memref_slice %arg3[%add3A_11] : memref<50176xi32, #tpu.memory_space<hbm>> -> memref<224xi32, #tpu.memory_space<hbm>>
        %dma_start3A_17 = tpu.memref_slice %arg3[%add3A_11] : memref<50176xi32, #tpu.memory_space<hbm>> -> memref<224xi32, #tpu.memory_space<hbm>>
        tpu.enqueue_dma source(%dma_start3A_17 : memref<224xi32, #tpu.memory_space<hbm>>) target(%arg5 : memref<224xi32, #tpu.memory_space<vmem>>) target_semaphore(%run_scoped3A : memref<!tpu.dma_semaphore, #tpu.memory_space<semaphore_mem>>)
        %dma_wait3A_18 = tpu.memref_slice %arg3[%add3A_11] : memref<50176xi32, #tpu.memory_space<hbm>> -> memref<224xi32, #tpu.memory_space<hbm>>
        %dma_wait3A_19 = tpu.memref_slice %arg3[%add3A_11] : memref<50176xi32, #tpu.memory_space<hbm>> -> memref<224xi32, #tpu.memory_space<hbm>>
        tpu.wait_dma2 semaphore(%run_scoped3A : memref<!tpu.dma_semaphore, #tpu.memory_space<semaphore_mem>>) src(%dma_wait3A_19 : memref<224xi32, #tpu.memory_space<hbm>>) dst(%arg5 : memref<224xi32, #tpu.memory_space<vmem>>)
        tpu.yield
      }) : () -> ()
      "tpu.region"() ({
        %run_scoped3A = tpu.sem_alloc : memref<!tpu.dma_semaphore, #tpu.memory_space<semaphore_mem>>
        %dma_start3A_16 = arith.constant 0 : i32
        %dma_start3A_17 = tpu.memref_slice %arg2[%add3A_11, %dma_start3A_16] : memref<50176x384xf32, #tpu.memory_space<hbm>> -> memref<224x384xf32, #tpu.memory_space<hbm>>
        %dma_start3A_18 = arith.constant 0 : i32
        %dma_start3A_19 = tpu.memref_slice %arg2[%add3A_11, %dma_start3A_18] : memref<50176x384xf32, #tpu.memory_space<hbm>> -> memref<224x384xf32, #tpu.memory_space<hbm>>
        tpu.enqueue_dma source(%dma_start3A_19 : memref<224x384xf32, #tpu.memory_space<hbm>>) target(%arg6 : memref<224x384xf32, #tpu.memory_space<vmem>>) target_semaphore(%run_scoped3A : memref<!tpu.dma_semaphore, #tpu.memory_space<semaphore_mem>>)
        %dma_wait3A_20 = arith.constant 0 : i32
        %dma_wait3A_21 = tpu.memref_slice %arg2[%add3A_11, %dma_wait3A_20] : memref<50176x384xf32, #tpu.memory_space<hbm>> -> memref<224x384xf32, #tpu.memory_space<hbm>>
        %dma_wait3A_22 = arith.constant 0 : i32
        %dma_wait3A_23 = tpu.memref_slice %arg2[%add3A_11, %dma_wait3A_22] : memref<50176x384xf32, #tpu.memory_space<hbm>> -> memref<224x384xf32, #tpu.memory_space<hbm>>
        tpu.wait_dma2 semaphore(%run_scoped3A : memref<!tpu.dma_semaphore, #tpu.memory_space<semaphore_mem>>) src(%dma_wait3A_23 : memref<224x384xf32, #tpu.memory_space<hbm>>) dst(%arg6 : memref<224x384xf32, #tpu.memory_space<vmem>>)
        tpu.yield
      }) : () -> ()
      %dma_start3A = arith.constant 0 : i32
      %dma_start3A_12 = arith.constant 0 : i32
      %dma_start3A_13 = tpu.memref_slice %arg4[%dma_start3A, %dma_start3A_12] : memref<50176x384xf32, #tpu.memory_space<hbm>> -> memref<50176x384xf32, #tpu.memory_space<hbm>>
      tpu.enqueue_indirect_dma source(%arg6 : memref<224x384xf32, #tpu.memory_space<vmem>>) target(%dma_start3A_13 : memref<50176x384xf32, #tpu.memory_space<hbm>>) offsets(%arg5 : memref<224xi32, #tpu.memory_space<vmem>>) semaphore(%arg7 : memref<!tpu.dma_semaphore, #tpu.memory_space<semaphore_mem>>)
      %dma_wait3A = arith.constant 0 : i32
      %dma_wait3A_14 = arith.constant 0 : i32
      %dma_wait3A_15 = tpu.memref_slice %arg4[%dma_wait3A, %dma_wait3A_14] : memref<50176x384xf32, #tpu.memory_space<hbm>> -> memref<50176x384xf32, #tpu.memory_space<hbm>>
      tpu.wait_indirect_dma semaphore(%arg7 : memref<!tpu.dma_semaphore, #tpu.memory_space<semaphore_mem>>) src(%arg6 : memref<224x384xf32, #tpu.memory_space<vmem>>) dst(%dma_wait3A_15 : memref<50176x384xf32, #tpu.memory_space<hbm>>)
    }
    %scan3A_7 = arith.constant 7 : i32
    return
  }
}

#map = affine_map<(d0, d1) -> (0, 0)>
#map1 = affine_map<(d0, d1) -> (0)>
module attributes {stable_mosaic.version = 14 : i64} {
  func.func @k(%arg0: i32, %arg1: i32, %arg2: memref<50176x128xf32, #tpu.memory_space<hbm>>, %arg3: memref<50176xi32, #tpu.memory_space<hbm>>, %arg4: memref<50176x128xf32, #tpu.memory_space<hbm>>, %arg5: memref<224xi32, #tpu.memory_space<vmem>>, %arg6: memref<224x128xf32, #tpu.memory_space<vmem>>, %arg7: memref<!tpu.dma_semaphore, #tpu.memory_space<semaphore_mem>>) attributes {dimension_semantics = [#tpu.dimension_semantics<core_parallel>, #tpu.dimension_semantics<subcore_parallel>], iteration_bounds = array<i64: 2, 16>, scalar_prefetch = 0 : i64, scratch_operands = 3 : i64, tpu.core_type = #tpu.core_type<sc_vector_subcore>, window_params = [{transform_indices = #map}, {transform_indices = #map1}, {transform_indices = #map}]} {
    %mul3A = arith.constant 2 : i32
    %mul3A_0 = arith.muli %arg1, %mul3A : i32
    %add3A = arith.addi %mul3A_0, %arg0 : i32
    %mul3A_1 = arith.constant 1568 : i32
    %mul3A_2 = arith.muli %add3A, %mul3A_1 : i32
    %scan3A = arith.constant 0 : i32
    %scan3A_3 = arith.constant 0 : i32
    %scan3A_4 = arith.constant 7 : i32
    %scan3A_5 = arith.addi %scan3A_3, %scan3A_4 : i32
    %scan3A_6 = arith.constant 1 : i32
    scf.for %scan3A_8 = %scan3A_3 to %scan3A_5 step %scan3A_6  : i32 {
      %mul3A_9 = arith.constant 224 : i32
      %mul3A_10 = arith.muli %scan3A_8, %mul3A_9 : i32
      %add3A_11 = arith.addi %mul3A_2, %mul3A_10 : i32
      "tpu.region"() ({
        %run_scoped3A = tpu.sem_alloc : memref<!tpu.dma_semaphore, #tpu.memory_space<semaphore_mem>>
        %dma_start3A_16 = tpu.memref_slice %arg3[%add3A_11] : memref<50176xi32, #tpu.memory_space<hbm>> -> memref<224xi32, #tpu.memory_space<hbm>>
        %dma_start3A_17 = tpu.memref_slice %arg3[%add3A_11] : memref<50176xi32, #tpu.memory_space<hbm>> -> memref<224xi32, #tpu.memory_space<hbm>>
        tpu.enqueue_dma source(%dma_start3A_17 : memref<224xi32, #tpu.memory_space<hbm>>) target(%arg5 : memref<224xi32, #tpu.memory_space<vmem>>) target_semaphore(%run_scoped3A : memref<!tpu.dma_semaphore, #tpu.memory_space<semaphore_mem>>)
        %dma_wait3A_18 = tpu.memref_slice %arg3[%add3A_11] : memref<50176xi32, #tpu.memory_space<hbm>> -> memref<224xi32, #tpu.memory_space<hbm>>
        %dma_wait3A_19 = tpu.memref_slice %arg3[%add3A_11] : memref<50176xi32, #tpu.memory_space<hbm>> -> memref<224xi32, #tpu.memory_space<hbm>>
        tpu.wait_dma2 semaphore(%run_scoped3A : memref<!tpu.dma_semaphore, #tpu.memory_space<semaphore_mem>>) src(%dma_wait3A_19 : memref<224xi32, #tpu.memory_space<hbm>>) dst(%arg5 : memref<224xi32, #tpu.memory_space<vmem>>)
        tpu.yield
      }) : () -> ()
      %dma_start3A = arith.constant 0 : i32
      %dma_start3A_12 = arith.constant 0 : i32
      %dma_start3A_13 = tpu.memref_slice %arg2[%dma_start3A, %dma_start3A_12] : memref<50176x128xf32, #tpu.memory_space<hbm>> -> memref<50176x128xf32, #tpu.memory_space<hbm>>
      tpu.enqueue_indirect_dma source(%dma_start3A_13 : memref<50176x128xf32, #tpu.memory_space<hbm>>) target(%arg6 : memref<224x128xf32, #tpu.memory_space<vmem>>) offsets(%arg5 : memref<224xi32, #tpu.memory_space<vmem>>) semaphore(%arg7 : memref<!tpu.dma_semaphore, #tpu.memory_space<semaphore_mem>>)
      %dma_wait3A = arith.constant 0 : i32
      %dma_wait3A_14 = arith.constant 0 : i32
      %dma_wait3A_15 = tpu.memref_slice %arg2[%dma_wait3A, %dma_wait3A_14] : memref<50176x128xf32, #tpu.memory_space<hbm>> -> memref<50176x128xf32, #tpu.memory_space<hbm>>
      tpu.wait_indirect_dma semaphore(%arg7 : memref<!tpu.dma_semaphore, #tpu.memory_space<semaphore_mem>>) src(%dma_wait3A_15 : memref<50176x128xf32, #tpu.memory_space<hbm>>) dst(%arg6 : memref<224x128xf32, #tpu.memory_space<vmem>>)
      "tpu.region"() ({
        %run_scoped3A = tpu.sem_alloc : memref<!tpu.dma_semaphore, #tpu.memory_space<semaphore_mem>>
        %dma_start3A_16 = arith.constant 0 : i32
        %dma_start3A_17 = tpu.memref_slice %arg4[%add3A_11, %dma_start3A_16] : memref<50176x128xf32, #tpu.memory_space<hbm>> -> memref<224x128xf32, #tpu.memory_space<hbm>>
        %dma_start3A_18 = arith.constant 0 : i32
        %dma_start3A_19 = tpu.memref_slice %arg4[%add3A_11, %dma_start3A_18] : memref<50176x128xf32, #tpu.memory_space<hbm>> -> memref<224x128xf32, #tpu.memory_space<hbm>>
        tpu.enqueue_dma source(%arg6 : memref<224x128xf32, #tpu.memory_space<vmem>>) target(%dma_start3A_19 : memref<224x128xf32, #tpu.memory_space<hbm>>) target_semaphore(%run_scoped3A : memref<!tpu.dma_semaphore, #tpu.memory_space<semaphore_mem>>)
        %dma_wait3A_20 = arith.constant 0 : i32
        %dma_wait3A_21 = tpu.memref_slice %arg4[%add3A_11, %dma_wait3A_20] : memref<50176x128xf32, #tpu.memory_space<hbm>> -> memref<224x128xf32, #tpu.memory_space<hbm>>
        %dma_wait3A_22 = arith.constant 0 : i32
        %dma_wait3A_23 = tpu.memref_slice %arg4[%add3A_11, %dma_wait3A_22] : memref<50176x128xf32, #tpu.memory_space<hbm>> -> memref<224x128xf32, #tpu.memory_space<hbm>>
        tpu.wait_dma2 semaphore(%run_scoped3A : memref<!tpu.dma_semaphore, #tpu.memory_space<semaphore_mem>>) src(%arg6 : memref<224x128xf32, #tpu.memory_space<vmem>>) dst(%dma_wait3A_23 : memref<224x128xf32, #tpu.memory_space<hbm>>)
        tpu.yield
      }) : () -> ()
    }
    %scan3A_7 = arith.constant 7 : i32
    return
  }
}

module attributes {stable_mosaic.version = 14 : i64} {
  func.func @_a_full_body(%arg0: i32, %arg1: memref<1792x96xf32, #tpu.memory_space<vmem>>, %arg2: memref<96x288xf32, #tpu.memory_space<vmem>>, %arg3: memref<1x288xf32, #tpu.memory_space<vmem>>, %arg4: memref<96x16xf32, #tpu.memory_space<vmem>>, %arg5: memref<1x16xf32, #tpu.memory_space<vmem>>, %arg6: memref<1x128xf32, #tpu.memory_space<vmem>>, %arg7: memref<16x128xf32, #tpu.memory_space<vmem>>, %arg8: memref<128x96xf32, #tpu.memory_space<vmem>>, %arg9: memref<6x64x64xf32, #tpu.memory_space<vmem>>, %arg10: memref<96x96xf32, #tpu.memory_space<vmem>>, %arg11: memref<1x96xf32, #tpu.memory_space<vmem>>, %arg12: memref<1792x384xf32, #tpu.memory_space<vmem>>, %arg13: memref<1792x128xf32, #tpu.memory_space<vmem>>, %arg14: memref<1x14x128xi32, #tpu.memory_space<vmem>>, %arg15: memref<1792x96xf32, #tpu.memory_space<vmem>>) attributes {dimension_semantics = [#tpu.dimension_semantics<arbitrary>], iteration_bounds = array<i64: 28>, scalar_prefetch = 0 : i64, scratch_operands = 0 : i64, tpu.core_type = #tpu.core_type<tc>, window_params = [{transform_indices = @transform_0, window_bounds = array<i64: 1792, 96>}, {pipeline_mode = #tpu.pipeline_mode<synchronous>, transform_indices = @transform_1, window_bounds = array<i64: 96, 288>}, {pipeline_mode = #tpu.pipeline_mode<synchronous>, transform_indices = @transform_2, window_bounds = array<i64: 1, 288>}, {pipeline_mode = #tpu.pipeline_mode<synchronous>, transform_indices = @transform_3, window_bounds = array<i64: 96, 16>}, {pipeline_mode = #tpu.pipeline_mode<synchronous>, transform_indices = @transform_4, window_bounds = array<i64: 1, 16>}, {pipeline_mode = #tpu.pipeline_mode<synchronous>, transform_indices = @transform_5, window_bounds = array<i64: 1, 128>}, {pipeline_mode = #tpu.pipeline_mode<synchronous>, transform_indices = @transform_6, window_bounds = array<i64: 16, 128>}, {pipeline_mode = #tpu.pipeline_mode<synchronous>, transform_indices = @transform_7, window_bounds = array<i64: 128, 96>}, {pipeline_mode = #tpu.pipeline_mode<synchronous>, transform_indices = @transform_8, window_bounds = array<i64: 6, 64, 64>}, {pipeline_mode = #tpu.pipeline_mode<synchronous>, transform_indices = @transform_9, window_bounds = array<i64: 96, 96>}, {pipeline_mode = #tpu.pipeline_mode<synchronous>, transform_indices = @transform_10, window_bounds = array<i64: 1, 96>}, {transform_indices = @transform_11, window_bounds = array<i64: 1792, 384>}, {transform_indices = @transform_12, window_bounds = array<i64: 1792, 128>}, {transform_indices = @transform_13, window_bounds = array<i64: 1, 14, 128>}, {transform_indices = @transform_14, window_bounds = array<i64: 1792, 96>}]} {
    %get3A = arith.constant 0 : index
    %get3A_0 = arith.constant 0 : index
    %get3A_1 = vector.load %arg1[%get3A, %get3A_0] : memref<1792x96xf32, #tpu.memory_space<vmem>>, vector<1792x96xf32>
    %reduce_sum3A = arith.constant dense<0.000000e+00> : vector<1792xf32>
    %reduce_sum3A_2 = vector.multi_reduction <add>, %get3A_1, %reduce_sum3A [1] : vector<1792x96xf32> to vector<1792xf32>
    %broadcast_in_dim3A = vector.shape_cast %reduce_sum3A_2 : vector<1792xf32> to vector<1792x1xf32>
    %div3A = arith.constant 9.600000e+01 : f32
    %div3A_3 = vector.broadcast %div3A : f32 to vector<1792x1xf32>
    %div3A_4 = arith.divf %broadcast_in_dim3A, %div3A_3 : vector<1792x1xf32>
    %sub3A = vector.broadcast %div3A_4 : vector<1792x1xf32> to vector<1792x96xf32>
    %sub3A_5 = arith.subf %get3A_1, %sub3A : vector<1792x96xf32>
    %sub3A_6 = vector.broadcast %div3A_4 : vector<1792x1xf32> to vector<1792x96xf32>
    %sub3A_7 = arith.subf %get3A_1, %sub3A_6 : vector<1792x96xf32>
    %mul3A = arith.mulf %sub3A_5, %sub3A_7 : vector<1792x96xf32>
    %reduce_sum3A_8 = arith.constant dense<0.000000e+00> : vector<1792xf32>
    %reduce_sum3A_9 = vector.multi_reduction <add>, %mul3A, %reduce_sum3A_8 [1] : vector<1792x96xf32> to vector<1792xf32>
    %broadcast_in_dim3A_10 = vector.shape_cast %reduce_sum3A_9 : vector<1792xf32> to vector<1792x1xf32>
    %div3A_11 = arith.constant 9.600000e+01 : f32
    %div3A_12 = vector.broadcast %div3A_11 : f32 to vector<1792x1xf32>
    %div3A_13 = arith.divf %broadcast_in_dim3A_10, %div3A_12 : vector<1792x1xf32>
    %sub3A_14 = vector.broadcast %div3A_4 : vector<1792x1xf32> to vector<1792x96xf32>
    %sub3A_15 = arith.subf %get3A_1, %sub3A_14 : vector<1792x96xf32>
    %add3A = arith.constant 9.99999974E-6 : f32
    %add3A_16 = vector.broadcast %add3A : f32 to vector<1792x1xf32>
    %add3A_17 = arith.addf %div3A_13, %add3A_16 : vector<1792x1xf32>
    %rsqrt3A = math.rsqrt %add3A_17 : vector<1792x1xf32>
    %mul3A_18 = vector.broadcast %rsqrt3A : vector<1792x1xf32> to vector<1792x96xf32>
    %mul3A_19 = arith.mulf %sub3A_15, %mul3A_18 : vector<1792x96xf32>
    %mul3A_20 = arith.constant 1.000000e+00 : f32
    %mul3A_21 = vector.broadcast %mul3A_20 : f32 to vector<1792x96xf32>
    %mul3A_22 = arith.mulf %mul3A_19, %mul3A_21 : vector<1792x96xf32>
    %add3A_23 = arith.constant 0.000000e+00 : f32
    %add3A_24 = vector.broadcast %add3A_23 : f32 to vector<1792x96xf32>
    %add3A_25 = arith.addf %mul3A_22, %add3A_24 : vector<1792x96xf32>
    %get3A_26 = arith.constant 0 : index
    %get3A_27 = arith.constant 0 : index
    %get3A_28 = vector.load %arg2[%get3A_26, %get3A_27] : memref<96x288xf32, #tpu.memory_space<vmem>>, vector<96x288xf32>
    %dot_general3A = arith.constant dense<0.000000e+00> : vector<1792x288xf32>
    %dot_general3A_29 = tpu.matmul %add3A_25, %get3A_28, %dot_general3A {dimension_numbers = #tpu.dot_dimension_numbers<[1], [0], [0], [1], [0, 0, 1, 1], [], []>, transpose_lhs_hint = false} : vector<1792x96xf32>, vector<96x288xf32>, vector<1792x288xf32> -> vector<1792x288xf32>
    %get3A_30 = arith.constant 0 : index
    %get3A_31 = arith.constant 0 : index
    %get3A_32 = vector.load %arg3[%get3A_30, %get3A_31] : memref<1x288xf32, #tpu.memory_space<vmem>>, vector<1x288xf32>
    %add3A_33 = vector.broadcast %get3A_32 : vector<1x288xf32> to vector<1792x288xf32>
    %add3A_34 = arith.addf %dot_general3A_29, %add3A_33 : vector<1792x288xf32>
    %broadcast_in_dim3A_35 = arith.constant 0.000000e+00 : f32
    %broadcast_in_dim3A_36 = vector.broadcast %broadcast_in_dim3A_35 : f32 to vector<1792x96xf32>
    %concatenate3A = tpu.concatenate %add3A_34, %broadcast_in_dim3A_36 in 1 : vector<1792x288xf32>, vector<1792x96xf32> -> vector<1792x384xf32>
    %swap3A = arith.constant 0 : index
    %swap3A_37 = arith.constant 0 : index
    %swap3A_38 = vector.load %arg12[%swap3A, %swap3A_37] : memref<1792x384xf32, #tpu.memory_space<vmem>>, vector<1792x384xf32>
    tpu.vector_store %arg12[%swap3A, %swap3A_37], %concatenate3A {strides = array<i32>} : memref<1792x384xf32, #tpu.memory_space<vmem>>, vector<1792x384xf32>,
    %get3A_39 = arith.constant 0 : index
    %get3A_40 = arith.constant 0 : index
    %get3A_41 = vector.load %arg4[%get3A_39, %get3A_40] : memref<96x16xf32, #tpu.memory_space<vmem>>, vector<96x16xf32>
    %dot_general3A_42 = arith.constant dense<0.000000e+00> : vector<1792x16xf32>
    %dot_general3A_43 = tpu.matmul %add3A_25, %get3A_41, %dot_general3A_42 {dimension_numbers = #tpu.dot_dimension_numbers<[1], [0], [0], [1], [0, 0, 1, 1], [], []>, transpose_lhs_hint = false} : vector<1792x96xf32>, vector<96x16xf32>, vector<1792x16xf32> -> vector<1792x16xf32>
    %get3A_44 = arith.constant 0 : index
    %get3A_45 = arith.constant 0 : index
    %get3A_46 = vector.load %arg5[%get3A_44, %get3A_45] : memref<1x16xf32, #tpu.memory_space<vmem>>, vector<1x16xf32>
    %add3A_47 = vector.broadcast %get3A_46 : vector<1x16xf32> to vector<1792x16xf32>
    %add3A_48 = arith.addf %dot_general3A_43, %add3A_47 : vector<1792x16xf32>
    %mul3A_49 = arith.mulf %add3A_48, %add3A_48 : vector<1792x16xf32>
    %reduce_sum3A_50 = arith.constant dense<0.000000e+00> : vector<1792xf32>
    %reduce_sum3A_51 = vector.multi_reduction <add>, %mul3A_49, %reduce_sum3A_50 [1] : vector<1792x16xf32> to vector<1792xf32>
    %broadcast_in_dim3A_52 = vector.shape_cast %reduce_sum3A_51 : vector<1792xf32> to vector<1792x1xf32>
    %sqrt3A = math.sqrt %broadcast_in_dim3A_52 : vector<1792x1xf32>
    %max3A = arith.constant 9.99999996E-13 : f32
    %max3A_53 = vector.broadcast %max3A : f32 to vector<1792x1xf32>
    %max3A_54 = arith.maximumf %sqrt3A, %max3A_53 : vector<1792x1xf32>
    %div3A_55 = vector.broadcast %max3A_54 : vector<1792x1xf32> to vector<1792x16xf32>
    %div3A_56 = arith.divf %add3A_48, %div3A_55 : vector<1792x16xf32>
    %get3A_57 = arith.constant 0 : index
    %get3A_58 = arith.constant 0 : index
    %get3A_59 = vector.load %arg7[%get3A_57, %get3A_58] : memref<16x128xf32, #tpu.memory_space<vmem>>, vector<16x128xf32>
    %dot_general3A_60 = arith.constant dense<0.000000e+00> : vector<1792x128xf32>
    %dot_general3A_61 = tpu.matmul %div3A_56, %get3A_59, %dot_general3A_60 {dimension_numbers = #tpu.dot_dimension_numbers<[1], [0], [0], [1], [0, 0, 1, 1], [], []>, transpose_lhs_hint = false} : vector<1792x16xf32>, vector<16x128xf32>, vector<1792x128xf32> -> vector<1792x128xf32>
    %get3A_62 = arith.constant 0 : index
    %get3A_63 = arith.constant 0 : index
    %get3A_64 = vector.load %arg6[%get3A_62, %get3A_63] : memref<1x128xf32, #tpu.memory_space<vmem>>, vector<1x128xf32>
    %jit3A = arith.constant 0.000000e+00 : f32
    %jit3A_65 = arith.constant 1.000000e+00 : f32
    %max3A_66 = vector.broadcast %jit3A : f32 to vector<1x128xf32>
    %max3A_67 = arith.maximumf %max3A_66, %get3A_64 : vector<1x128xf32>
    %min3A = vector.broadcast %jit3A_65 : f32 to vector<1x128xf32>
    %min3A_68 = arith.minimumf %min3A, %max3A_67 : vector<1x128xf32>
    %mul3A_69 = arith.constant 4.85203028 : f32
    %mul3A_70 = vector.broadcast %mul3A_69 : f32 to vector<1x128xf32>
    %mul3A_71 = arith.mulf %min3A_68, %mul3A_70 : vector<1x128xf32>
    %add3A_72 = arith.constant 1.000000e+00 : f32
    %add3A_73 = vector.broadcast %add3A_72 : f32 to vector<1x128xf32>
    %add3A_74 = arith.addf %add3A_73, %mul3A_71 : vector<1x128xf32>
    %mul3A_75 = vector.broadcast %add3A_74 : vector<1x128xf32> to vector<1792x128xf32>
    %mul3A_76 = arith.mulf %dot_general3A_61, %mul3A_75 : vector<1792x128xf32>
    %reduce_max3A = arith.constant dense<0xFF800000> : vector<1792xf32>
    %reduce_max3A_77 = vector.multi_reduction <maximumf>, %mul3A_76, %reduce_max3A [1] : vector<1792x128xf32> to vector<1792xf32>
    %broadcast_in_dim3A_78 = vector.shape_cast %reduce_max3A_77 : vector<1792xf32> to vector<1792x1xf32>
    %iota3A = tpu.iota {dimensions = array<i32: 1>} : vector<1792x128xi32>
    %ge3A = vector.broadcast %broadcast_in_dim3A_78 : vector<1792x1xf32> to vector<1792x128xf32>
    %ge3A_79 = arith.cmpf oge, %mul3A_76, %ge3A : vector<1792x128xf32>
    %jit3A_80 = arith.constant 128 : i32
    %broadcast_in_dim3A_81 = vector.broadcast %jit3A_80 : i32 to vector<1792x128xi32>
    %select_n3A = arith.select %ge3A_79, %iota3A, %broadcast_in_dim3A_81 : vector<1792x128xi1>, vector<1792x128xi32>
    %reduce_min3A = arith.constant dense<2147483647> : vector<1792xi32>
    %reduce_min3A_82 = vector.multi_reduction <minsi>, %select_n3A, %reduce_min3A [1] : vector<1792x128xi32> to vector<1792xi32>
    %reshape3A = vector.shape_cast %reduce_min3A_82 : vector<1792xi32> to vector<14x128xi32>
    %swap3A_83 = arith.constant 0 : index
    %swap3A_84 = arith.constant 0 : index
    %swap3A_85 = arith.constant 0 : index
    %swap3A_86 = vector.load %arg14[%swap3A_83, %swap3A_84, %swap3A_85] : memref<1x14x128xi32, #tpu.memory_space<vmem>>, vector<1x14x128xi32>
    %swap3A_87 = vector.shape_cast %swap3A_86 : vector<1x14x128xi32> to vector<14x128xi32>
    %swap3A_88 = vector.shape_cast %reshape3A : vector<14x128xi32> to vector<1x14x128xi32>
    tpu.vector_store %arg14[%swap3A_83, %swap3A_84, %swap3A_85], %swap3A_88 {strides = array<i32>} : memref<1x14x128xi32, #tpu.memory_space<vmem>>, vector<1x14x128xi32>,
    %sub3A_89 = vector.broadcast %broadcast_in_dim3A_78 : vector<1792x1xf32> to vector<1792x128xf32>
    %sub3A_90 = arith.subf %mul3A_76, %sub3A_89 : vector<1792x128xf32>
    %exp3A = math.exp %sub3A_90 : vector<1792x128xf32>
    %reduce_sum3A_91 = arith.constant dense<0.000000e+00> : vector<1792xf32>
    %reduce_sum3A_92 = vector.multi_reduction <add>, %exp3A, %reduce_sum3A_91 [1] : vector<1792x128xf32> to vector<1792xf32>
    %broadcast_in_dim3A_93 = vector.shape_cast %reduce_sum3A_92 : vector<1792xf32> to vector<1792x1xf32>
    %div3A_94 = vector.broadcast %broadcast_in_dim3A_93 : vector<1792x1xf32> to vector<1792x128xf32>
    %div3A_95 = arith.divf %exp3A, %div3A_94 : vector<1792x128xf32>
    %swap3A_96 = arith.constant 0 : index
    %swap3A_97 = arith.constant 0 : index
    %swap3A_98 = vector.load %arg13[%swap3A_96, %swap3A_97] : memref<1792x128xf32, #tpu.memory_space<vmem>>, vector<1792x128xf32>
    tpu.vector_store %arg13[%swap3A_96, %swap3A_97], %div3A_95 {strides = array<i32>} : memref<1792x128xf32, #tpu.memory_space<vmem>>, vector<1792x128xf32>,
    %get3A_99 = arith.constant 0 : index
    %get3A_100 = arith.constant 0 : index
    %get3A_101 = vector.load %arg8[%get3A_99, %get3A_100] : memref<128x96xf32, #tpu.memory_space<vmem>>, vector<128x96xf32>
    %dot_general3A_102 = arith.constant dense<0.000000e+00> : vector<1792x96xf32>
    %dot_general3A_103 = tpu.matmul %div3A_95, %get3A_101, %dot_general3A_102 {dimension_numbers = #tpu.dot_dimension_numbers<[1], [0], [0], [1], [0, 0, 1, 1], [], []>, transpose_lhs_hint = false} : vector<1792x128xf32>, vector<128x96xf32>, vector<1792x96xf32> -> vector<1792x96xf32>
    %reshape3A_104 = vector.shape_cast %add3A_34 : vector<1792x288xf32> to vector<8x28x8x288xf32>
    %transpose3A = tpu.transpose %reshape3A_104, [1, 0, 2, 3] : vector<8x28x8x288xf32> -> vector<28x8x8x288xf32>
    %reshape3A_105 = vector.shape_cast %transpose3A : vector<28x8x8x288xf32> to vector<28x64x288xf32>
    %slice3A = vector.extract_strided_slice %reshape3A_105 {offsets = [0, 0, 0], sizes = [28, 64, 16], strides = [1, 1, 1]} : vector<28x64x288xf32> to vector<28x64x16xf32>
    %mul3A_106 = arith.constant 2.500000e-01 : f32
    %mul3A_107 = vector.broadcast %mul3A_106 : f32 to vector<28x64x16xf32>
    %mul3A_108 = arith.mulf %slice3A, %mul3A_107 : vector<28x64x16xf32>
    %slice3A_109 = vector.extract_strided_slice %reshape3A_105 {offsets = [0, 0, 96], sizes = [28, 64, 16], strides = [1, 1, 1]} : vector<28x64x288xf32> to vector<28x64x16xf32>
    %slice3A_110 = vector.extract_strided_slice %reshape3A_105 {offsets = [0, 0, 192], sizes = [28, 64, 16], strides = [1, 1, 1]} : vector<28x64x288xf32> to vector<28x64x16xf32>
    %dot_general3A_111 = arith.constant dense<0.000000e+00> : vector<28x64x64xf32>
    %dot_general3A_112 = tpu.matmul %mul3A_108, %slice3A_109, %dot_general3A_111 {dimension_numbers = #tpu.dot_dimension_numbers<[2], [2], [1], [1], [0, 0, 0, 1, 1, 1], [0], [0]>, transpose_lhs_hint = false} : vector<28x64x16xf32>, vector<28x64x16xf32>, vector<28x64x64xf32> -> vector<28x64x64xf32>
    %get3A_113 = arith.constant 0 : index
    %get3A_114 = arith.constant 0 : index
    %get3A_115 = arith.constant 0 : index
    %get3A_116 = vector.load %arg9[%get3A_113, %get3A_114, %get3A_115] : memref<6x64x64xf32, #tpu.memory_space<vmem>>, vector<1x64x64xf32>
    %get3A_117 = vector.shape_cast %get3A_116 : vector<1x64x64xf32> to vector<64x64xf32>
    %broadcast_in_dim3A_118 = vector.shape_cast %get3A_117 : vector<64x64xf32> to vector<1x64x64xf32>
    %add3A_119 = vector.broadcast %broadcast_in_dim3A_118 : vector<1x64x64xf32> to vector<28x64x64xf32>
    %add3A_120 = arith.addf %dot_general3A_112, %add3A_119 : vector<28x64x64xf32>
    %reduce_max3A_121 = arith.constant dense<0xFF800000> : vector<28x64xf32>
    %reduce_max3A_122 = vector.multi_reduction <maximumf>, %add3A_120, %reduce_max3A_121 [2] : vector<28x64x64xf32> to vector<28x64xf32>
    %broadcast_in_dim3A_123 = vector.shape_cast %reduce_max3A_122 : vector<28x64xf32> to vector<28x64x1xf32>
    %sub3A_124 = vector.broadcast %broadcast_in_dim3A_123 : vector<28x64x1xf32> to vector<28x64x64xf32>
    %sub3A_125 = arith.subf %add3A_120, %sub3A_124 : vector<28x64x64xf32>
    %exp3A_126 = math.exp %sub3A_125 : vector<28x64x64xf32>
    %reduce_sum3A_127 = arith.constant dense<0.000000e+00> : vector<28x64xf32>
    %reduce_sum3A_128 = vector.multi_reduction <add>, %exp3A_126, %reduce_sum3A_127 [2] : vector<28x64x64xf32> to vector<28x64xf32>
    %broadcast_in_dim3A_129 = vector.shape_cast %reduce_sum3A_128 : vector<28x64xf32> to vector<28x64x1xf32>
    %div3A_130 = vector.broadcast %broadcast_in_dim3A_129 : vector<28x64x1xf32> to vector<28x64x64xf32>
    %div3A_131 = arith.divf %exp3A_126, %div3A_130 : vector<28x64x64xf32>
    %dot_general3A_132 = arith.constant dense<0.000000e+00> : vector<28x64x16xf32>
    %dot_general3A_133 = tpu.matmul %div3A_131, %slice3A_110, %dot_general3A_132 {dimension_numbers = #tpu.dot_dimension_numbers<[2], [1], [1], [2], [0, 0, 0, 1, 1, 2], [0], [0]>, transpose_lhs_hint = false} : vector<28x64x64xf32>, vector<28x64x16xf32>, vector<28x64x16xf32> -> vector<28x64x16xf32>
    %slice3A_134 = vector.extract_strided_slice %reshape3A_105 {offsets = [0, 0, 16], sizes = [28, 64, 16], strides = [1, 1, 1]} : vector<28x64x288xf32> to vector<28x64x16xf32>
    %mul3A_135 = arith.constant 2.500000e-01 : f32
    %mul3A_136 = vector.broadcast %mul3A_135 : f32 to vector<28x64x16xf32>
    %mul3A_137 = arith.mulf %slice3A_134, %mul3A_136 : vector<28x64x16xf32>
    %slice3A_138 = vector.extract_strided_slice %reshape3A_105 {offsets = [0, 0, 112], sizes = [28, 64, 16], strides = [1, 1, 1]} : vector<28x64x288xf32> to vector<28x64x16xf32>
    %slice3A_139 = vector.extract_strided_slice %reshape3A_105 {offsets = [0, 0, 208], sizes = [28, 64, 16], strides = [1, 1, 1]} : vector<28x64x288xf32> to vector<28x64x16xf32>
    %dot_general3A_140 = arith.constant dense<0.000000e+00> : vector<28x64x64xf32>
    %dot_general3A_141 = tpu.matmul %mul3A_137, %slice3A_138, %dot_general3A_140 {dimension_numbers = #tpu.dot_dimension_numbers<[2], [2], [1], [1], [0, 0, 0, 1, 1, 1], [0], [0]>, transpose_lhs_hint = false} : vector<28x64x16xf32>, vector<28x64x16xf32>, vector<28x64x64xf32> -> vector<28x64x64xf32>
    %get3A_142 = arith.constant 1 : index
    %get3A_143 = arith.constant 0 : index
    %get3A_144 = arith.constant 0 : index
    %get3A_145 = vector.load %arg9[%get3A_142, %get3A_143, %get3A_144] : memref<6x64x64xf32, #tpu.memory_space<vmem>>, vector<1x64x64xf32>
    %get3A_146 = vector.shape_cast %get3A_145 : vector<1x64x64xf32> to vector<64x64xf32>
    %broadcast_in_dim3A_147 = vector.shape_cast %get3A_146 : vector<64x64xf32> to vector<1x64x64xf32>
    %add3A_148 = vector.broadcast %broadcast_in_dim3A_147 : vector<1x64x64xf32> to vector<28x64x64xf32>
    %add3A_149 = arith.addf %dot_general3A_141, %add3A_148 : vector<28x64x64xf32>
    %reduce_max3A_150 = arith.constant dense<0xFF800000> : vector<28x64xf32>
    %reduce_max3A_151 = vector.multi_reduction <maximumf>, %add3A_149, %reduce_max3A_150 [2] : vector<28x64x64xf32> to vector<28x64xf32>
    %broadcast_in_dim3A_152 = vector.shape_cast %reduce_max3A_151 : vector<28x64xf32> to vector<28x64x1xf32>
    %sub3A_153 = vector.broadcast %broadcast_in_dim3A_152 : vector<28x64x1xf32> to vector<28x64x64xf32>
    %sub3A_154 = arith.subf %add3A_149, %sub3A_153 : vector<28x64x64xf32>
    %exp3A_155 = math.exp %sub3A_154 : vector<28x64x64xf32>
    %reduce_sum3A_156 = arith.constant dense<0.000000e+00> : vector<28x64xf32>
    %reduce_sum3A_157 = vector.multi_reduction <add>, %exp3A_155, %reduce_sum3A_156 [2] : vector<28x64x64xf32> to vector<28x64xf32>
    %broadcast_in_dim3A_158 = vector.shape_cast %reduce_sum3A_157 : vector<28x64xf32> to vector<28x64x1xf32>
    %div3A_159 = vector.broadcast %broadcast_in_dim3A_158 : vector<28x64x1xf32> to vector<28x64x64xf32>
    %div3A_160 = arith.divf %exp3A_155, %div3A_159 : vector<28x64x64xf32>
    %dot_general3A_161 = arith.constant dense<0.000000e+00> : vector<28x64x16xf32>
    %dot_general3A_162 = tpu.matmul %div3A_160, %slice3A_139, %dot_general3A_161 {dimension_numbers = #tpu.dot_dimension_numbers<[2], [1], [1], [2], [0, 0, 0, 1, 1, 2], [0], [0]>, transpose_lhs_hint = false} : vector<28x64x64xf32>, vector<28x64x16xf32>, vector<28x64x16xf32> -> vector<28x64x16xf32>
    %slice3A_163 = vector.extract_strided_slice %reshape3A_105 {offsets = [0, 0, 32], sizes = [28, 64, 16], strides = [1, 1, 1]} : vector<28x64x288xf32> to vector<28x64x16xf32>
    %mul3A_164 = arith.constant 2.500000e-01 : f32
    %mul3A_165 = vector.broadcast %mul3A_164 : f32 to vector<28x64x16xf32>
    %mul3A_166 = arith.mulf %slice3A_163, %mul3A_165 : vector<28x64x16xf32>
    %slice3A_167 = vector.extract_strided_slice %reshape3A_105 {offsets = [0, 0, 128], sizes = [28, 64, 16], strides = [1, 1, 1]} : vector<28x64x288xf32> to vector<28x64x16xf32>
    %slice3A_168 = vector.extract_strided_slice %reshape3A_105 {offsets = [0, 0, 224], sizes = [28, 64, 16], strides = [1, 1, 1]} : vector<28x64x288xf32> to vector<28x64x16xf32>
    %dot_general3A_169 = arith.constant dense<0.000000e+00> : vector<28x64x64xf32>
    %dot_general3A_170 = tpu.matmul %mul3A_166, %slice3A_167, %dot_general3A_169 {dimension_numbers = #tpu.dot_dimension_numbers<[2], [2], [1], [1], [0, 0, 0, 1, 1, 1], [0], [0]>, transpose_lhs_hint = false} : vector<28x64x16xf32>, vector<28x64x16xf32>, vector<28x64x64xf32> -> vector<28x64x64xf32>
    %get3A_171 = arith.constant 2 : index
    %get3A_172 = arith.constant 0 : index
    %get3A_173 = arith.constant 0 : index
    %get3A_174 = vector.load %arg9[%get3A_171, %get3A_172, %get3A_173] : memref<6x64x64xf32, #tpu.memory_space<vmem>>, vector<1x64x64xf32>
    %get3A_175 = vector.shape_cast %get3A_174 : vector<1x64x64xf32> to vector<64x64xf32>
    %broadcast_in_dim3A_176 = vector.shape_cast %get3A_175 : vector<64x64xf32> to vector<1x64x64xf32>
    %add3A_177 = vector.broadcast %broadcast_in_dim3A_176 : vector<1x64x64xf32> to vector<28x64x64xf32>
    %add3A_178 = arith.addf %dot_general3A_170, %add3A_177 : vector<28x64x64xf32>
    %reduce_max3A_179 = arith.constant dense<0xFF800000> : vector<28x64xf32>
    %reduce_max3A_180 = vector.multi_reduction <maximumf>, %add3A_178, %reduce_max3A_179 [2] : vector<28x64x64xf32> to vector<28x64xf32>
    %broadcast_in_dim3A_181 = vector.shape_cast %reduce_max3A_180 : vector<28x64xf32> to vector<28x64x1xf32>
    %sub3A_182 = vector.broadcast %broadcast_in_dim3A_181 : vector<28x64x1xf32> to vector<28x64x64xf32>
    %sub3A_183 = arith.subf %add3A_178, %sub3A_182 : vector<28x64x64xf32>
    %exp3A_184 = math.exp %sub3A_183 : vector<28x64x64xf32>
    %reduce_sum3A_185 = arith.constant dense<0.000000e+00> : vector<28x64xf32>
    %reduce_sum3A_186 = vector.multi_reduction <add>, %exp3A_184, %reduce_sum3A_185 [2] : vector<28x64x64xf32> to vector<28x64xf32>
    %broadcast_in_dim3A_187 = vector.shape_cast %reduce_sum3A_186 : vector<28x64xf32> to vector<28x64x1xf32>
    %div3A_188 = vector.broadcast %broadcast_in_dim3A_187 : vector<28x64x1xf32> to vector<28x64x64xf32>
    %div3A_189 = arith.divf %exp3A_184, %div3A_188 : vector<28x64x64xf32>
    %dot_general3A_190 = arith.constant dense<0.000000e+00> : vector<28x64x16xf32>
    %dot_general3A_191 = tpu.matmul %div3A_189, %slice3A_168, %dot_general3A_190 {dimension_numbers = #tpu.dot_dimension_numbers<[2], [1], [1], [2], [0, 0, 0, 1, 1, 2], [0], [0]>, transpose_lhs_hint = false} : vector<28x64x64xf32>, vector<28x64x16xf32>, vector<28x64x16xf32> -> vector<28x64x16xf32>
    %slice3A_192 = vector.extract_strided_slice %reshape3A_105 {offsets = [0, 0, 48], sizes = [28, 64, 16], strides = [1, 1, 1]} : vector<28x64x288xf32> to vector<28x64x16xf32>
    %mul3A_193 = arith.constant 2.500000e-01 : f32
    %mul3A_194 = vector.broadcast %mul3A_193 : f32 to vector<28x64x16xf32>
    %mul3A_195 = arith.mulf %slice3A_192, %mul3A_194 : vector<28x64x16xf32>
    %slice3A_196 = vector.extract_strided_slice %reshape3A_105 {offsets = [0, 0, 144], sizes = [28, 64, 16], strides = [1, 1, 1]} : vector<28x64x288xf32> to vector<28x64x16xf32>
    %slice3A_197 = vector.extract_strided_slice %reshape3A_105 {offsets = [0, 0, 240], sizes = [28, 64, 16], strides = [1, 1, 1]} : vector<28x64x288xf32> to vector<28x64x16xf32>
    %dot_general3A_198 = arith.constant dense<0.000000e+00> : vector<28x64x64xf32>
    %dot_general3A_199 = tpu.matmul %mul3A_195, %slice3A_196, %dot_general3A_198 {dimension_numbers = #tpu.dot_dimension_numbers<[2], [2], [1], [1], [0, 0, 0, 1, 1, 1], [0], [0]>, transpose_lhs_hint = false} : vector<28x64x16xf32>, vector<28x64x16xf32>, vector<28x64x64xf32> -> vector<28x64x64xf32>
    %get3A_200 = arith.constant 3 : index
    %get3A_201 = arith.constant 0 : index
    %get3A_202 = arith.constant 0 : index
    %get3A_203 = vector.load %arg9[%get3A_200, %get3A_201, %get3A_202] : memref<6x64x64xf32, #tpu.memory_space<vmem>>, vector<1x64x64xf32>
    %get3A_204 = vector.shape_cast %get3A_203 : vector<1x64x64xf32> to vector<64x64xf32>
    %broadcast_in_dim3A_205 = vector.shape_cast %get3A_204 : vector<64x64xf32> to vector<1x64x64xf32>
    %add3A_206 = vector.broadcast %broadcast_in_dim3A_205 : vector<1x64x64xf32> to vector<28x64x64xf32>
    %add3A_207 = arith.addf %dot_general3A_199, %add3A_206 : vector<28x64x64xf32>
    %reduce_max3A_208 = arith.constant dense<0xFF800000> : vector<28x64xf32>
    %reduce_max3A_209 = vector.multi_reduction <maximumf>, %add3A_207, %reduce_max3A_208 [2] : vector<28x64x64xf32> to vector<28x64xf32>
    %broadcast_in_dim3A_210 = vector.shape_cast %reduce_max3A_209 : vector<28x64xf32> to vector<28x64x1xf32>
    %sub3A_211 = vector.broadcast %broadcast_in_dim3A_210 : vector<28x64x1xf32> to vector<28x64x64xf32>
    %sub3A_212 = arith.subf %add3A_207, %sub3A_211 : vector<28x64x64xf32>
    %exp3A_213 = math.exp %sub3A_212 : vector<28x64x64xf32>
    %reduce_sum3A_214 = arith.constant dense<0.000000e+00> : vector<28x64xf32>
    %reduce_sum3A_215 = vector.multi_reduction <add>, %exp3A_213, %reduce_sum3A_214 [2] : vector<28x64x64xf32> to vector<28x64xf32>
    %broadcast_in_dim3A_216 = vector.shape_cast %reduce_sum3A_215 : vector<28x64xf32> to vector<28x64x1xf32>
    %div3A_217 = vector.broadcast %broadcast_in_dim3A_216 : vector<28x64x1xf32> to vector<28x64x64xf32>
    %div3A_218 = arith.divf %exp3A_213, %div3A_217 : vector<28x64x64xf32>
    %dot_general3A_219 = arith.constant dense<0.000000e+00> : vector<28x64x16xf32>
    %dot_general3A_220 = tpu.matmul %div3A_218, %slice3A_197, %dot_general3A_219 {dimension_numbers = #tpu.dot_dimension_numbers<[2], [1], [1], [2], [0, 0, 0, 1, 1, 2], [0], [0]>, transpose_lhs_hint = false} : vector<28x64x64xf32>, vector<28x64x16xf32>, vector<28x64x16xf32> -> vector<28x64x16xf32>
    %slice3A_221 = vector.extract_strided_slice %reshape3A_105 {offsets = [0, 0, 64], sizes = [28, 64, 16], strides = [1, 1, 1]} : vector<28x64x288xf32> to vector<28x64x16xf32>
    %mul3A_222 = arith.constant 2.500000e-01 : f32
    %mul3A_223 = vector.broadcast %mul3A_222 : f32 to vector<28x64x16xf32>
    %mul3A_224 = arith.mulf %slice3A_221, %mul3A_223 : vector<28x64x16xf32>
    %slice3A_225 = vector.extract_strided_slice %reshape3A_105 {offsets = [0, 0, 160], sizes = [28, 64, 16], strides = [1, 1, 1]} : vector<28x64x288xf32> to vector<28x64x16xf32>
    %slice3A_226 = vector.extract_strided_slice %reshape3A_105 {offsets = [0, 0, 256], sizes = [28, 64, 16], strides = [1, 1, 1]} : vector<28x64x288xf32> to vector<28x64x16xf32>
    %dot_general3A_227 = arith.constant dense<0.000000e+00> : vector<28x64x64xf32>
    %dot_general3A_228 = tpu.matmul %mul3A_224, %slice3A_225, %dot_general3A_227 {dimension_numbers = #tpu.dot_dimension_numbers<[2], [2], [1], [1], [0, 0, 0, 1, 1, 1], [0], [0]>, transpose_lhs_hint = false} : vector<28x64x16xf32>, vector<28x64x16xf32>, vector<28x64x64xf32> -> vector<28x64x64xf32>
    %get3A_229 = arith.constant 4 : index
    %get3A_230 = arith.constant 0 : index
    %get3A_231 = arith.constant 0 : index
    %get3A_232 = vector.load %arg9[%get3A_229, %get3A_230, %get3A_231] : memref<6x64x64xf32, #tpu.memory_space<vmem>>, vector<1x64x64xf32>
    %get3A_233 = vector.shape_cast %get3A_232 : vector<1x64x64xf32> to vector<64x64xf32>
    %broadcast_in_dim3A_234 = vector.shape_cast %get3A_233 : vector<64x64xf32> to vector<1x64x64xf32>
    %add3A_235 = vector.broadcast %broadcast_in_dim3A_234 : vector<1x64x64xf32> to vector<28x64x64xf32>
    %add3A_236 = arith.addf %dot_general3A_228, %add3A_235 : vector<28x64x64xf32>
    %reduce_max3A_237 = arith.constant dense<0xFF800000> : vector<28x64xf32>
    %reduce_max3A_238 = vector.multi_reduction <maximumf>, %add3A_236, %reduce_max3A_237 [2] : vector<28x64x64xf32> to vector<28x64xf32>
    %broadcast_in_dim3A_239 = vector.shape_cast %reduce_max3A_238 : vector<28x64xf32> to vector<28x64x1xf32>
    %sub3A_240 = vector.broadcast %broadcast_in_dim3A_239 : vector<28x64x1xf32> to vector<28x64x64xf32>
    %sub3A_241 = arith.subf %add3A_236, %sub3A_240 : vector<28x64x64xf32>
    %exp3A_242 = math.exp %sub3A_241 : vector<28x64x64xf32>
    %reduce_sum3A_243 = arith.constant dense<0.000000e+00> : vector<28x64xf32>
    %reduce_sum3A_244 = vector.multi_reduction <add>, %exp3A_242, %reduce_sum3A_243 [2] : vector<28x64x64xf32> to vector<28x64xf32>
    %broadcast_in_dim3A_245 = vector.shape_cast %reduce_sum3A_244 : vector<28x64xf32> to vector<28x64x1xf32>
    %div3A_246 = vector.broadcast %broadcast_in_dim3A_245 : vector<28x64x1xf32> to vector<28x64x64xf32>
    %div3A_247 = arith.divf %exp3A_242, %div3A_246 : vector<28x64x64xf32>
    %dot_general3A_248 = arith.constant dense<0.000000e+00> : vector<28x64x16xf32>
    %dot_general3A_249 = tpu.matmul %div3A_247, %slice3A_226, %dot_general3A_248 {dimension_numbers = #tpu.dot_dimension_numbers<[2], [1], [1], [2], [0, 0, 0, 1, 1, 2], [0], [0]>, transpose_lhs_hint = false} : vector<28x64x64xf32>, vector<28x64x16xf32>, vector<28x64x16xf32> -> vector<28x64x16xf32>
    %slice3A_250 = vector.extract_strided_slice %reshape3A_105 {offsets = [0, 0, 80], sizes = [28, 64, 16], strides = [1, 1, 1]} : vector<28x64x288xf32> to vector<28x64x16xf32>
    %mul3A_251 = arith.constant 2.500000e-01 : f32
    %mul3A_252 = vector.broadcast %mul3A_251 : f32 to vector<28x64x16xf32>
    %mul3A_253 = arith.mulf %slice3A_250, %mul3A_252 : vector<28x64x16xf32>
    %slice3A_254 = vector.extract_strided_slice %reshape3A_105 {offsets = [0, 0, 176], sizes = [28, 64, 16], strides = [1, 1, 1]} : vector<28x64x288xf32> to vector<28x64x16xf32>
    %slice3A_255 = vector.extract_strided_slice %reshape3A_105 {offsets = [0, 0, 272], sizes = [28, 64, 16], strides = [1, 1, 1]} : vector<28x64x288xf32> to vector<28x64x16xf32>
    %dot_general3A_256 = arith.constant dense<0.000000e+00> : vector<28x64x64xf32>
    %dot_general3A_257 = tpu.matmul %mul3A_253, %slice3A_254, %dot_general3A_256 {dimension_numbers = #tpu.dot_dimension_numbers<[2], [2], [1], [1], [0, 0, 0, 1, 1, 1], [0], [0]>, transpose_lhs_hint = false} : vector<28x64x16xf32>, vector<28x64x16xf32>, vector<28x64x64xf32> -> vector<28x64x64xf32>
    %get3A_258 = arith.constant 5 : index
    %get3A_259 = arith.constant 0 : index
    %get3A_260 = arith.constant 0 : index
    %get3A_261 = vector.load %arg9[%get3A_258, %get3A_259, %get3A_260] : memref<6x64x64xf32, #tpu.memory_space<vmem>>, vector<1x64x64xf32>
    %get3A_262 = vector.shape_cast %get3A_261 : vector<1x64x64xf32> to vector<64x64xf32>
    %broadcast_in_dim3A_263 = vector.shape_cast %get3A_262 : vector<64x64xf32> to vector<1x64x64xf32>
    %add3A_264 = vector.broadcast %broadcast_in_dim3A_263 : vector<1x64x64xf32> to vector<28x64x64xf32>
    %add3A_265 = arith.addf %dot_general3A_257, %add3A_264 : vector<28x64x64xf32>
    %reduce_max3A_266 = arith.constant dense<0xFF800000> : vector<28x64xf32>
    %reduce_max3A_267 = vector.multi_reduction <maximumf>, %add3A_265, %reduce_max3A_266 [2] : vector<28x64x64xf32> to vector<28x64xf32>
    %broadcast_in_dim3A_268 = vector.shape_cast %reduce_max3A_267 : vector<28x64xf32> to vector<28x64x1xf32>
    %sub3A_269 = vector.broadcast %broadcast_in_dim3A_268 : vector<28x64x1xf32> to vector<28x64x64xf32>
    %sub3A_270 = arith.subf %add3A_265, %sub3A_269 : vector<28x64x64xf32>
    %exp3A_271 = math.exp %sub3A_270 : vector<28x64x64xf32>
    %reduce_sum3A_272 = arith.constant dense<0.000000e+00> : vector<28x64xf32>
    %reduce_sum3A_273 = vector.multi_reduction <add>, %exp3A_271, %reduce_sum3A_272 [2] : vector<28x64x64xf32> to vector<28x64xf32>
    %broadcast_in_dim3A_274 = vector.shape_cast %reduce_sum3A_273 : vector<28x64xf32> to vector<28x64x1xf32>
    %div3A_275 = vector.broadcast %broadcast_in_dim3A_274 : vector<28x64x1xf32> to vector<28x64x64xf32>
    %div3A_276 = arith.divf %exp3A_271, %div3A_275 : vector<28x64x64xf32>
    %dot_general3A_277 = arith.constant dense<0.000000e+00> : vector<28x64x16xf32>
    %dot_general3A_278 = tpu.matmul %div3A_276, %slice3A_255, %dot_general3A_277 {dimension_numbers = #tpu.dot_dimension_numbers<[2], [1], [1], [2], [0, 0, 0, 1, 1, 2], [0], [0]>, transpose_lhs_hint = false} : vector<28x64x64xf32>, vector<28x64x16xf32>, vector<28x64x16xf32> -> vector<28x64x16xf32>
    %concatenate3A_279 = tpu.concatenate %dot_general3A_133, %dot_general3A_162, %dot_general3A_191, %dot_general3A_220, %dot_general3A_249, %dot_general3A_278 in 2 : vector<28x64x16xf32>, vector<28x64x16xf32>, vector<28x64x16xf32>, vector<28x64x16xf32>, vector<28x64x16xf32>, vector<28x64x16xf32> -> vector<28x64x96xf32>
    %reshape3A_280 = vector.shape_cast %concatenate3A_279 : vector<28x64x96xf32> to vector<1792x96xf32>
    %get3A_281 = arith.constant 0 : index
    %get3A_282 = arith.constant 0 : index
    %get3A_283 = vector.load %arg10[%get3A_281, %get3A_282] : memref<96x96xf32, #tpu.memory_space<vmem>>, vector<96x96xf32>
    %dot_general3A_284 = arith.constant dense<0.000000e+00> : vector<1792x96xf32>
    %dot_general3A_285 = tpu.matmul %reshape3A_280, %get3A_283, %dot_general3A_284 {dimension_numbers = #tpu.dot_dimension_numbers<[1], [0], [0], [1], [0, 0, 1, 1], [], []>, transpose_lhs_hint = false} : vector<1792x96xf32>, vector<96x96xf32>, vector<1792x96xf32> -> vector<1792x96xf32>
    %get3A_286 = arith.constant 0 : index
    %get3A_287 = arith.constant 0 : index
    %get3A_288 = vector.load %arg11[%get3A_286, %get3A_287] : memref<1x96xf32, #tpu.memory_space<vmem>>, vector<1x96xf32>
    %add3A_289 = vector.broadcast %get3A_288 : vector<1x96xf32> to vector<1792x96xf32>
    %add3A_290 = arith.addf %dot_general3A_285, %add3A_289 : vector<1792x96xf32>
    %reshape3A_291 = vector.shape_cast %add3A_290 : vector<1792x96xf32> to vector<28x8x8x96xf32>
    %transpose3A_292 = tpu.transpose %reshape3A_291, [1, 0, 2, 3] : vector<28x8x8x96xf32> -> vector<8x28x8x96xf32>
    %reshape3A_293 = vector.shape_cast %transpose3A_292 : vector<8x28x8x96xf32> to vector<1792x96xf32>
    %add3A_294 = arith.addf %get3A_1, %dot_general3A_103 : vector<1792x96xf32>
    %add3A_295 = arith.addf %add3A_294, %reshape3A_293 : vector<1792x96xf32>
    %swap3A_296 = arith.constant 0 : index
    %swap3A_297 = arith.constant 0 : index
    %swap3A_298 = vector.load %arg15[%swap3A_296, %swap3A_297] : memref<1792x96xf32, #tpu.memory_space<vmem>>, vector<1792x96xf32>
    tpu.vector_store %arg15[%swap3A_296, %swap3A_297], %add3A_295 {strides = array<i32>} : memref<1792x96xf32, #tpu.memory_space<vmem>>, vector<1792x96xf32>,
    return
  }
  func.func @transform_0(%arg0: i32) -> (i32, i32) {
    %c0_i32 = arith.constant 0 : i32
    %c0_i32_0 = arith.constant 0 : i32
    return %arg0, %c0_i32 : i32, i32
  }
  func.func @transform_1(%arg0: i32) -> (i32, i32) {
    %c0_i32 = arith.constant 0 : i32
    %c0_i32_0 = arith.constant 0 : i32
    %c0_i32_1 = arith.constant 0 : i32
    return %c0_i32, %c0_i32_0 : i32, i32
  }
  func.func @transform_2(%arg0: i32) -> (i32, i32) {
    %c0_i32 = arith.constant 0 : i32
    %c0_i32_0 = arith.constant 0 : i32
    %c0_i32_1 = arith.constant 0 : i32
    return %c0_i32, %c0_i32_0 : i32, i32
  }
  func.func @transform_3(%arg0: i32) -> (i32, i32) {
    %c0_i32 = arith.constant 0 : i32
    %c0_i32_0 = arith.constant 0 : i32
    %c0_i32_1 = arith.constant 0 : i32
    return %c0_i32, %c0_i32_0 : i32, i32
  }
  func.func @transform_4(%arg0: i32) -> (i32, i32) {
    %c0_i32 = arith.constant 0 : i32
    %c0_i32_0 = arith.constant 0 : i32
    %c0_i32_1 = arith.constant 0 : i32
    return %c0_i32, %c0_i32_0 : i32, i32
  }
  func.func @transform_5(%arg0: i32) -> (i32, i32) {
    %c0_i32 = arith.constant 0 : i32
    %c0_i32_0 = arith.constant 0 : i32
    %c0_i32_1 = arith.constant 0 : i32
    return %c0_i32, %c0_i32_0 : i32, i32
  }
  func.func @transform_6(%arg0: i32) -> (i32, i32) {
    %c0_i32 = arith.constant 0 : i32
    %c0_i32_0 = arith.constant 0 : i32
    %c0_i32_1 = arith.constant 0 : i32
    return %c0_i32, %c0_i32_0 : i32, i32
  }
  func.func @transform_7(%arg0: i32) -> (i32, i32) {
    %c0_i32 = arith.constant 0 : i32
    %c0_i32_0 = arith.constant 0 : i32
    %c0_i32_1 = arith.constant 0 : i32
    return %c0_i32, %c0_i32_0 : i32, i32
  }
  func.func @transform_8(%arg0: i32) -> (i32, i32, i32) {
    %c0_i32 = arith.constant 0 : i32
    %c0_i32_0 = arith.constant 0 : i32
    %c0_i32_1 = arith.constant 0 : i32
    %c0_i32_2 = arith.constant 0 : i32
    return %c0_i32, %c0_i32_0, %c0_i32_1 : i32, i32, i32
  }
  func.func @transform_9(%arg0: i32) -> (i32, i32) {
    %c0_i32 = arith.constant 0 : i32
    %c0_i32_0 = arith.constant 0 : i32
    %c0_i32_1 = arith.constant 0 : i32
    return %c0_i32, %c0_i32_0 : i32, i32
  }
  func.func @transform_10(%arg0: i32) -> (i32, i32) {
    %c0_i32 = arith.constant 0 : i32
    %c0_i32_0 = arith.constant 0 : i32
    %c0_i32_1 = arith.constant 0 : i32
    return %c0_i32, %c0_i32_0 : i32, i32
  }
  func.func @transform_11(%arg0: i32) -> (i32, i32) {
    %c0_i32 = arith.constant 0 : i32
    %c0_i32_0 = arith.constant 0 : i32
    return %arg0, %c0_i32 : i32, i32
  }
  func.func @transform_12(%arg0: i32) -> (i32, i32) {
    %c0_i32 = arith.constant 0 : i32
    %c0_i32_0 = arith.constant 0 : i32
    return %arg0, %c0_i32 : i32, i32
  }
  func.func @transform_13(%arg0: i32) -> (i32, i32, i32) {
    %c0_i32 = arith.constant 0 : i32
    %c0_i32_0 = arith.constant 0 : i32
    %c0_i32_1 = arith.constant 0 : i32
    return %arg0, %c0_i32, %c0_i32_0 : i32, i32, i32
  }
  func.func @transform_14(%arg0: i32) -> (i32, i32) {
    %c0_i32 = arith.constant 0 : i32
    %c0_i32_0 = arith.constant 0 : i32
    return %arg0, %c0_i32 : i32, i32
  }
}

module attributes {stable_mosaic.version = 14 : i64} {
  func.func @_r_body(%arg0: memref<128x96xf32, #tpu.memory_space<vmem>>, %arg1: memref<96x16xf32, #tpu.memory_space<vmem>>, %arg2: memref<1x16xf32, #tpu.memory_space<vmem>>, %arg3: memref<96x96xf32, #tpu.memory_space<vmem>>, %arg4: memref<1x96xf32, #tpu.memory_space<vmem>>, %arg5: memref<32x128xi32, #tpu.memory_space<vmem>>, %arg6: memref<256x8xf32, #tpu.memory_space<vmem>>, %arg7: memref<16x128xf32, #tpu.memory_space<vmem>>, %arg8: memref<128x96xf32, #tpu.memory_space<vmem>>, %arg9: memref<8x64x64xf32, #tpu.memory_space<vmem>>) attributes {dimension_semantics = [], scalar_prefetch = 0 : i64, scratch_operands = 0 : i64, tpu.core_type = #tpu.core_type<tc>} {
    %get3A = arith.constant 0 : index
    %get3A_0 = arith.constant 0 : index
    %get3A_1 = vector.load %arg0[%get3A, %get3A_0] : memref<128x96xf32, #tpu.memory_space<vmem>>, vector<128x96xf32>
    %get3A_2 = arith.constant 0 : index
    %get3A_3 = arith.constant 0 : index
    %get3A_4 = vector.load %arg1[%get3A_2, %get3A_3] : memref<96x16xf32, #tpu.memory_space<vmem>>, vector<96x16xf32>
    %dot_general3A = arith.constant dense<0.000000e+00> : vector<128x16xf32>
    %dot_general3A_5 = tpu.matmul %get3A_1, %get3A_4, %dot_general3A {dimension_numbers = #tpu.dot_dimension_numbers<[1], [0], [0], [1], [0, 0, 1, 1], [], []>, transpose_lhs_hint = false} : vector<128x96xf32>, vector<96x16xf32>, vector<128x16xf32> -> vector<128x16xf32>
    %get3A_6 = arith.constant 0 : index
    %get3A_7 = arith.constant 0 : index
    %get3A_8 = vector.load %arg2[%get3A_6, %get3A_7] : memref<1x16xf32, #tpu.memory_space<vmem>>, vector<1x16xf32>
    %add3A = vector.broadcast %get3A_8 : vector<1x16xf32> to vector<128x16xf32>
    %add3A_9 = arith.addf %dot_general3A_5, %add3A : vector<128x16xf32>
    %mul3A = arith.mulf %add3A_9, %add3A_9 : vector<128x16xf32>
    %reduce_sum3A = arith.constant dense<0.000000e+00> : vector<128xf32>
    %reduce_sum3A_10 = vector.multi_reduction <add>, %mul3A, %reduce_sum3A [1] : vector<128x16xf32> to vector<128xf32>
    %broadcast_in_dim3A = vector.shape_cast %reduce_sum3A_10 : vector<128xf32> to vector<128x1xf32>
    %sqrt3A = math.sqrt %broadcast_in_dim3A : vector<128x1xf32>
    %max3A = arith.constant 9.99999996E-13 : f32
    %max3A_11 = vector.broadcast %max3A : f32 to vector<128x1xf32>
    %max3A_12 = arith.maximumf %sqrt3A, %max3A_11 : vector<128x1xf32>
    %div3A = vector.broadcast %max3A_12 : vector<128x1xf32> to vector<128x16xf32>
    %div3A_13 = arith.divf %add3A_9, %div3A : vector<128x16xf32>
    %transpose3A = tpu.transpose %div3A_13, [1, 0] : vector<128x16xf32> -> vector<16x128xf32>
    %swap3A = arith.constant 0 : index
    %swap3A_14 = arith.constant 0 : index
    %swap3A_15 = vector.load %arg7[%swap3A, %swap3A_14] : memref<16x128xf32, #tpu.memory_space<vmem>>, vector<16x128xf32>
    tpu.vector_store %arg7[%swap3A, %swap3A_14], %transpose3A {strides = array<i32>} : memref<16x128xf32, #tpu.memory_space<vmem>>, vector<16x128xf32>,
    %get3A_16 = arith.constant 0 : index
    %get3A_17 = arith.constant 0 : index
    %get3A_18 = vector.load %arg3[%get3A_16, %get3A_17] : memref<96x96xf32, #tpu.memory_space<vmem>>, vector<96x96xf32>
    %dot_general3A_19 = arith.constant dense<0.000000e+00> : vector<128x96xf32>
    %dot_general3A_20 = tpu.matmul %get3A_1, %get3A_18, %dot_general3A_19 {dimension_numbers = #tpu.dot_dimension_numbers<[1], [0], [0], [1], [0, 0, 1, 1], [], []>, transpose_lhs_hint = false} : vector<128x96xf32>, vector<96x96xf32>, vector<128x96xf32> -> vector<128x96xf32>
    %get3A_21 = arith.constant 0 : index
    %get3A_22 = arith.constant 0 : index
    %get3A_23 = vector.load %arg4[%get3A_21, %get3A_22] : memref<1x96xf32, #tpu.memory_space<vmem>>, vector<1x96xf32>
    %add3A_24 = vector.broadcast %get3A_23 : vector<1x96xf32> to vector<128x96xf32>
    %add3A_25 = arith.addf %dot_general3A_20, %add3A_24 : vector<128x96xf32>
    %swap3A_26 = arith.constant 0 : index
    %swap3A_27 = arith.constant 0 : index
    %swap3A_28 = vector.load %arg8[%swap3A_26, %swap3A_27] : memref<128x96xf32, #tpu.memory_space<vmem>>, vector<128x96xf32>
    tpu.vector_store %arg8[%swap3A_26, %swap3A_27], %add3A_25 {strides = array<i32>} : memref<128x96xf32, #tpu.memory_space<vmem>>, vector<128x96xf32>,
    %get3A_29 = arith.constant 0 : index
    %get3A_30 = arith.constant 0 : index
    %get3A_31 = vector.load %arg5[%get3A_29, %get3A_30] : memref<32x128xi32, #tpu.memory_space<vmem>>, vector<32x128xi32>
    %iota3A = tpu.iota {dimensions = array<i32: 2>} : vector<32x128x256xi32>
    %broadcast_in_dim3A_32 = vector.shape_cast %get3A_31 : vector<32x128xi32> to vector<32x128x1xi32>
    %eq3A = vector.broadcast %broadcast_in_dim3A_32 : vector<32x128x1xi32> to vector<32x128x256xi32>
    %eq3A_33 = arith.cmpi eq, %eq3A, %iota3A : vector<32x128x256xi32>
    %convert_element_type3A = arith.extui %eq3A_33 : vector<32x128x256xi1> to vector<32x128x256xi32>
    %convert_element_type3A_34 = arith.sitofp %convert_element_type3A : vector<32x128x256xi32> to vector<32x128x256xf32>
    %reshape3A = vector.shape_cast %convert_element_type3A_34 : vector<32x128x256xf32> to vector<4096x256xf32>
    %get3A_35 = arith.constant 0 : index
    %get3A_36 = arith.constant 0 : index
    %get3A_37 = vector.load %arg6[%get3A_35, %get3A_36] : memref<256x8xf32, #tpu.memory_space<vmem>>, vector<256x8xf32>
    %dot_general3A_38 = arith.constant dense<0.000000e+00> : vector<4096x8xf32>
    %dot_general3A_39 = tpu.matmul %reshape3A, %get3A_37, %dot_general3A_38 {dimension_numbers = #tpu.dot_dimension_numbers<[1], [0], [0], [1], [0, 0, 1, 1], [], []>, transpose_lhs_hint = false} : vector<4096x256xf32>, vector<256x8xf32>, vector<4096x8xf32> -> vector<4096x8xf32>
    %transpose3A_40 = tpu.transpose %dot_general3A_39, [1, 0] : vector<4096x8xf32> -> vector<8x4096xf32>
    %reshape3A_41 = vector.shape_cast %transpose3A_40 : vector<8x4096xf32> to vector<8x64x64xf32>
    %swap3A_42 = arith.constant 0 : index
    %swap3A_43 = arith.constant 0 : index
    %swap3A_44 = arith.constant 0 : index
    %swap3A_45 = vector.load %arg9[%swap3A_42, %swap3A_43, %swap3A_44] : memref<8x64x64xf32, #tpu.memory_space<vmem>>, vector<8x64x64xf32>
    tpu.vector_store %arg9[%swap3A_42, %swap3A_43, %swap3A_44], %reshape3A_41 {strides = array<i32>} : memref<8x64x64xf32, #tpu.memory_space<vmem>>, vector<8x64x64xf32>,
    return
  }
}

module attributes {stable_mosaic.version = 14 : i64} {
  func.func @_b_body(%arg0: i32, %arg1: i32, %arg2: memref<1x14x128xi32, #tpu.memory_space<vmem>>, %arg3: memref<1x14x128xi32, #tpu.memory_space<vmem>>, %arg4: memref<128x1xf32, #tpu.memory_space<vmem>>, %arg5: memref<128x1xf32, #tpu.memory_space<vmem>>) attributes {dimension_semantics = [#tpu.dimension_semantics<arbitrary>, #tpu.dimension_semantics<arbitrary>], iteration_bounds = array<i64: 2, 28>, scalar_prefetch = 0 : i64, scratch_operands = 2 : i64, tpu.core_type = #tpu.core_type<tc>, window_params = [{transform_indices = @transform_0, window_bounds = array<i64: 1, 14, 128>}, {transform_indices = @transform_1, window_bounds = array<i64: 1, 14, 128>}]} {
    %eq3A = arith.constant 0 : i32
    %eq3A_0 = arith.cmpi eq, %arg0, %eq3A : i32
    %eq3A_1 = arith.constant 0 : i32
    %eq3A_2 = arith.cmpi eq, %arg1, %eq3A_1 : i32
    %and3A = arith.andi %eq3A_0, %eq3A_2 : i1
    %convert_element_type3A = arith.extui %and3A : i1 to i32
    %cond3A = arith.constant 0 : i32
    %cond3A_3 = arith.cmpi ne, %convert_element_type3A, %cond3A : i32
    scf.if %cond3A_3 {
      %broadcast_in_dim3A_335 = arith.constant 0.000000e+00 : f32
      %broadcast_in_dim3A_336 = vector.broadcast %broadcast_in_dim3A_335 : f32 to vector<128x1xf32>
      %swap3A = arith.constant 0 : index
      %swap3A_337 = arith.constant 0 : index
      %swap3A_338 = vector.load %arg4[%swap3A, %swap3A_337] : memref<128x1xf32, #tpu.memory_space<vmem>>, vector<128x1xf32>
      tpu.vector_store %arg4[%swap3A, %swap3A_337], %broadcast_in_dim3A_336 {strides = array<i32>} : memref<128x1xf32, #tpu.memory_space<vmem>>, vector<128x1xf32>,
    } else {
    }
    %eq3A_4 = arith.constant 1 : i32
    %eq3A_5 = arith.cmpi eq, %arg0, %eq3A_4 : i32
    %eq3A_6 = arith.constant 0 : i32
    %eq3A_7 = arith.cmpi eq, %arg1, %eq3A_6 : i32
    %and3A_8 = arith.andi %eq3A_5, %eq3A_7 : i1
    %convert_element_type3A_9 = arith.extui %and3A_8 : i1 to i32
    %cond3A_10 = arith.constant 0 : i32
    %cond3A_11 = arith.cmpi ne, %convert_element_type3A_9, %cond3A_10 : i32
    scf.if %cond3A_11 {
      %iota3A_335 = tpu.iota {dimensions = array<i32: 0>} : vector<128x128xi32>
      %iota3A_336 = tpu.iota {dimensions = array<i32: 1>} : vector<128x128xi32>
      %lt3A = arith.cmpi slt, %iota3A_336, %iota3A_335 : vector<128x128xi32>
      %convert_element_type3A_337 = arith.extui %lt3A : vector<128x128xi1> to vector<128x128xi32>
      %convert_element_type3A_338 = arith.sitofp %convert_element_type3A_337 : vector<128x128xi32> to vector<128x128xf32>
      %get3A_339 = arith.constant 0 : index
      %get3A_340 = arith.constant 0 : index
      %get3A_341 = vector.load %arg4[%get3A_339, %get3A_340] : memref<128x1xf32, #tpu.memory_space<vmem>>, vector<128x1xf32>
      %dot_general3A = arith.constant dense<0.000000e+00> : vector<128x1xf32>
      %dot_general3A_342 = tpu.matmul %convert_element_type3A_338, %get3A_341, %dot_general3A {dimension_numbers = #tpu.dot_dimension_numbers<[1], [0], [0], [1], [0, 0, 1, 1], [], []>, transpose_lhs_hint = false} : vector<128x128xf32>, vector<128x1xf32>, vector<128x1xf32> -> vector<128x1xf32>
      %swap3A = arith.constant 0 : index
      %swap3A_343 = arith.constant 0 : index
      %swap3A_344 = vector.load %arg5[%swap3A, %swap3A_343] : memref<128x1xf32, #tpu.memory_space<vmem>>, vector<128x1xf32>
      tpu.vector_store %arg5[%swap3A, %swap3A_343], %dot_general3A_342 {strides = array<i32>} : memref<128x1xf32, #tpu.memory_space<vmem>>, vector<128x1xf32>,
      %broadcast_in_dim3A_345 = arith.constant 0.000000e+00 : f32
      %broadcast_in_dim3A_346 = vector.broadcast %broadcast_in_dim3A_345 : f32 to vector<128x1xf32>
      %swap3A_347 = arith.constant 0 : index
      %swap3A_348 = arith.constant 0 : index
      %swap3A_349 = vector.load %arg4[%swap3A_347, %swap3A_348] : memref<128x1xf32, #tpu.memory_space<vmem>>, vector<128x1xf32>
      tpu.vector_store %arg4[%swap3A_347, %swap3A_348], %broadcast_in_dim3A_346 {strides = array<i32>} : memref<128x1xf32, #tpu.memory_space<vmem>>, vector<128x1xf32>,
    } else {
    }
    %iota3A = tpu.iota {dimensions = array<i32: 0>} : vector<128x128xi32>
    %iota3A_12 = tpu.iota {dimensions = array<i32: 0>} : vector<128x128xi32>
    %iota3A_13 = tpu.iota {dimensions = array<i32: 1>} : vector<128x128xi32>
    %le3A = arith.cmpi sle, %iota3A_12, %iota3A_13 : vector<128x128xi32>
    %convert_element_type3A_14 = arith.extui %le3A : vector<128x128xi1> to vector<128x128xi32>
    %convert_element_type3A_15 = arith.sitofp %convert_element_type3A_14 : vector<128x128xi32> to vector<128x128xf32>
    %get3A = arith.constant 0 : index
    %get3A_16 = arith.constant 0 : index
    %get3A_17 = arith.constant 0 : index
    %get3A_18 = vector.load %arg2[%get3A, %get3A_16, %get3A_17] : memref<1x14x128xi32, #tpu.memory_space<vmem>>, vector<1x1x128xi32>
    %get3A_19 = vector.shape_cast %get3A_18 : vector<1x1x128xi32> to vector<1x128xi32>
    %broadcast_in_dim3A = vector.shape_cast %get3A_19 : vector<1x128xi32> to vector<1x128xi32>
    %broadcast_in_dim3A_20 = vector.broadcast %broadcast_in_dim3A : vector<1x128xi32> to vector<128x128xi32>
    %eq3A_21 = arith.cmpi eq, %broadcast_in_dim3A_20, %iota3A : vector<128x128xi32>
    %convert_element_type3A_22 = arith.extui %eq3A_21 : vector<128x128xi1> to vector<128x128xi32>
    %convert_element_type3A_23 = arith.sitofp %convert_element_type3A_22 : vector<128x128xi32> to vector<128x128xf32>
    %reduce_sum3A = arith.constant dense<0.000000e+00> : vector<128xf32>
    %reduce_sum3A_24 = vector.multi_reduction <add>, %convert_element_type3A_23, %reduce_sum3A [1] : vector<128x128xf32> to vector<128xf32>
    %broadcast_in_dim3A_25 = vector.shape_cast %reduce_sum3A_24 : vector<128xf32> to vector<128x1xf32>
    %eq3A_26 = arith.constant 0 : i32
    %eq3A_27 = arith.cmpi eq, %arg0, %eq3A_26 : i32
    %convert_element_type3A_28 = arith.extui %eq3A_27 : i1 to i32
    %cond3A_29 = arith.constant 0 : i32
    %cond3A_30 = arith.cmpi ne, %convert_element_type3A_28, %cond3A_29 : i32
    scf.if %cond3A_30 {
      %get3A_335 = arith.constant 0 : index
      %get3A_336 = arith.constant 0 : index
      %get3A_337 = vector.load %arg4[%get3A_335, %get3A_336] : memref<128x1xf32, #tpu.memory_space<vmem>>, vector<128x1xf32>
      %add3A = arith.addf %get3A_337, %broadcast_in_dim3A_25 : vector<128x1xf32>
      %swap3A = arith.constant 0 : index
      %swap3A_338 = arith.constant 0 : index
      %swap3A_339 = vector.load %arg4[%swap3A, %swap3A_338] : memref<128x1xf32, #tpu.memory_space<vmem>>, vector<128x1xf32>
      tpu.vector_store %arg4[%swap3A, %swap3A_338], %add3A {strides = array<i32>} : memref<128x1xf32, #tpu.memory_space<vmem>>, vector<128x1xf32>,
    } else {
    }
    %eq3A_31 = arith.constant 1 : i32
    %eq3A_32 = arith.cmpi eq, %arg0, %eq3A_31 : i32
    %convert_element_type3A_33 = arith.extui %eq3A_32 : i1 to i32
    %cond3A_34 = arith.constant 0 : i32
    %cond3A_35 = arith.cmpi ne, %convert_element_type3A_33, %cond3A_34 : i32
    scf.if %cond3A_35 {
      %dot_general3A = arith.constant dense<0.000000e+00> : vector<128x128xf32>
      %dot_general3A_335 = tpu.matmul %convert_element_type3A_23, %convert_element_type3A_15, %dot_general3A {dimension_numbers = #tpu.dot_dimension_numbers<[1], [0], [0], [1], [0, 0, 1, 1], [], []>, transpose_lhs_hint = false} : vector<128x128xf32>, vector<128x128xf32>, vector<128x128xf32> -> vector<128x128xf32>
      %sub3A = arith.subf %dot_general3A_335, %convert_element_type3A_23 : vector<128x128xf32>
      %get3A_336 = arith.constant 0 : index
      %get3A_337 = arith.constant 0 : index
      %get3A_338 = vector.load %arg5[%get3A_336, %get3A_337] : memref<128x1xf32, #tpu.memory_space<vmem>>, vector<128x1xf32>
      %get3A_339 = arith.constant 0 : index
      %get3A_340 = arith.constant 0 : index
      %get3A_341 = vector.load %arg4[%get3A_339, %get3A_340] : memref<128x1xf32, #tpu.memory_space<vmem>>, vector<128x1xf32>
      %add3A = arith.addf %get3A_338, %get3A_341 : vector<128x1xf32>
      %add3A_342 = vector.broadcast %add3A : vector<128x1xf32> to vector<128x128xf32>
      %add3A_343 = arith.addf %sub3A, %add3A_342 : vector<128x128xf32>
      %mul3A = arith.mulf %convert_element_type3A_23, %add3A_343 : vector<128x128xf32>
      %reduce_sum3A_344 = arith.constant dense<0.000000e+00> : vector<128xf32>
      %reduce_sum3A_345 = vector.multi_reduction <add>, %mul3A, %reduce_sum3A_344 [0] : vector<128x128xf32> to vector<128xf32>
      %convert_element_type3A_346 = arith.fptosi %reduce_sum3A_345 : vector<128xf32> to vector<128xi32>
      %swap3A = arith.constant 0 : index
      %swap3A_347 = arith.constant 0 : index
      %swap3A_348 = arith.constant 0 : index
      %swap3A_349 = vector.load %arg3[%swap3A, %swap3A_347, %swap3A_348] : memref<1x14x128xi32, #tpu.memory_space<vmem>>, vector<1x1x128xi32>
      %swap3A_350 = vector.shape_cast %swap3A_349 : vector<1x1x128xi32> to vector<128xi32>
      %swap3A_351 = vector.shape_cast %convert_element_type3A_346 : vector<128xi32> to vector<1x1x128xi32>
      tpu.vector_store %arg3[%swap3A, %swap3A_347, %swap3A_348], %swap3A_351 {strides = array<i32>} : memref<1x14x128xi32, #tpu.memory_space<vmem>>, vector<1x1x128xi32>,
      %get3A_352 = arith.constant 0 : index
      %get3A_353 = arith.constant 0 : index
      %get3A_354 = vector.load %arg4[%get3A_352, %get3A_353] : memref<128x1xf32, #tpu.memory_space<vmem>>, vector<128x1xf32>
      %add3A_355 = arith.addf %get3A_354, %broadcast_in_dim3A_25 : vector<128x1xf32>
      %swap3A_356 = arith.constant 0 : index
      %swap3A_357 = arith.constant 0 : index
      %swap3A_358 = vector.load %arg4[%swap3A_356, %swap3A_357] : memref<128x1xf32, #tpu.memory_space<vmem>>, vector<128x1xf32>
      tpu.vector_store %arg4[%swap3A_356, %swap3A_357], %add3A_355 {strides = array<i32>} : memref<128x1xf32, #tpu.memory_space<vmem>>, vector<128x1xf32>,
    } else {
    }
    %get3A_36 = arith.constant 0 : index
    %get3A_37 = arith.constant 1 : index
    %get3A_38 = arith.constant 0 : index
    %get3A_39 = vector.load %arg2[%get3A_36, %get3A_37, %get3A_38] : memref<1x14x128xi32, #tpu.memory_space<vmem>>, vector<1x1x128xi32>
    %get3A_40 = vector.shape_cast %get3A_39 : vector<1x1x128xi32> to vector<1x128xi32>
    %broadcast_in_dim3A_41 = vector.shape_cast %get3A_40 : vector<1x128xi32> to vector<1x128xi32>
    %broadcast_in_dim3A_42 = vector.broadcast %broadcast_in_dim3A_41 : vector<1x128xi32> to vector<128x128xi32>
    %eq3A_43 = arith.cmpi eq, %broadcast_in_dim3A_42, %iota3A : vector<128x128xi32>
    %convert_element_type3A_44 = arith.extui %eq3A_43 : vector<128x128xi1> to vector<128x128xi32>
    %convert_element_type3A_45 = arith.sitofp %convert_element_type3A_44 : vector<128x128xi32> to vector<128x128xf32>
    %reduce_sum3A_46 = arith.constant dense<0.000000e+00> : vector<128xf32>
    %reduce_sum3A_47 = vector.multi_reduction <add>, %convert_element_type3A_45, %reduce_sum3A_46 [1] : vector<128x128xf32> to vector<128xf32>
    %broadcast_in_dim3A_48 = vector.shape_cast %reduce_sum3A_47 : vector<128xf32> to vector<128x1xf32>
    %eq3A_49 = arith.constant 0 : i32
    %eq3A_50 = arith.cmpi eq, %arg0, %eq3A_49 : i32
    %convert_element_type3A_51 = arith.extui %eq3A_50 : i1 to i32
    %cond3A_52 = arith.constant 0 : i32
    %cond3A_53 = arith.cmpi ne, %convert_element_type3A_51, %cond3A_52 : i32
    scf.if %cond3A_53 {
      %get3A_335 = arith.constant 0 : index
      %get3A_336 = arith.constant 0 : index
      %get3A_337 = vector.load %arg4[%get3A_335, %get3A_336] : memref<128x1xf32, #tpu.memory_space<vmem>>, vector<128x1xf32>
      %add3A = arith.addf %get3A_337, %broadcast_in_dim3A_48 : vector<128x1xf32>
      %swap3A = arith.constant 0 : index
      %swap3A_338 = arith.constant 0 : index
      %swap3A_339 = vector.load %arg4[%swap3A, %swap3A_338] : memref<128x1xf32, #tpu.memory_space<vmem>>, vector<128x1xf32>
      tpu.vector_store %arg4[%swap3A, %swap3A_338], %add3A {strides = array<i32>} : memref<128x1xf32, #tpu.memory_space<vmem>>, vector<128x1xf32>,
    } else {
    }
    %eq3A_54 = arith.constant 1 : i32
    %eq3A_55 = arith.cmpi eq, %arg0, %eq3A_54 : i32
    %convert_element_type3A_56 = arith.extui %eq3A_55 : i1 to i32
    %cond3A_57 = arith.constant 0 : i32
    %cond3A_58 = arith.cmpi ne, %convert_element_type3A_56, %cond3A_57 : i32
    scf.if %cond3A_58 {
      %dot_general3A = arith.constant dense<0.000000e+00> : vector<128x128xf32>
      %dot_general3A_335 = tpu.matmul %convert_element_type3A_45, %convert_element_type3A_15, %dot_general3A {dimension_numbers = #tpu.dot_dimension_numbers<[1], [0], [0], [1], [0, 0, 1, 1], [], []>, transpose_lhs_hint = false} : vector<128x128xf32>, vector<128x128xf32>, vector<128x128xf32> -> vector<128x128xf32>
      %sub3A = arith.subf %dot_general3A_335, %convert_element_type3A_45 : vector<128x128xf32>
      %get3A_336 = arith.constant 0 : index
      %get3A_337 = arith.constant 0 : index
      %get3A_338 = vector.load %arg5[%get3A_336, %get3A_337] : memref<128x1xf32, #tpu.memory_space<vmem>>, vector<128x1xf32>
      %get3A_339 = arith.constant 0 : index
      %get3A_340 = arith.constant 0 : index
      %get3A_341 = vector.load %arg4[%get3A_339, %get3A_340] : memref<128x1xf32, #tpu.memory_space<vmem>>, vector<128x1xf32>
      %add3A = arith.addf %get3A_338, %get3A_341 : vector<128x1xf32>
      %add3A_342 = vector.broadcast %add3A : vector<128x1xf32> to vector<128x128xf32>
      %add3A_343 = arith.addf %sub3A, %add3A_342 : vector<128x128xf32>
      %mul3A = arith.mulf %convert_element_type3A_45, %add3A_343 : vector<128x128xf32>
      %reduce_sum3A_344 = arith.constant dense<0.000000e+00> : vector<128xf32>
      %reduce_sum3A_345 = vector.multi_reduction <add>, %mul3A, %reduce_sum3A_344 [0] : vector<128x128xf32> to vector<128xf32>
      %convert_element_type3A_346 = arith.fptosi %reduce_sum3A_345 : vector<128xf32> to vector<128xi32>
      %swap3A = arith.constant 0 : index
      %swap3A_347 = arith.constant 1 : index
      %swap3A_348 = arith.constant 0 : index
      %swap3A_349 = vector.load %arg3[%swap3A, %swap3A_347, %swap3A_348] : memref<1x14x128xi32, #tpu.memory_space<vmem>>, vector<1x1x128xi32>
      %swap3A_350 = vector.shape_cast %swap3A_349 : vector<1x1x128xi32> to vector<128xi32>
      %swap3A_351 = vector.shape_cast %convert_element_type3A_346 : vector<128xi32> to vector<1x1x128xi32>
      tpu.vector_store %arg3[%swap3A, %swap3A_347, %swap3A_348], %swap3A_351 {strides = array<i32>} : memref<1x14x128xi32, #tpu.memory_space<vmem>>, vector<1x1x128xi32>,
      %get3A_352 = arith.constant 0 : index
      %get3A_353 = arith.constant 0 : index
      %get3A_354 = vector.load %arg4[%get3A_352, %get3A_353] : memref<128x1xf32, #tpu.memory_space<vmem>>, vector<128x1xf32>
      %add3A_355 = arith.addf %get3A_354, %broadcast_in_dim3A_48 : vector<128x1xf32>
      %swap3A_356 = arith.constant 0 : index
      %swap3A_357 = arith.constant 0 : index
      %swap3A_358 = vector.load %arg4[%swap3A_356, %swap3A_357] : memref<128x1xf32, #tpu.memory_space<vmem>>, vector<128x1xf32>
      tpu.vector_store %arg4[%swap3A_356, %swap3A_357], %add3A_355 {strides = array<i32>} : memref<128x1xf32, #tpu.memory_space<vmem>>, vector<128x1xf32>,
    } else {
    }
    %get3A_59 = arith.constant 0 : index
    %get3A_60 = arith.constant 2 : index
    %get3A_61 = arith.constant 0 : index
    %get3A_62 = vector.load %arg2[%get3A_59, %get3A_60, %get3A_61] : memref<1x14x128xi32, #tpu.memory_space<vmem>>, vector<1x1x128xi32>
    %get3A_63 = vector.shape_cast %get3A_62 : vector<1x1x128xi32> to vector<1x128xi32>
    %broadcast_in_dim3A_64 = vector.shape_cast %get3A_63 : vector<1x128xi32> to vector<1x128xi32>
    %broadcast_in_dim3A_65 = vector.broadcast %broadcast_in_dim3A_64 : vector<1x128xi32> to vector<128x128xi32>
    %eq3A_66 = arith.cmpi eq, %broadcast_in_dim3A_65, %iota3A : vector<128x128xi32>
    %convert_element_type3A_67 = arith.extui %eq3A_66 : vector<128x128xi1> to vector<128x128xi32>
    %convert_element_type3A_68 = arith.sitofp %convert_element_type3A_67 : vector<128x128xi32> to vector<128x128xf32>
    %reduce_sum3A_69 = arith.constant dense<0.000000e+00> : vector<128xf32>
    %reduce_sum3A_70 = vector.multi_reduction <add>, %convert_element_type3A_68, %reduce_sum3A_69 [1] : vector<128x128xf32> to vector<128xf32>
    %broadcast_in_dim3A_71 = vector.shape_cast %reduce_sum3A_70 : vector<128xf32> to vector<128x1xf32>
    %eq3A_72 = arith.constant 0 : i32
    %eq3A_73 = arith.cmpi eq, %arg0, %eq3A_72 : i32
    %convert_element_type3A_74 = arith.extui %eq3A_73 : i1 to i32
    %cond3A_75 = arith.constant 0 : i32
    %cond3A_76 = arith.cmpi ne, %convert_element_type3A_74, %cond3A_75 : i32
    scf.if %cond3A_76 {
      %get3A_335 = arith.constant 0 : index
      %get3A_336 = arith.constant 0 : index
      %get3A_337 = vector.load %arg4[%get3A_335, %get3A_336] : memref<128x1xf32, #tpu.memory_space<vmem>>, vector<128x1xf32>
      %add3A = arith.addf %get3A_337, %broadcast_in_dim3A_71 : vector<128x1xf32>
      %swap3A = arith.constant 0 : index
      %swap3A_338 = arith.constant 0 : index
      %swap3A_339 = vector.load %arg4[%swap3A, %swap3A_338] : memref<128x1xf32, #tpu.memory_space<vmem>>, vector<128x1xf32>
      tpu.vector_store %arg4[%swap3A, %swap3A_338], %add3A {strides = array<i32>} : memref<128x1xf32, #tpu.memory_space<vmem>>, vector<128x1xf32>,
    } else {
    }
    %eq3A_77 = arith.constant 1 : i32
    %eq3A_78 = arith.cmpi eq, %arg0, %eq3A_77 : i32
    %convert_element_type3A_79 = arith.extui %eq3A_78 : i1 to i32
    %cond3A_80 = arith.constant 0 : i32
    %cond3A_81 = arith.cmpi ne, %convert_element_type3A_79, %cond3A_80 : i32
    scf.if %cond3A_81 {
      %dot_general3A = arith.constant dense<0.000000e+00> : vector<128x128xf32>
      %dot_general3A_335 = tpu.matmul %convert_element_type3A_68, %convert_element_type3A_15, %dot_general3A {dimension_numbers = #tpu.dot_dimension_numbers<[1], [0], [0], [1], [0, 0, 1, 1], [], []>, transpose_lhs_hint = false} : vector<128x128xf32>, vector<128x128xf32>, vector<128x128xf32> -> vector<128x128xf32>
      %sub3A = arith.subf %dot_general3A_335, %convert_element_type3A_68 : vector<128x128xf32>
      %get3A_336 = arith.constant 0 : index
      %get3A_337 = arith.constant 0 : index
      %get3A_338 = vector.load %arg5[%get3A_336, %get3A_337] : memref<128x1xf32, #tpu.memory_space<vmem>>, vector<128x1xf32>
      %get3A_339 = arith.constant 0 : index
      %get3A_340 = arith.constant 0 : index
      %get3A_341 = vector.load %arg4[%get3A_339, %get3A_340] : memref<128x1xf32, #tpu.memory_space<vmem>>, vector<128x1xf32>
      %add3A = arith.addf %get3A_338, %get3A_341 : vector<128x1xf32>
      %add3A_342 = vector.broadcast %add3A : vector<128x1xf32> to vector<128x128xf32>
      %add3A_343 = arith.addf %sub3A, %add3A_342 : vector<128x128xf32>
      %mul3A = arith.mulf %convert_element_type3A_68, %add3A_343 : vector<128x128xf32>
      %reduce_sum3A_344 = arith.constant dense<0.000000e+00> : vector<128xf32>
      %reduce_sum3A_345 = vector.multi_reduction <add>, %mul3A, %reduce_sum3A_344 [0] : vector<128x128xf32> to vector<128xf32>
      %convert_element_type3A_346 = arith.fptosi %reduce_sum3A_345 : vector<128xf32> to vector<128xi32>
      %swap3A = arith.constant 0 : index
      %swap3A_347 = arith.constant 2 : index
      %swap3A_348 = arith.constant 0 : index
      %swap3A_349 = vector.load %arg3[%swap3A, %swap3A_347, %swap3A_348] : memref<1x14x128xi32, #tpu.memory_space<vmem>>, vector<1x1x128xi32>
      %swap3A_350 = vector.shape_cast %swap3A_349 : vector<1x1x128xi32> to vector<128xi32>
      %swap3A_351 = vector.shape_cast %convert_element_type3A_346 : vector<128xi32> to vector<1x1x128xi32>
      tpu.vector_store %arg3[%swap3A, %swap3A_347, %swap3A_348], %swap3A_351 {strides = array<i32>} : memref<1x14x128xi32, #tpu.memory_space<vmem>>, vector<1x1x128xi32>,
      %get3A_352 = arith.constant 0 : index
      %get3A_353 = arith.constant 0 : index
      %get3A_354 = vector.load %arg4[%get3A_352, %get3A_353] : memref<128x1xf32, #tpu.memory_space<vmem>>, vector<128x1xf32>
      %add3A_355 = arith.addf %get3A_354, %broadcast_in_dim3A_71 : vector<128x1xf32>
      %swap3A_356 = arith.constant 0 : index
      %swap3A_357 = arith.constant 0 : index
      %swap3A_358 = vector.load %arg4[%swap3A_356, %swap3A_357] : memref<128x1xf32, #tpu.memory_space<vmem>>, vector<128x1xf32>
      tpu.vector_store %arg4[%swap3A_356, %swap3A_357], %add3A_355 {strides = array<i32>} : memref<128x1xf32, #tpu.memory_space<vmem>>, vector<128x1xf32>,
    } else {
    }
    %get3A_82 = arith.constant 0 : index
    %get3A_83 = arith.constant 3 : index
    %get3A_84 = arith.constant 0 : index
    %get3A_85 = vector.load %arg2[%get3A_82, %get3A_83, %get3A_84] : memref<1x14x128xi32, #tpu.memory_space<vmem>>, vector<1x1x128xi32>
    %get3A_86 = vector.shape_cast %get3A_85 : vector<1x1x128xi32> to vector<1x128xi32>
    %broadcast_in_dim3A_87 = vector.shape_cast %get3A_86 : vector<1x128xi32> to vector<1x128xi32>
    %broadcast_in_dim3A_88 = vector.broadcast %broadcast_in_dim3A_87 : vector<1x128xi32> to vector<128x128xi32>
    %eq3A_89 = arith.cmpi eq, %broadcast_in_dim3A_88, %iota3A : vector<128x128xi32>
    %convert_element_type3A_90 = arith.extui %eq3A_89 : vector<128x128xi1> to vector<128x128xi32>
    %convert_element_type3A_91 = arith.sitofp %convert_element_type3A_90 : vector<128x128xi32> to vector<128x128xf32>
    %reduce_sum3A_92 = arith.constant dense<0.000000e+00> : vector<128xf32>
    %reduce_sum3A_93 = vector.multi_reduction <add>, %convert_element_type3A_91, %reduce_sum3A_92 [1] : vector<128x128xf32> to vector<128xf32>
    %broadcast_in_dim3A_94 = vector.shape_cast %reduce_sum3A_93 : vector<128xf32> to vector<128x1xf32>
    %eq3A_95 = arith.constant 0 : i32
    %eq3A_96 = arith.cmpi eq, %arg0, %eq3A_95 : i32
    %convert_element_type3A_97 = arith.extui %eq3A_96 : i1 to i32
    %cond3A_98 = arith.constant 0 : i32
    %cond3A_99 = arith.cmpi ne, %convert_element_type3A_97, %cond3A_98 : i32
    scf.if %cond3A_99 {
      %get3A_335 = arith.constant 0 : index
      %get3A_336 = arith.constant 0 : index
      %get3A_337 = vector.load %arg4[%get3A_335, %get3A_336] : memref<128x1xf32, #tpu.memory_space<vmem>>, vector<128x1xf32>
      %add3A = arith.addf %get3A_337, %broadcast_in_dim3A_94 : vector<128x1xf32>
      %swap3A = arith.constant 0 : index
      %swap3A_338 = arith.constant 0 : index
      %swap3A_339 = vector.load %arg4[%swap3A, %swap3A_338] : memref<128x1xf32, #tpu.memory_space<vmem>>, vector<128x1xf32>
      tpu.vector_store %arg4[%swap3A, %swap3A_338], %add3A {strides = array<i32>} : memref<128x1xf32, #tpu.memory_space<vmem>>, vector<128x1xf32>,
    } else {
    }
    %eq3A_100 = arith.constant 1 : i32
    %eq3A_101 = arith.cmpi eq, %arg0, %eq3A_100 : i32
    %convert_element_type3A_102 = arith.extui %eq3A_101 : i1 to i32
    %cond3A_103 = arith.constant 0 : i32
    %cond3A_104 = arith.cmpi ne, %convert_element_type3A_102, %cond3A_103 : i32
    scf.if %cond3A_104 {
      %dot_general3A = arith.constant dense<0.000000e+00> : vector<128x128xf32>
      %dot_general3A_335 = tpu.matmul %convert_element_type3A_91, %convert_element_type3A_15, %dot_general3A {dimension_numbers = #tpu.dot_dimension_numbers<[1], [0], [0], [1], [0, 0, 1, 1], [], []>, transpose_lhs_hint = false} : vector<128x128xf32>, vector<128x128xf32>, vector<128x128xf32> -> vector<128x128xf32>
      %sub3A = arith.subf %dot_general3A_335, %convert_element_type3A_91 : vector<128x128xf32>
      %get3A_336 = arith.constant 0 : index
      %get3A_337 = arith.constant 0 : index
      %get3A_338 = vector.load %arg5[%get3A_336, %get3A_337] : memref<128x1xf32, #tpu.memory_space<vmem>>, vector<128x1xf32>
      %get3A_339 = arith.constant 0 : index
      %get3A_340 = arith.constant 0 : index
      %get3A_341 = vector.load %arg4[%get3A_339, %get3A_340] : memref<128x1xf32, #tpu.memory_space<vmem>>, vector<128x1xf32>
      %add3A = arith.addf %get3A_338, %get3A_341 : vector<128x1xf32>
      %add3A_342 = vector.broadcast %add3A : vector<128x1xf32> to vector<128x128xf32>
      %add3A_343 = arith.addf %sub3A, %add3A_342 : vector<128x128xf32>
      %mul3A = arith.mulf %convert_element_type3A_91, %add3A_343 : vector<128x128xf32>
      %reduce_sum3A_344 = arith.constant dense<0.000000e+00> : vector<128xf32>
      %reduce_sum3A_345 = vector.multi_reduction <add>, %mul3A, %reduce_sum3A_344 [0] : vector<128x128xf32> to vector<128xf32>
      %convert_element_type3A_346 = arith.fptosi %reduce_sum3A_345 : vector<128xf32> to vector<128xi32>
      %swap3A = arith.constant 0 : index
      %swap3A_347 = arith.constant 3 : index
      %swap3A_348 = arith.constant 0 : index
      %swap3A_349 = vector.load %arg3[%swap3A, %swap3A_347, %swap3A_348] : memref<1x14x128xi32, #tpu.memory_space<vmem>>, vector<1x1x128xi32>
      %swap3A_350 = vector.shape_cast %swap3A_349 : vector<1x1x128xi32> to vector<128xi32>
      %swap3A_351 = vector.shape_cast %convert_element_type3A_346 : vector<128xi32> to vector<1x1x128xi32>
      tpu.vector_store %arg3[%swap3A, %swap3A_347, %swap3A_348], %swap3A_351 {strides = array<i32>} : memref<1x14x128xi32, #tpu.memory_space<vmem>>, vector<1x1x128xi32>,
      %get3A_352 = arith.constant 0 : index
      %get3A_353 = arith.constant 0 : index
      %get3A_354 = vector.load %arg4[%get3A_352, %get3A_353] : memref<128x1xf32, #tpu.memory_space<vmem>>, vector<128x1xf32>
      %add3A_355 = arith.addf %get3A_354, %broadcast_in_dim3A_94 : vector<128x1xf32>
      %swap3A_356 = arith.constant 0 : index
      %swap3A_357 = arith.constant 0 : index
      %swap3A_358 = vector.load %arg4[%swap3A_356, %swap3A_357] : memref<128x1xf32, #tpu.memory_space<vmem>>, vector<128x1xf32>
      tpu.vector_store %arg4[%swap3A_356, %swap3A_357], %add3A_355 {strides = array<i32>} : memref<128x1xf32, #tpu.memory_space<vmem>>, vector<128x1xf32>,
    } else {
    }
    %get3A_105 = arith.constant 0 : index
    %get3A_106 = arith.constant 4 : index
    %get3A_107 = arith.constant 0 : index
    %get3A_108 = vector.load %arg2[%get3A_105, %get3A_106, %get3A_107] : memref<1x14x128xi32, #tpu.memory_space<vmem>>, vector<1x1x128xi32>
    %get3A_109 = vector.shape_cast %get3A_108 : vector<1x1x128xi32> to vector<1x128xi32>
    %broadcast_in_dim3A_110 = vector.shape_cast %get3A_109 : vector<1x128xi32> to vector<1x128xi32>
    %broadcast_in_dim3A_111 = vector.broadcast %broadcast_in_dim3A_110 : vector<1x128xi32> to vector<128x128xi32>
    %eq3A_112 = arith.cmpi eq, %broadcast_in_dim3A_111, %iota3A : vector<128x128xi32>
    %convert_element_type3A_113 = arith.extui %eq3A_112 : vector<128x128xi1> to vector<128x128xi32>
    %convert_element_type3A_114 = arith.sitofp %convert_element_type3A_113 : vector<128x128xi32> to vector<128x128xf32>
    %reduce_sum3A_115 = arith.constant dense<0.000000e+00> : vector<128xf32>
    %reduce_sum3A_116 = vector.multi_reduction <add>, %convert_element_type3A_114, %reduce_sum3A_115 [1] : vector<128x128xf32> to vector<128xf32>
    %broadcast_in_dim3A_117 = vector.shape_cast %reduce_sum3A_116 : vector<128xf32> to vector<128x1xf32>
    %eq3A_118 = arith.constant 0 : i32
    %eq3A_119 = arith.cmpi eq, %arg0, %eq3A_118 : i32
    %convert_element_type3A_120 = arith.extui %eq3A_119 : i1 to i32
    %cond3A_121 = arith.constant 0 : i32
    %cond3A_122 = arith.cmpi ne, %convert_element_type3A_120, %cond3A_121 : i32
    scf.if %cond3A_122 {
      %get3A_335 = arith.constant 0 : index
      %get3A_336 = arith.constant 0 : index
      %get3A_337 = vector.load %arg4[%get3A_335, %get3A_336] : memref<128x1xf32, #tpu.memory_space<vmem>>, vector<128x1xf32>
      %add3A = arith.addf %get3A_337, %broadcast_in_dim3A_117 : vector<128x1xf32>
      %swap3A = arith.constant 0 : index
      %swap3A_338 = arith.constant 0 : index
      %swap3A_339 = vector.load %arg4[%swap3A, %swap3A_338] : memref<128x1xf32, #tpu.memory_space<vmem>>, vector<128x1xf32>
      tpu.vector_store %arg4[%swap3A, %swap3A_338], %add3A {strides = array<i32>} : memref<128x1xf32, #tpu.memory_space<vmem>>, vector<128x1xf32>,
    } else {
    }
    %eq3A_123 = arith.constant 1 : i32
    %eq3A_124 = arith.cmpi eq, %arg0, %eq3A_123 : i32
    %convert_element_type3A_125 = arith.extui %eq3A_124 : i1 to i32
    %cond3A_126 = arith.constant 0 : i32
    %cond3A_127 = arith.cmpi ne, %convert_element_type3A_125, %cond3A_126 : i32
    scf.if %cond3A_127 {
      %dot_general3A = arith.constant dense<0.000000e+00> : vector<128x128xf32>
      %dot_general3A_335 = tpu.matmul %convert_element_type3A_114, %convert_element_type3A_15, %dot_general3A {dimension_numbers = #tpu.dot_dimension_numbers<[1], [0], [0], [1], [0, 0, 1, 1], [], []>, transpose_lhs_hint = false} : vector<128x128xf32>, vector<128x128xf32>, vector<128x128xf32> -> vector<128x128xf32>
      %sub3A = arith.subf %dot_general3A_335, %convert_element_type3A_114 : vector<128x128xf32>
      %get3A_336 = arith.constant 0 : index
      %get3A_337 = arith.constant 0 : index
      %get3A_338 = vector.load %arg5[%get3A_336, %get3A_337] : memref<128x1xf32, #tpu.memory_space<vmem>>, vector<128x1xf32>
      %get3A_339 = arith.constant 0 : index
      %get3A_340 = arith.constant 0 : index
      %get3A_341 = vector.load %arg4[%get3A_339, %get3A_340] : memref<128x1xf32, #tpu.memory_space<vmem>>, vector<128x1xf32>
      %add3A = arith.addf %get3A_338, %get3A_341 : vector<128x1xf32>
      %add3A_342 = vector.broadcast %add3A : vector<128x1xf32> to vector<128x128xf32>
      %add3A_343 = arith.addf %sub3A, %add3A_342 : vector<128x128xf32>
      %mul3A = arith.mulf %convert_element_type3A_114, %add3A_343 : vector<128x128xf32>
      %reduce_sum3A_344 = arith.constant dense<0.000000e+00> : vector<128xf32>
      %reduce_sum3A_345 = vector.multi_reduction <add>, %mul3A, %reduce_sum3A_344 [0] : vector<128x128xf32> to vector<128xf32>
      %convert_element_type3A_346 = arith.fptosi %reduce_sum3A_345 : vector<128xf32> to vector<128xi32>
      %swap3A = arith.constant 0 : index
      %swap3A_347 = arith.constant 4 : index
      %swap3A_348 = arith.constant 0 : index
      %swap3A_349 = vector.load %arg3[%swap3A, %swap3A_347, %swap3A_348] : memref<1x14x128xi32, #tpu.memory_space<vmem>>, vector<1x1x128xi32>
      %swap3A_350 = vector.shape_cast %swap3A_349 : vector<1x1x128xi32> to vector<128xi32>
      %swap3A_351 = vector.shape_cast %convert_element_type3A_346 : vector<128xi32> to vector<1x1x128xi32>
      tpu.vector_store %arg3[%swap3A, %swap3A_347, %swap3A_348], %swap3A_351 {strides = array<i32>} : memref<1x14x128xi32, #tpu.memory_space<vmem>>, vector<1x1x128xi32>,
      %get3A_352 = arith.constant 0 : index
      %get3A_353 = arith.constant 0 : index
      %get3A_354 = vector.load %arg4[%get3A_352, %get3A_353] : memref<128x1xf32, #tpu.memory_space<vmem>>, vector<128x1xf32>
      %add3A_355 = arith.addf %get3A_354, %broadcast_in_dim3A_117 : vector<128x1xf32>
      %swap3A_356 = arith.constant 0 : index
      %swap3A_357 = arith.constant 0 : index
      %swap3A_358 = vector.load %arg4[%swap3A_356, %swap3A_357] : memref<128x1xf32, #tpu.memory_space<vmem>>, vector<128x1xf32>
      tpu.vector_store %arg4[%swap3A_356, %swap3A_357], %add3A_355 {strides = array<i32>} : memref<128x1xf32, #tpu.memory_space<vmem>>, vector<128x1xf32>,
    } else {
    }
    %get3A_128 = arith.constant 0 : index
    %get3A_129 = arith.constant 5 : index
    %get3A_130 = arith.constant 0 : index
    %get3A_131 = vector.load %arg2[%get3A_128, %get3A_129, %get3A_130] : memref<1x14x128xi32, #tpu.memory_space<vmem>>, vector<1x1x128xi32>
    %get3A_132 = vector.shape_cast %get3A_131 : vector<1x1x128xi32> to vector<1x128xi32>
    %broadcast_in_dim3A_133 = vector.shape_cast %get3A_132 : vector<1x128xi32> to vector<1x128xi32>
    %broadcast_in_dim3A_134 = vector.broadcast %broadcast_in_dim3A_133 : vector<1x128xi32> to vector<128x128xi32>
    %eq3A_135 = arith.cmpi eq, %broadcast_in_dim3A_134, %iota3A : vector<128x128xi32>
    %convert_element_type3A_136 = arith.extui %eq3A_135 : vector<128x128xi1> to vector<128x128xi32>
    %convert_element_type3A_137 = arith.sitofp %convert_element_type3A_136 : vector<128x128xi32> to vector<128x128xf32>
    %reduce_sum3A_138 = arith.constant dense<0.000000e+00> : vector<128xf32>
    %reduce_sum3A_139 = vector.multi_reduction <add>, %convert_element_type3A_137, %reduce_sum3A_138 [1] : vector<128x128xf32> to vector<128xf32>
    %broadcast_in_dim3A_140 = vector.shape_cast %reduce_sum3A_139 : vector<128xf32> to vector<128x1xf32>
    %eq3A_141 = arith.constant 0 : i32
    %eq3A_142 = arith.cmpi eq, %arg0, %eq3A_141 : i32
    %convert_element_type3A_143 = arith.extui %eq3A_142 : i1 to i32
    %cond3A_144 = arith.constant 0 : i32
    %cond3A_145 = arith.cmpi ne, %convert_element_type3A_143, %cond3A_144 : i32
    scf.if %cond3A_145 {
      %get3A_335 = arith.constant 0 : index
      %get3A_336 = arith.constant 0 : index
      %get3A_337 = vector.load %arg4[%get3A_335, %get3A_336] : memref<128x1xf32, #tpu.memory_space<vmem>>, vector<128x1xf32>
      %add3A = arith.addf %get3A_337, %broadcast_in_dim3A_140 : vector<128x1xf32>
      %swap3A = arith.constant 0 : index
      %swap3A_338 = arith.constant 0 : index
      %swap3A_339 = vector.load %arg4[%swap3A, %swap3A_338] : memref<128x1xf32, #tpu.memory_space<vmem>>, vector<128x1xf32>
      tpu.vector_store %arg4[%swap3A, %swap3A_338], %add3A {strides = array<i32>} : memref<128x1xf32, #tpu.memory_space<vmem>>, vector<128x1xf32>,
    } else {
    }
    %eq3A_146 = arith.constant 1 : i32
    %eq3A_147 = arith.cmpi eq, %arg0, %eq3A_146 : i32
    %convert_element_type3A_148 = arith.extui %eq3A_147 : i1 to i32
    %cond3A_149 = arith.constant 0 : i32
    %cond3A_150 = arith.cmpi ne, %convert_element_type3A_148, %cond3A_149 : i32
    scf.if %cond3A_150 {
      %dot_general3A = arith.constant dense<0.000000e+00> : vector<128x128xf32>
      %dot_general3A_335 = tpu.matmul %convert_element_type3A_137, %convert_element_type3A_15, %dot_general3A {dimension_numbers = #tpu.dot_dimension_numbers<[1], [0], [0], [1], [0, 0, 1, 1], [], []>, transpose_lhs_hint = false} : vector<128x128xf32>, vector<128x128xf32>, vector<128x128xf32> -> vector<128x128xf32>
      %sub3A = arith.subf %dot_general3A_335, %convert_element_type3A_137 : vector<128x128xf32>
      %get3A_336 = arith.constant 0 : index
      %get3A_337 = arith.constant 0 : index
      %get3A_338 = vector.load %arg5[%get3A_336, %get3A_337] : memref<128x1xf32, #tpu.memory_space<vmem>>, vector<128x1xf32>
      %get3A_339 = arith.constant 0 : index
      %get3A_340 = arith.constant 0 : index
      %get3A_341 = vector.load %arg4[%get3A_339, %get3A_340] : memref<128x1xf32, #tpu.memory_space<vmem>>, vector<128x1xf32>
      %add3A = arith.addf %get3A_338, %get3A_341 : vector<128x1xf32>
      %add3A_342 = vector.broadcast %add3A : vector<128x1xf32> to vector<128x128xf32>
      %add3A_343 = arith.addf %sub3A, %add3A_342 : vector<128x128xf32>
      %mul3A = arith.mulf %convert_element_type3A_137, %add3A_343 : vector<128x128xf32>
      %reduce_sum3A_344 = arith.constant dense<0.000000e+00> : vector<128xf32>
      %reduce_sum3A_345 = vector.multi_reduction <add>, %mul3A, %reduce_sum3A_344 [0] : vector<128x128xf32> to vector<128xf32>
      %convert_element_type3A_346 = arith.fptosi %reduce_sum3A_345 : vector<128xf32> to vector<128xi32>
      %swap3A = arith.constant 0 : index
      %swap3A_347 = arith.constant 5 : index
      %swap3A_348 = arith.constant 0 : index
      %swap3A_349 = vector.load %arg3[%swap3A, %swap3A_347, %swap3A_348] : memref<1x14x128xi32, #tpu.memory_space<vmem>>, vector<1x1x128xi32>
      %swap3A_350 = vector.shape_cast %swap3A_349 : vector<1x1x128xi32> to vector<128xi32>
      %swap3A_351 = vector.shape_cast %convert_element_type3A_346 : vector<128xi32> to vector<1x1x128xi32>
      tpu.vector_store %arg3[%swap3A, %swap3A_347, %swap3A_348], %swap3A_351 {strides = array<i32>} : memref<1x14x128xi32, #tpu.memory_space<vmem>>, vector<1x1x128xi32>,
      %get3A_352 = arith.constant 0 : index
      %get3A_353 = arith.constant 0 : index
      %get3A_354 = vector.load %arg4[%get3A_352, %get3A_353] : memref<128x1xf32, #tpu.memory_space<vmem>>, vector<128x1xf32>
      %add3A_355 = arith.addf %get3A_354, %broadcast_in_dim3A_140 : vector<128x1xf32>
      %swap3A_356 = arith.constant 0 : index
      %swap3A_357 = arith.constant 0 : index
      %swap3A_358 = vector.load %arg4[%swap3A_356, %swap3A_357] : memref<128x1xf32, #tpu.memory_space<vmem>>, vector<128x1xf32>
      tpu.vector_store %arg4[%swap3A_356, %swap3A_357], %add3A_355 {strides = array<i32>} : memref<128x1xf32, #tpu.memory_space<vmem>>, vector<128x1xf32>,
    } else {
    }
    %get3A_151 = arith.constant 0 : index
    %get3A_152 = arith.constant 6 : index
    %get3A_153 = arith.constant 0 : index
    %get3A_154 = vector.load %arg2[%get3A_151, %get3A_152, %get3A_153] : memref<1x14x128xi32, #tpu.memory_space<vmem>>, vector<1x1x128xi32>
    %get3A_155 = vector.shape_cast %get3A_154 : vector<1x1x128xi32> to vector<1x128xi32>
    %broadcast_in_dim3A_156 = vector.shape_cast %get3A_155 : vector<1x128xi32> to vector<1x128xi32>
    %broadcast_in_dim3A_157 = vector.broadcast %broadcast_in_dim3A_156 : vector<1x128xi32> to vector<128x128xi32>
    %eq3A_158 = arith.cmpi eq, %broadcast_in_dim3A_157, %iota3A : vector<128x128xi32>
    %convert_element_type3A_159 = arith.extui %eq3A_158 : vector<128x128xi1> to vector<128x128xi32>
    %convert_element_type3A_160 = arith.sitofp %convert_element_type3A_159 : vector<128x128xi32> to vector<128x128xf32>
    %reduce_sum3A_161 = arith.constant dense<0.000000e+00> : vector<128xf32>
    %reduce_sum3A_162 = vector.multi_reduction <add>, %convert_element_type3A_160, %reduce_sum3A_161 [1] : vector<128x128xf32> to vector<128xf32>
    %broadcast_in_dim3A_163 = vector.shape_cast %reduce_sum3A_162 : vector<128xf32> to vector<128x1xf32>
    %eq3A_164 = arith.constant 0 : i32
    %eq3A_165 = arith.cmpi eq, %arg0, %eq3A_164 : i32
    %convert_element_type3A_166 = arith.extui %eq3A_165 : i1 to i32
    %cond3A_167 = arith.constant 0 : i32
    %cond3A_168 = arith.cmpi ne, %convert_element_type3A_166, %cond3A_167 : i32
    scf.if %cond3A_168 {
      %get3A_335 = arith.constant 0 : index
      %get3A_336 = arith.constant 0 : index
      %get3A_337 = vector.load %arg4[%get3A_335, %get3A_336] : memref<128x1xf32, #tpu.memory_space<vmem>>, vector<128x1xf32>
      %add3A = arith.addf %get3A_337, %broadcast_in_dim3A_163 : vector<128x1xf32>
      %swap3A = arith.constant 0 : index
      %swap3A_338 = arith.constant 0 : index
      %swap3A_339 = vector.load %arg4[%swap3A, %swap3A_338] : memref<128x1xf32, #tpu.memory_space<vmem>>, vector<128x1xf32>
      tpu.vector_store %arg4[%swap3A, %swap3A_338], %add3A {strides = array<i32>} : memref<128x1xf32, #tpu.memory_space<vmem>>, vector<128x1xf32>,
    } else {
    }
    %eq3A_169 = arith.constant 1 : i32
    %eq3A_170 = arith.cmpi eq, %arg0, %eq3A_169 : i32
    %convert_element_type3A_171 = arith.extui %eq3A_170 : i1 to i32
    %cond3A_172 = arith.constant 0 : i32
    %cond3A_173 = arith.cmpi ne, %convert_element_type3A_171, %cond3A_172 : i32
    scf.if %cond3A_173 {
      %dot_general3A = arith.constant dense<0.000000e+00> : vector<128x128xf32>
      %dot_general3A_335 = tpu.matmul %convert_element_type3A_160, %convert_element_type3A_15, %dot_general3A {dimension_numbers = #tpu.dot_dimension_numbers<[1], [0], [0], [1], [0, 0, 1, 1], [], []>, transpose_lhs_hint = false} : vector<128x128xf32>, vector<128x128xf32>, vector<128x128xf32> -> vector<128x128xf32>
      %sub3A = arith.subf %dot_general3A_335, %convert_element_type3A_160 : vector<128x128xf32>
      %get3A_336 = arith.constant 0 : index
      %get3A_337 = arith.constant 0 : index
      %get3A_338 = vector.load %arg5[%get3A_336, %get3A_337] : memref<128x1xf32, #tpu.memory_space<vmem>>, vector<128x1xf32>
      %get3A_339 = arith.constant 0 : index
      %get3A_340 = arith.constant 0 : index
      %get3A_341 = vector.load %arg4[%get3A_339, %get3A_340] : memref<128x1xf32, #tpu.memory_space<vmem>>, vector<128x1xf32>
      %add3A = arith.addf %get3A_338, %get3A_341 : vector<128x1xf32>
      %add3A_342 = vector.broadcast %add3A : vector<128x1xf32> to vector<128x128xf32>
      %add3A_343 = arith.addf %sub3A, %add3A_342 : vector<128x128xf32>
      %mul3A = arith.mulf %convert_element_type3A_160, %add3A_343 : vector<128x128xf32>
      %reduce_sum3A_344 = arith.constant dense<0.000000e+00> : vector<128xf32>
      %reduce_sum3A_345 = vector.multi_reduction <add>, %mul3A, %reduce_sum3A_344 [0] : vector<128x128xf32> to vector<128xf32>
      %convert_element_type3A_346 = arith.fptosi %reduce_sum3A_345 : vector<128xf32> to vector<128xi32>
      %swap3A = arith.constant 0 : index
      %swap3A_347 = arith.constant 6 : index
      %swap3A_348 = arith.constant 0 : index
      %swap3A_349 = vector.load %arg3[%swap3A, %swap3A_347, %swap3A_348] : memref<1x14x128xi32, #tpu.memory_space<vmem>>, vector<1x1x128xi32>
      %swap3A_350 = vector.shape_cast %swap3A_349 : vector<1x1x128xi32> to vector<128xi32>
      %swap3A_351 = vector.shape_cast %convert_element_type3A_346 : vector<128xi32> to vector<1x1x128xi32>
      tpu.vector_store %arg3[%swap3A, %swap3A_347, %swap3A_348], %swap3A_351 {strides = array<i32>} : memref<1x14x128xi32, #tpu.memory_space<vmem>>, vector<1x1x128xi32>,
      %get3A_352 = arith.constant 0 : index
      %get3A_353 = arith.constant 0 : index
      %get3A_354 = vector.load %arg4[%get3A_352, %get3A_353] : memref<128x1xf32, #tpu.memory_space<vmem>>, vector<128x1xf32>
      %add3A_355 = arith.addf %get3A_354, %broadcast_in_dim3A_163 : vector<128x1xf32>
      %swap3A_356 = arith.constant 0 : index
      %swap3A_357 = arith.constant 0 : index
      %swap3A_358 = vector.load %arg4[%swap3A_356, %swap3A_357] : memref<128x1xf32, #tpu.memory_space<vmem>>, vector<128x1xf32>
      tpu.vector_store %arg4[%swap3A_356, %swap3A_357], %add3A_355 {strides = array<i32>} : memref<128x1xf32, #tpu.memory_space<vmem>>, vector<128x1xf32>,
    } else {
    }
    %get3A_174 = arith.constant 0 : index
    %get3A_175 = arith.constant 7 : index
    %get3A_176 = arith.constant 0 : index
    %get3A_177 = vector.load %arg2[%get3A_174, %get3A_175, %get3A_176] : memref<1x14x128xi32, #tpu.memory_space<vmem>>, vector<1x1x128xi32>
    %get3A_178 = vector.shape_cast %get3A_177 : vector<1x1x128xi32> to vector<1x128xi32>
    %broadcast_in_dim3A_179 = vector.shape_cast %get3A_178 : vector<1x128xi32> to vector<1x128xi32>
    %broadcast_in_dim3A_180 = vector.broadcast %broadcast_in_dim3A_179 : vector<1x128xi32> to vector<128x128xi32>
    %eq3A_181 = arith.cmpi eq, %broadcast_in_dim3A_180, %iota3A : vector<128x128xi32>
    %convert_element_type3A_182 = arith.extui %eq3A_181 : vector<128x128xi1> to vector<128x128xi32>
    %convert_element_type3A_183 = arith.sitofp %convert_element_type3A_182 : vector<128x128xi32> to vector<128x128xf32>
    %reduce_sum3A_184 = arith.constant dense<0.000000e+00> : vector<128xf32>
    %reduce_sum3A_185 = vector.multi_reduction <add>, %convert_element_type3A_183, %reduce_sum3A_184 [1] : vector<128x128xf32> to vector<128xf32>
    %broadcast_in_dim3A_186 = vector.shape_cast %reduce_sum3A_185 : vector<128xf32> to vector<128x1xf32>
    %eq3A_187 = arith.constant 0 : i32
    %eq3A_188 = arith.cmpi eq, %arg0, %eq3A_187 : i32
    %convert_element_type3A_189 = arith.extui %eq3A_188 : i1 to i32
    %cond3A_190 = arith.constant 0 : i32
    %cond3A_191 = arith.cmpi ne, %convert_element_type3A_189, %cond3A_190 : i32
    scf.if %cond3A_191 {
      %get3A_335 = arith.constant 0 : index
      %get3A_336 = arith.constant 0 : index
      %get3A_337 = vector.load %arg4[%get3A_335, %get3A_336] : memref<128x1xf32, #tpu.memory_space<vmem>>, vector<128x1xf32>
      %add3A = arith.addf %get3A_337, %broadcast_in_dim3A_186 : vector<128x1xf32>
      %swap3A = arith.constant 0 : index
      %swap3A_338 = arith.constant 0 : index
      %swap3A_339 = vector.load %arg4[%swap3A, %swap3A_338] : memref<128x1xf32, #tpu.memory_space<vmem>>, vector<128x1xf32>
      tpu.vector_store %arg4[%swap3A, %swap3A_338], %add3A {strides = array<i32>} : memref<128x1xf32, #tpu.memory_space<vmem>>, vector<128x1xf32>,
    } else {
    }
    %eq3A_192 = arith.constant 1 : i32
    %eq3A_193 = arith.cmpi eq, %arg0, %eq3A_192 : i32
    %convert_element_type3A_194 = arith.extui %eq3A_193 : i1 to i32
    %cond3A_195 = arith.constant 0 : i32
    %cond3A_196 = arith.cmpi ne, %convert_element_type3A_194, %cond3A_195 : i32
    scf.if %cond3A_196 {
      %dot_general3A = arith.constant dense<0.000000e+00> : vector<128x128xf32>
      %dot_general3A_335 = tpu.matmul %convert_element_type3A_183, %convert_element_type3A_15, %dot_general3A {dimension_numbers = #tpu.dot_dimension_numbers<[1], [0], [0], [1], [0, 0, 1, 1], [], []>, transpose_lhs_hint = false} : vector<128x128xf32>, vector<128x128xf32>, vector<128x128xf32> -> vector<128x128xf32>
      %sub3A = arith.subf %dot_general3A_335, %convert_element_type3A_183 : vector<128x128xf32>
      %get3A_336 = arith.constant 0 : index
      %get3A_337 = arith.constant 0 : index
      %get3A_338 = vector.load %arg5[%get3A_336, %get3A_337] : memref<128x1xf32, #tpu.memory_space<vmem>>, vector<128x1xf32>
      %get3A_339 = arith.constant 0 : index
      %get3A_340 = arith.constant 0 : index
      %get3A_341 = vector.load %arg4[%get3A_339, %get3A_340] : memref<128x1xf32, #tpu.memory_space<vmem>>, vector<128x1xf32>
      %add3A = arith.addf %get3A_338, %get3A_341 : vector<128x1xf32>
      %add3A_342 = vector.broadcast %add3A : vector<128x1xf32> to vector<128x128xf32>
      %add3A_343 = arith.addf %sub3A, %add3A_342 : vector<128x128xf32>
      %mul3A = arith.mulf %convert_element_type3A_183, %add3A_343 : vector<128x128xf32>
      %reduce_sum3A_344 = arith.constant dense<0.000000e+00> : vector<128xf32>
      %reduce_sum3A_345 = vector.multi_reduction <add>, %mul3A, %reduce_sum3A_344 [0] : vector<128x128xf32> to vector<128xf32>
      %convert_element_type3A_346 = arith.fptosi %reduce_sum3A_345 : vector<128xf32> to vector<128xi32>
      %swap3A = arith.constant 0 : index
      %swap3A_347 = arith.constant 7 : index
      %swap3A_348 = arith.constant 0 : index
      %swap3A_349 = vector.load %arg3[%swap3A, %swap3A_347, %swap3A_348] : memref<1x14x128xi32, #tpu.memory_space<vmem>>, vector<1x1x128xi32>
      %swap3A_350 = vector.shape_cast %swap3A_349 : vector<1x1x128xi32> to vector<128xi32>
      %swap3A_351 = vector.shape_cast %convert_element_type3A_346 : vector<128xi32> to vector<1x1x128xi32>
      tpu.vector_store %arg3[%swap3A, %swap3A_347, %swap3A_348], %swap3A_351 {strides = array<i32>} : memref<1x14x128xi32, #tpu.memory_space<vmem>>, vector<1x1x128xi32>,
      %get3A_352 = arith.constant 0 : index
      %get3A_353 = arith.constant 0 : index
      %get3A_354 = vector.load %arg4[%get3A_352, %get3A_353] : memref<128x1xf32, #tpu.memory_space<vmem>>, vector<128x1xf32>
      %add3A_355 = arith.addf %get3A_354, %broadcast_in_dim3A_186 : vector<128x1xf32>
      %swap3A_356 = arith.constant 0 : index
      %swap3A_357 = arith.constant 0 : index
      %swap3A_358 = vector.load %arg4[%swap3A_356, %swap3A_357] : memref<128x1xf32, #tpu.memory_space<vmem>>, vector<128x1xf32>
      tpu.vector_store %arg4[%swap3A_356, %swap3A_357], %add3A_355 {strides = array<i32>} : memref<128x1xf32, #tpu.memory_space<vmem>>, vector<128x1xf32>,
    } else {
    }
    %get3A_197 = arith.constant 0 : index
    %get3A_198 = arith.constant 8 : index
    %get3A_199 = arith.constant 0 : index
    %get3A_200 = vector.load %arg2[%get3A_197, %get3A_198, %get3A_199] : memref<1x14x128xi32, #tpu.memory_space<vmem>>, vector<1x1x128xi32>
    %get3A_201 = vector.shape_cast %get3A_200 : vector<1x1x128xi32> to vector<1x128xi32>
    %broadcast_in_dim3A_202 = vector.shape_cast %get3A_201 : vector<1x128xi32> to vector<1x128xi32>
    %broadcast_in_dim3A_203 = vector.broadcast %broadcast_in_dim3A_202 : vector<1x128xi32> to vector<128x128xi32>
    %eq3A_204 = arith.cmpi eq, %broadcast_in_dim3A_203, %iota3A : vector<128x128xi32>
    %convert_element_type3A_205 = arith.extui %eq3A_204 : vector<128x128xi1> to vector<128x128xi32>
    %convert_element_type3A_206 = arith.sitofp %convert_element_type3A_205 : vector<128x128xi32> to vector<128x128xf32>
    %reduce_sum3A_207 = arith.constant dense<0.000000e+00> : vector<128xf32>
    %reduce_sum3A_208 = vector.multi_reduction <add>, %convert_element_type3A_206, %reduce_sum3A_207 [1] : vector<128x128xf32> to vector<128xf32>
    %broadcast_in_dim3A_209 = vector.shape_cast %reduce_sum3A_208 : vector<128xf32> to vector<128x1xf32>
    %eq3A_210 = arith.constant 0 : i32
    %eq3A_211 = arith.cmpi eq, %arg0, %eq3A_210 : i32
    %convert_element_type3A_212 = arith.extui %eq3A_211 : i1 to i32
    %cond3A_213 = arith.constant 0 : i32
    %cond3A_214 = arith.cmpi ne, %convert_element_type3A_212, %cond3A_213 : i32
    scf.if %cond3A_214 {
      %get3A_335 = arith.constant 0 : index
      %get3A_336 = arith.constant 0 : index
      %get3A_337 = vector.load %arg4[%get3A_335, %get3A_336] : memref<128x1xf32, #tpu.memory_space<vmem>>, vector<128x1xf32>
      %add3A = arith.addf %get3A_337, %broadcast_in_dim3A_209 : vector<128x1xf32>
      %swap3A = arith.constant 0 : index
      %swap3A_338 = arith.constant 0 : index
      %swap3A_339 = vector.load %arg4[%swap3A, %swap3A_338] : memref<128x1xf32, #tpu.memory_space<vmem>>, vector<128x1xf32>
      tpu.vector_store %arg4[%swap3A, %swap3A_338], %add3A {strides = array<i32>} : memref<128x1xf32, #tpu.memory_space<vmem>>, vector<128x1xf32>,
    } else {
    }
    %eq3A_215 = arith.constant 1 : i32
    %eq3A_216 = arith.cmpi eq, %arg0, %eq3A_215 : i32
    %convert_element_type3A_217 = arith.extui %eq3A_216 : i1 to i32
    %cond3A_218 = arith.constant 0 : i32
    %cond3A_219 = arith.cmpi ne, %convert_element_type3A_217, %cond3A_218 : i32
    scf.if %cond3A_219 {
      %dot_general3A = arith.constant dense<0.000000e+00> : vector<128x128xf32>
      %dot_general3A_335 = tpu.matmul %convert_element_type3A_206, %convert_element_type3A_15, %dot_general3A {dimension_numbers = #tpu.dot_dimension_numbers<[1], [0], [0], [1], [0, 0, 1, 1], [], []>, transpose_lhs_hint = false} : vector<128x128xf32>, vector<128x128xf32>, vector<128x128xf32> -> vector<128x128xf32>
      %sub3A = arith.subf %dot_general3A_335, %convert_element_type3A_206 : vector<128x128xf32>
      %get3A_336 = arith.constant 0 : index
      %get3A_337 = arith.constant 0 : index
      %get3A_338 = vector.load %arg5[%get3A_336, %get3A_337] : memref<128x1xf32, #tpu.memory_space<vmem>>, vector<128x1xf32>
      %get3A_339 = arith.constant 0 : index
      %get3A_340 = arith.constant 0 : index
      %get3A_341 = vector.load %arg4[%get3A_339, %get3A_340] : memref<128x1xf32, #tpu.memory_space<vmem>>, vector<128x1xf32>
      %add3A = arith.addf %get3A_338, %get3A_341 : vector<128x1xf32>
      %add3A_342 = vector.broadcast %add3A : vector<128x1xf32> to vector<128x128xf32>
      %add3A_343 = arith.addf %sub3A, %add3A_342 : vector<128x128xf32>
      %mul3A = arith.mulf %convert_element_type3A_206, %add3A_343 : vector<128x128xf32>
      %reduce_sum3A_344 = arith.constant dense<0.000000e+00> : vector<128xf32>
      %reduce_sum3A_345 = vector.multi_reduction <add>, %mul3A, %reduce_sum3A_344 [0] : vector<128x128xf32> to vector<128xf32>
      %convert_element_type3A_346 = arith.fptosi %reduce_sum3A_345 : vector<128xf32> to vector<128xi32>
      %swap3A = arith.constant 0 : index
      %swap3A_347 = arith.constant 8 : index
      %swap3A_348 = arith.constant 0 : index
      %swap3A_349 = vector.load %arg3[%swap3A, %swap3A_347, %swap3A_348] : memref<1x14x128xi32, #tpu.memory_space<vmem>>, vector<1x1x128xi32>
      %swap3A_350 = vector.shape_cast %swap3A_349 : vector<1x1x128xi32> to vector<128xi32>
      %swap3A_351 = vector.shape_cast %convert_element_type3A_346 : vector<128xi32> to vector<1x1x128xi32>
      tpu.vector_store %arg3[%swap3A, %swap3A_347, %swap3A_348], %swap3A_351 {strides = array<i32>} : memref<1x14x128xi32, #tpu.memory_space<vmem>>, vector<1x1x128xi32>,
      %get3A_352 = arith.constant 0 : index
      %get3A_353 = arith.constant 0 : index
      %get3A_354 = vector.load %arg4[%get3A_352, %get3A_353] : memref<128x1xf32, #tpu.memory_space<vmem>>, vector<128x1xf32>
      %add3A_355 = arith.addf %get3A_354, %broadcast_in_dim3A_209 : vector<128x1xf32>
      %swap3A_356 = arith.constant 0 : index
      %swap3A_357 = arith.constant 0 : index
      %swap3A_358 = vector.load %arg4[%swap3A_356, %swap3A_357] : memref<128x1xf32, #tpu.memory_space<vmem>>, vector<128x1xf32>
      tpu.vector_store %arg4[%swap3A_356, %swap3A_357], %add3A_355 {strides = array<i32>} : memref<128x1xf32, #tpu.memory_space<vmem>>, vector<128x1xf32>,
    } else {
    }
    %get3A_220 = arith.constant 0 : index
    %get3A_221 = arith.constant 9 : index
    %get3A_222 = arith.constant 0 : index
    %get3A_223 = vector.load %arg2[%get3A_220, %get3A_221, %get3A_222] : memref<1x14x128xi32, #tpu.memory_space<vmem>>, vector<1x1x128xi32>
    %get3A_224 = vector.shape_cast %get3A_223 : vector<1x1x128xi32> to vector<1x128xi32>
    %broadcast_in_dim3A_225 = vector.shape_cast %get3A_224 : vector<1x128xi32> to vector<1x128xi32>
    %broadcast_in_dim3A_226 = vector.broadcast %broadcast_in_dim3A_225 : vector<1x128xi32> to vector<128x128xi32>
    %eq3A_227 = arith.cmpi eq, %broadcast_in_dim3A_226, %iota3A : vector<128x128xi32>
    %convert_element_type3A_228 = arith.extui %eq3A_227 : vector<128x128xi1> to vector<128x128xi32>
    %convert_element_type3A_229 = arith.sitofp %convert_element_type3A_228 : vector<128x128xi32> to vector<128x128xf32>
    %reduce_sum3A_230 = arith.constant dense<0.000000e+00> : vector<128xf32>
    %reduce_sum3A_231 = vector.multi_reduction <add>, %convert_element_type3A_229, %reduce_sum3A_230 [1] : vector<128x128xf32> to vector<128xf32>
    %broadcast_in_dim3A_232 = vector.shape_cast %reduce_sum3A_231 : vector<128xf32> to vector<128x1xf32>
    %eq3A_233 = arith.constant 0 : i32
    %eq3A_234 = arith.cmpi eq, %arg0, %eq3A_233 : i32
    %convert_element_type3A_235 = arith.extui %eq3A_234 : i1 to i32
    %cond3A_236 = arith.constant 0 : i32
    %cond3A_237 = arith.cmpi ne, %convert_element_type3A_235, %cond3A_236 : i32
    scf.if %cond3A_237 {
      %get3A_335 = arith.constant 0 : index
      %get3A_336 = arith.constant 0 : index
      %get3A_337 = vector.load %arg4[%get3A_335, %get3A_336] : memref<128x1xf32, #tpu.memory_space<vmem>>, vector<128x1xf32>
      %add3A = arith.addf %get3A_337, %broadcast_in_dim3A_232 : vector<128x1xf32>
      %swap3A = arith.constant 0 : index
      %swap3A_338 = arith.constant 0 : index
      %swap3A_339 = vector.load %arg4[%swap3A, %swap3A_338] : memref<128x1xf32, #tpu.memory_space<vmem>>, vector<128x1xf32>
      tpu.vector_store %arg4[%swap3A, %swap3A_338], %add3A {strides = array<i32>} : memref<128x1xf32, #tpu.memory_space<vmem>>, vector<128x1xf32>,
    } else {
    }
    %eq3A_238 = arith.constant 1 : i32
    %eq3A_239 = arith.cmpi eq, %arg0, %eq3A_238 : i32
    %convert_element_type3A_240 = arith.extui %eq3A_239 : i1 to i32
    %cond3A_241 = arith.constant 0 : i32
    %cond3A_242 = arith.cmpi ne, %convert_element_type3A_240, %cond3A_241 : i32
    scf.if %cond3A_242 {
      %dot_general3A = arith.constant dense<0.000000e+00> : vector<128x128xf32>
      %dot_general3A_335 = tpu.matmul %convert_element_type3A_229, %convert_element_type3A_15, %dot_general3A {dimension_numbers = #tpu.dot_dimension_numbers<[1], [0], [0], [1], [0, 0, 1, 1], [], []>, transpose_lhs_hint = false} : vector<128x128xf32>, vector<128x128xf32>, vector<128x128xf32> -> vector<128x128xf32>
      %sub3A = arith.subf %dot_general3A_335, %convert_element_type3A_229 : vector<128x128xf32>
      %get3A_336 = arith.constant 0 : index
      %get3A_337 = arith.constant 0 : index
      %get3A_338 = vector.load %arg5[%get3A_336, %get3A_337] : memref<128x1xf32, #tpu.memory_space<vmem>>, vector<128x1xf32>
      %get3A_339 = arith.constant 0 : index
      %get3A_340 = arith.constant 0 : index
      %get3A_341 = vector.load %arg4[%get3A_339, %get3A_340] : memref<128x1xf32, #tpu.memory_space<vmem>>, vector<128x1xf32>
      %add3A = arith.addf %get3A_338, %get3A_341 : vector<128x1xf32>
      %add3A_342 = vector.broadcast %add3A : vector<128x1xf32> to vector<128x128xf32>
      %add3A_343 = arith.addf %sub3A, %add3A_342 : vector<128x128xf32>
      %mul3A = arith.mulf %convert_element_type3A_229, %add3A_343 : vector<128x128xf32>
      %reduce_sum3A_344 = arith.constant dense<0.000000e+00> : vector<128xf32>
      %reduce_sum3A_345 = vector.multi_reduction <add>, %mul3A, %reduce_sum3A_344 [0] : vector<128x128xf32> to vector<128xf32>
      %convert_element_type3A_346 = arith.fptosi %reduce_sum3A_345 : vector<128xf32> to vector<128xi32>
      %swap3A = arith.constant 0 : index
      %swap3A_347 = arith.constant 9 : index
      %swap3A_348 = arith.constant 0 : index
      %swap3A_349 = vector.load %arg3[%swap3A, %swap3A_347, %swap3A_348] : memref<1x14x128xi32, #tpu.memory_space<vmem>>, vector<1x1x128xi32>
      %swap3A_350 = vector.shape_cast %swap3A_349 : vector<1x1x128xi32> to vector<128xi32>
      %swap3A_351 = vector.shape_cast %convert_element_type3A_346 : vector<128xi32> to vector<1x1x128xi32>
      tpu.vector_store %arg3[%swap3A, %swap3A_347, %swap3A_348], %swap3A_351 {strides = array<i32>} : memref<1x14x128xi32, #tpu.memory_space<vmem>>, vector<1x1x128xi32>,
      %get3A_352 = arith.constant 0 : index
      %get3A_353 = arith.constant 0 : index
      %get3A_354 = vector.load %arg4[%get3A_352, %get3A_353] : memref<128x1xf32, #tpu.memory_space<vmem>>, vector<128x1xf32>
      %add3A_355 = arith.addf %get3A_354, %broadcast_in_dim3A_232 : vector<128x1xf32>
      %swap3A_356 = arith.constant 0 : index
      %swap3A_357 = arith.constant 0 : index
      %swap3A_358 = vector.load %arg4[%swap3A_356, %swap3A_357] : memref<128x1xf32, #tpu.memory_space<vmem>>, vector<128x1xf32>
      tpu.vector_store %arg4[%swap3A_356, %swap3A_357], %add3A_355 {strides = array<i32>} : memref<128x1xf32, #tpu.memory_space<vmem>>, vector<128x1xf32>,
    } else {
    }
    %get3A_243 = arith.constant 0 : index
    %get3A_244 = arith.constant 10 : index
    %get3A_245 = arith.constant 0 : index
    %get3A_246 = vector.load %arg2[%get3A_243, %get3A_244, %get3A_245] : memref<1x14x128xi32, #tpu.memory_space<vmem>>, vector<1x1x128xi32>
    %get3A_247 = vector.shape_cast %get3A_246 : vector<1x1x128xi32> to vector<1x128xi32>
    %broadcast_in_dim3A_248 = vector.shape_cast %get3A_247 : vector<1x128xi32> to vector<1x128xi32>
    %broadcast_in_dim3A_249 = vector.broadcast %broadcast_in_dim3A_248 : vector<1x128xi32> to vector<128x128xi32>
    %eq3A_250 = arith.cmpi eq, %broadcast_in_dim3A_249, %iota3A : vector<128x128xi32>
    %convert_element_type3A_251 = arith.extui %eq3A_250 : vector<128x128xi1> to vector<128x128xi32>
    %convert_element_type3A_252 = arith.sitofp %convert_element_type3A_251 : vector<128x128xi32> to vector<128x128xf32>
    %reduce_sum3A_253 = arith.constant dense<0.000000e+00> : vector<128xf32>
    %reduce_sum3A_254 = vector.multi_reduction <add>, %convert_element_type3A_252, %reduce_sum3A_253 [1] : vector<128x128xf32> to vector<128xf32>
    %broadcast_in_dim3A_255 = vector.shape_cast %reduce_sum3A_254 : vector<128xf32> to vector<128x1xf32>
    %eq3A_256 = arith.constant 0 : i32
    %eq3A_257 = arith.cmpi eq, %arg0, %eq3A_256 : i32
    %convert_element_type3A_258 = arith.extui %eq3A_257 : i1 to i32
    %cond3A_259 = arith.constant 0 : i32
    %cond3A_260 = arith.cmpi ne, %convert_element_type3A_258, %cond3A_259 : i32
    scf.if %cond3A_260 {
      %get3A_335 = arith.constant 0 : index
      %get3A_336 = arith.constant 0 : index
      %get3A_337 = vector.load %arg4[%get3A_335, %get3A_336] : memref<128x1xf32, #tpu.memory_space<vmem>>, vector<128x1xf32>
      %add3A = arith.addf %get3A_337, %broadcast_in_dim3A_255 : vector<128x1xf32>
      %swap3A = arith.constant 0 : index
      %swap3A_338 = arith.constant 0 : index
      %swap3A_339 = vector.load %arg4[%swap3A, %swap3A_338] : memref<128x1xf32, #tpu.memory_space<vmem>>, vector<128x1xf32>
      tpu.vector_store %arg4[%swap3A, %swap3A_338], %add3A {strides = array<i32>} : memref<128x1xf32, #tpu.memory_space<vmem>>, vector<128x1xf32>,
    } else {
    }
    %eq3A_261 = arith.constant 1 : i32
    %eq3A_262 = arith.cmpi eq, %arg0, %eq3A_261 : i32
    %convert_element_type3A_263 = arith.extui %eq3A_262 : i1 to i32
    %cond3A_264 = arith.constant 0 : i32
    %cond3A_265 = arith.cmpi ne, %convert_element_type3A_263, %cond3A_264 : i32
    scf.if %cond3A_265 {
      %dot_general3A = arith.constant dense<0.000000e+00> : vector<128x128xf32>
      %dot_general3A_335 = tpu.matmul %convert_element_type3A_252, %convert_element_type3A_15, %dot_general3A {dimension_numbers = #tpu.dot_dimension_numbers<[1], [0], [0], [1], [0, 0, 1, 1], [], []>, transpose_lhs_hint = false} : vector<128x128xf32>, vector<128x128xf32>, vector<128x128xf32> -> vector<128x128xf32>
      %sub3A = arith.subf %dot_general3A_335, %convert_element_type3A_252 : vector<128x128xf32>
      %get3A_336 = arith.constant 0 : index
      %get3A_337 = arith.constant 0 : index
      %get3A_338 = vector.load %arg5[%get3A_336, %get3A_337] : memref<128x1xf32, #tpu.memory_space<vmem>>, vector<128x1xf32>
      %get3A_339 = arith.constant 0 : index
      %get3A_340 = arith.constant 0 : index
      %get3A_341 = vector.load %arg4[%get3A_339, %get3A_340] : memref<128x1xf32, #tpu.memory_space<vmem>>, vector<128x1xf32>
      %add3A = arith.addf %get3A_338, %get3A_341 : vector<128x1xf32>
      %add3A_342 = vector.broadcast %add3A : vector<128x1xf32> to vector<128x128xf32>
      %add3A_343 = arith.addf %sub3A, %add3A_342 : vector<128x128xf32>
      %mul3A = arith.mulf %convert_element_type3A_252, %add3A_343 : vector<128x128xf32>
      %reduce_sum3A_344 = arith.constant dense<0.000000e+00> : vector<128xf32>
      %reduce_sum3A_345 = vector.multi_reduction <add>, %mul3A, %reduce_sum3A_344 [0] : vector<128x128xf32> to vector<128xf32>
      %convert_element_type3A_346 = arith.fptosi %reduce_sum3A_345 : vector<128xf32> to vector<128xi32>
      %swap3A = arith.constant 0 : index
      %swap3A_347 = arith.constant 10 : index
      %swap3A_348 = arith.constant 0 : index
      %swap3A_349 = vector.load %arg3[%swap3A, %swap3A_347, %swap3A_348] : memref<1x14x128xi32, #tpu.memory_space<vmem>>, vector<1x1x128xi32>
      %swap3A_350 = vector.shape_cast %swap3A_349 : vector<1x1x128xi32> to vector<128xi32>
      %swap3A_351 = vector.shape_cast %convert_element_type3A_346 : vector<128xi32> to vector<1x1x128xi32>
      tpu.vector_store %arg3[%swap3A, %swap3A_347, %swap3A_348], %swap3A_351 {strides = array<i32>} : memref<1x14x128xi32, #tpu.memory_space<vmem>>, vector<1x1x128xi32>,
      %get3A_352 = arith.constant 0 : index
      %get3A_353 = arith.constant 0 : index
      %get3A_354 = vector.load %arg4[%get3A_352, %get3A_353] : memref<128x1xf32, #tpu.memory_space<vmem>>, vector<128x1xf32>
      %add3A_355 = arith.addf %get3A_354, %broadcast_in_dim3A_255 : vector<128x1xf32>
      %swap3A_356 = arith.constant 0 : index
      %swap3A_357 = arith.constant 0 : index
      %swap3A_358 = vector.load %arg4[%swap3A_356, %swap3A_357] : memref<128x1xf32, #tpu.memory_space<vmem>>, vector<128x1xf32>
      tpu.vector_store %arg4[%swap3A_356, %swap3A_357], %add3A_355 {strides = array<i32>} : memref<128x1xf32, #tpu.memory_space<vmem>>, vector<128x1xf32>,
    } else {
    }
    %get3A_266 = arith.constant 0 : index
    %get3A_267 = arith.constant 11 : index
    %get3A_268 = arith.constant 0 : index
    %get3A_269 = vector.load %arg2[%get3A_266, %get3A_267, %get3A_268] : memref<1x14x128xi32, #tpu.memory_space<vmem>>, vector<1x1x128xi32>
    %get3A_270 = vector.shape_cast %get3A_269 : vector<1x1x128xi32> to vector<1x128xi32>
    %broadcast_in_dim3A_271 = vector.shape_cast %get3A_270 : vector<1x128xi32> to vector<1x128xi32>
    %broadcast_in_dim3A_272 = vector.broadcast %broadcast_in_dim3A_271 : vector<1x128xi32> to vector<128x128xi32>
    %eq3A_273 = arith.cmpi eq, %broadcast_in_dim3A_272, %iota3A : vector<128x128xi32>
    %convert_element_type3A_274 = arith.extui %eq3A_273 : vector<128x128xi1> to vector<128x128xi32>
    %convert_element_type3A_275 = arith.sitofp %convert_element_type3A_274 : vector<128x128xi32> to vector<128x128xf32>
    %reduce_sum3A_276 = arith.constant dense<0.000000e+00> : vector<128xf32>
    %reduce_sum3A_277 = vector.multi_reduction <add>, %convert_element_type3A_275, %reduce_sum3A_276 [1] : vector<128x128xf32> to vector<128xf32>
    %broadcast_in_dim3A_278 = vector.shape_cast %reduce_sum3A_277 : vector<128xf32> to vector<128x1xf32>
    %eq3A_279 = arith.constant 0 : i32
    %eq3A_280 = arith.cmpi eq, %arg0, %eq3A_279 : i32
    %convert_element_type3A_281 = arith.extui %eq3A_280 : i1 to i32
    %cond3A_282 = arith.constant 0 : i32
    %cond3A_283 = arith.cmpi ne, %convert_element_type3A_281, %cond3A_282 : i32
    scf.if %cond3A_283 {
      %get3A_335 = arith.constant 0 : index
      %get3A_336 = arith.constant 0 : index
      %get3A_337 = vector.load %arg4[%get3A_335, %get3A_336] : memref<128x1xf32, #tpu.memory_space<vmem>>, vector<128x1xf32>
      %add3A = arith.addf %get3A_337, %broadcast_in_dim3A_278 : vector<128x1xf32>
      %swap3A = arith.constant 0 : index
      %swap3A_338 = arith.constant 0 : index
      %swap3A_339 = vector.load %arg4[%swap3A, %swap3A_338] : memref<128x1xf32, #tpu.memory_space<vmem>>, vector<128x1xf32>
      tpu.vector_store %arg4[%swap3A, %swap3A_338], %add3A {strides = array<i32>} : memref<128x1xf32, #tpu.memory_space<vmem>>, vector<128x1xf32>,
    } else {
    }
    %eq3A_284 = arith.constant 1 : i32
    %eq3A_285 = arith.cmpi eq, %arg0, %eq3A_284 : i32
    %convert_element_type3A_286 = arith.extui %eq3A_285 : i1 to i32
    %cond3A_287 = arith.constant 0 : i32
    %cond3A_288 = arith.cmpi ne, %convert_element_type3A_286, %cond3A_287 : i32
    scf.if %cond3A_288 {
      %dot_general3A = arith.constant dense<0.000000e+00> : vector<128x128xf32>
      %dot_general3A_335 = tpu.matmul %convert_element_type3A_275, %convert_element_type3A_15, %dot_general3A {dimension_numbers = #tpu.dot_dimension_numbers<[1], [0], [0], [1], [0, 0, 1, 1], [], []>, transpose_lhs_hint = false} : vector<128x128xf32>, vector<128x128xf32>, vector<128x128xf32> -> vector<128x128xf32>
      %sub3A = arith.subf %dot_general3A_335, %convert_element_type3A_275 : vector<128x128xf32>
      %get3A_336 = arith.constant 0 : index
      %get3A_337 = arith.constant 0 : index
      %get3A_338 = vector.load %arg5[%get3A_336, %get3A_337] : memref<128x1xf32, #tpu.memory_space<vmem>>, vector<128x1xf32>
      %get3A_339 = arith.constant 0 : index
      %get3A_340 = arith.constant 0 : index
      %get3A_341 = vector.load %arg4[%get3A_339, %get3A_340] : memref<128x1xf32, #tpu.memory_space<vmem>>, vector<128x1xf32>
      %add3A = arith.addf %get3A_338, %get3A_341 : vector<128x1xf32>
      %add3A_342 = vector.broadcast %add3A : vector<128x1xf32> to vector<128x128xf32>
      %add3A_343 = arith.addf %sub3A, %add3A_342 : vector<128x128xf32>
      %mul3A = arith.mulf %convert_element_type3A_275, %add3A_343 : vector<128x128xf32>
      %reduce_sum3A_344 = arith.constant dense<0.000000e+00> : vector<128xf32>
      %reduce_sum3A_345 = vector.multi_reduction <add>, %mul3A, %reduce_sum3A_344 [0] : vector<128x128xf32> to vector<128xf32>
      %convert_element_type3A_346 = arith.fptosi %reduce_sum3A_345 : vector<128xf32> to vector<128xi32>
      %swap3A = arith.constant 0 : index
      %swap3A_347 = arith.constant 11 : index
      %swap3A_348 = arith.constant 0 : index
      %swap3A_349 = vector.load %arg3[%swap3A, %swap3A_347, %swap3A_348] : memref<1x14x128xi32, #tpu.memory_space<vmem>>, vector<1x1x128xi32>
      %swap3A_350 = vector.shape_cast %swap3A_349 : vector<1x1x128xi32> to vector<128xi32>
      %swap3A_351 = vector.shape_cast %convert_element_type3A_346 : vector<128xi32> to vector<1x1x128xi32>
      tpu.vector_store %arg3[%swap3A, %swap3A_347, %swap3A_348], %swap3A_351 {strides = array<i32>} : memref<1x14x128xi32, #tpu.memory_space<vmem>>, vector<1x1x128xi32>,
      %get3A_352 = arith.constant 0 : index
      %get3A_353 = arith.constant 0 : index
      %get3A_354 = vector.load %arg4[%get3A_352, %get3A_353] : memref<128x1xf32, #tpu.memory_space<vmem>>, vector<128x1xf32>
      %add3A_355 = arith.addf %get3A_354, %broadcast_in_dim3A_278 : vector<128x1xf32>
      %swap3A_356 = arith.constant 0 : index
      %swap3A_357 = arith.constant 0 : index
      %swap3A_358 = vector.load %arg4[%swap3A_356, %swap3A_357] : memref<128x1xf32, #tpu.memory_space<vmem>>, vector<128x1xf32>
      tpu.vector_store %arg4[%swap3A_356, %swap3A_357], %add3A_355 {strides = array<i32>} : memref<128x1xf32, #tpu.memory_space<vmem>>, vector<128x1xf32>,
    } else {
    }
    %get3A_289 = arith.constant 0 : index
    %get3A_290 = arith.constant 12 : index
    %get3A_291 = arith.constant 0 : index
    %get3A_292 = vector.load %arg2[%get3A_289, %get3A_290, %get3A_291] : memref<1x14x128xi32, #tpu.memory_space<vmem>>, vector<1x1x128xi32>
    %get3A_293 = vector.shape_cast %get3A_292 : vector<1x1x128xi32> to vector<1x128xi32>
    %broadcast_in_dim3A_294 = vector.shape_cast %get3A_293 : vector<1x128xi32> to vector<1x128xi32>
    %broadcast_in_dim3A_295 = vector.broadcast %broadcast_in_dim3A_294 : vector<1x128xi32> to vector<128x128xi32>
    %eq3A_296 = arith.cmpi eq, %broadcast_in_dim3A_295, %iota3A : vector<128x128xi32>
    %convert_element_type3A_297 = arith.extui %eq3A_296 : vector<128x128xi1> to vector<128x128xi32>
    %convert_element_type3A_298 = arith.sitofp %convert_element_type3A_297 : vector<128x128xi32> to vector<128x128xf32>
    %reduce_sum3A_299 = arith.constant dense<0.000000e+00> : vector<128xf32>
    %reduce_sum3A_300 = vector.multi_reduction <add>, %convert_element_type3A_298, %reduce_sum3A_299 [1] : vector<128x128xf32> to vector<128xf32>
    %broadcast_in_dim3A_301 = vector.shape_cast %reduce_sum3A_300 : vector<128xf32> to vector<128x1xf32>
    %eq3A_302 = arith.constant 0 : i32
    %eq3A_303 = arith.cmpi eq, %arg0, %eq3A_302 : i32
    %convert_element_type3A_304 = arith.extui %eq3A_303 : i1 to i32
    %cond3A_305 = arith.constant 0 : i32
    %cond3A_306 = arith.cmpi ne, %convert_element_type3A_304, %cond3A_305 : i32
    scf.if %cond3A_306 {
      %get3A_335 = arith.constant 0 : index
      %get3A_336 = arith.constant 0 : index
      %get3A_337 = vector.load %arg4[%get3A_335, %get3A_336] : memref<128x1xf32, #tpu.memory_space<vmem>>, vector<128x1xf32>
      %add3A = arith.addf %get3A_337, %broadcast_in_dim3A_301 : vector<128x1xf32>
      %swap3A = arith.constant 0 : index
      %swap3A_338 = arith.constant 0 : index
      %swap3A_339 = vector.load %arg4[%swap3A, %swap3A_338] : memref<128x1xf32, #tpu.memory_space<vmem>>, vector<128x1xf32>
      tpu.vector_store %arg4[%swap3A, %swap3A_338], %add3A {strides = array<i32>} : memref<128x1xf32, #tpu.memory_space<vmem>>, vector<128x1xf32>,
    } else {
    }
    %eq3A_307 = arith.constant 1 : i32
    %eq3A_308 = arith.cmpi eq, %arg0, %eq3A_307 : i32
    %convert_element_type3A_309 = arith.extui %eq3A_308 : i1 to i32
    %cond3A_310 = arith.constant 0 : i32
    %cond3A_311 = arith.cmpi ne, %convert_element_type3A_309, %cond3A_310 : i32
    scf.if %cond3A_311 {
      %dot_general3A = arith.constant dense<0.000000e+00> : vector<128x128xf32>
      %dot_general3A_335 = tpu.matmul %convert_element_type3A_298, %convert_element_type3A_15, %dot_general3A {dimension_numbers = #tpu.dot_dimension_numbers<[1], [0], [0], [1], [0, 0, 1, 1], [], []>, transpose_lhs_hint = false} : vector<128x128xf32>, vector<128x128xf32>, vector<128x128xf32> -> vector<128x128xf32>
      %sub3A = arith.subf %dot_general3A_335, %convert_element_type3A_298 : vector<128x128xf32>
      %get3A_336 = arith.constant 0 : index
      %get3A_337 = arith.constant 0 : index
      %get3A_338 = vector.load %arg5[%get3A_336, %get3A_337] : memref<128x1xf32, #tpu.memory_space<vmem>>, vector<128x1xf32>
      %get3A_339 = arith.constant 0 : index
      %get3A_340 = arith.constant 0 : index
      %get3A_341 = vector.load %arg4[%get3A_339, %get3A_340] : memref<128x1xf32, #tpu.memory_space<vmem>>, vector<128x1xf32>
      %add3A = arith.addf %get3A_338, %get3A_341 : vector<128x1xf32>
      %add3A_342 = vector.broadcast %add3A : vector<128x1xf32> to vector<128x128xf32>
      %add3A_343 = arith.addf %sub3A, %add3A_342 : vector<128x128xf32>
      %mul3A = arith.mulf %convert_element_type3A_298, %add3A_343 : vector<128x128xf32>
      %reduce_sum3A_344 = arith.constant dense<0.000000e+00> : vector<128xf32>
      %reduce_sum3A_345 = vector.multi_reduction <add>, %mul3A, %reduce_sum3A_344 [0] : vector<128x128xf32> to vector<128xf32>
      %convert_element_type3A_346 = arith.fptosi %reduce_sum3A_345 : vector<128xf32> to vector<128xi32>
      %swap3A = arith.constant 0 : index
      %swap3A_347 = arith.constant 12 : index
      %swap3A_348 = arith.constant 0 : index
      %swap3A_349 = vector.load %arg3[%swap3A, %swap3A_347, %swap3A_348] : memref<1x14x128xi32, #tpu.memory_space<vmem>>, vector<1x1x128xi32>
      %swap3A_350 = vector.shape_cast %swap3A_349 : vector<1x1x128xi32> to vector<128xi32>
      %swap3A_351 = vector.shape_cast %convert_element_type3A_346 : vector<128xi32> to vector<1x1x128xi32>
      tpu.vector_store %arg3[%swap3A, %swap3A_347, %swap3A_348], %swap3A_351 {strides = array<i32>} : memref<1x14x128xi32, #tpu.memory_space<vmem>>, vector<1x1x128xi32>,
      %get3A_352 = arith.constant 0 : index
      %get3A_353 = arith.constant 0 : index
      %get3A_354 = vector.load %arg4[%get3A_352, %get3A_353] : memref<128x1xf32, #tpu.memory_space<vmem>>, vector<128x1xf32>
      %add3A_355 = arith.addf %get3A_354, %broadcast_in_dim3A_301 : vector<128x1xf32>
      %swap3A_356 = arith.constant 0 : index
      %swap3A_357 = arith.constant 0 : index
      %swap3A_358 = vector.load %arg4[%swap3A_356, %swap3A_357] : memref<128x1xf32, #tpu.memory_space<vmem>>, vector<128x1xf32>
      tpu.vector_store %arg4[%swap3A_356, %swap3A_357], %add3A_355 {strides = array<i32>} : memref<128x1xf32, #tpu.memory_space<vmem>>, vector<128x1xf32>,
    } else {
    }
    %get3A_312 = arith.constant 0 : index
    %get3A_313 = arith.constant 13 : index
    %get3A_314 = arith.constant 0 : index
    %get3A_315 = vector.load %arg2[%get3A_312, %get3A_313, %get3A_314] : memref<1x14x128xi32, #tpu.memory_space<vmem>>, vector<1x1x128xi32>
    %get3A_316 = vector.shape_cast %get3A_315 : vector<1x1x128xi32> to vector<1x128xi32>
    %broadcast_in_dim3A_317 = vector.shape_cast %get3A_316 : vector<1x128xi32> to vector<1x128xi32>
    %broadcast_in_dim3A_318 = vector.broadcast %broadcast_in_dim3A_317 : vector<1x128xi32> to vector<128x128xi32>
    %eq3A_319 = arith.cmpi eq, %broadcast_in_dim3A_318, %iota3A : vector<128x128xi32>
    %convert_element_type3A_320 = arith.extui %eq3A_319 : vector<128x128xi1> to vector<128x128xi32>
    %convert_element_type3A_321 = arith.sitofp %convert_element_type3A_320 : vector<128x128xi32> to vector<128x128xf32>
    %reduce_sum3A_322 = arith.constant dense<0.000000e+00> : vector<128xf32>
    %reduce_sum3A_323 = vector.multi_reduction <add>, %convert_element_type3A_321, %reduce_sum3A_322 [1] : vector<128x128xf32> to vector<128xf32>
    %broadcast_in_dim3A_324 = vector.shape_cast %reduce_sum3A_323 : vector<128xf32> to vector<128x1xf32>
    %eq3A_325 = arith.constant 0 : i32
    %eq3A_326 = arith.cmpi eq, %arg0, %eq3A_325 : i32
    %convert_element_type3A_327 = arith.extui %eq3A_326 : i1 to i32
    %cond3A_328 = arith.constant 0 : i32
    %cond3A_329 = arith.cmpi ne, %convert_element_type3A_327, %cond3A_328 : i32
    scf.if %cond3A_329 {
      %get3A_335 = arith.constant 0 : index
      %get3A_336 = arith.constant 0 : index
      %get3A_337 = vector.load %arg4[%get3A_335, %get3A_336] : memref<128x1xf32, #tpu.memory_space<vmem>>, vector<128x1xf32>
      %add3A = arith.addf %get3A_337, %broadcast_in_dim3A_324 : vector<128x1xf32>
      %swap3A = arith.constant 0 : index
      %swap3A_338 = arith.constant 0 : index
      %swap3A_339 = vector.load %arg4[%swap3A, %swap3A_338] : memref<128x1xf32, #tpu.memory_space<vmem>>, vector<128x1xf32>
      tpu.vector_store %arg4[%swap3A, %swap3A_338], %add3A {strides = array<i32>} : memref<128x1xf32, #tpu.memory_space<vmem>>, vector<128x1xf32>,
    } else {
    }
    %eq3A_330 = arith.constant 1 : i32
    %eq3A_331 = arith.cmpi eq, %arg0, %eq3A_330 : i32
    %convert_element_type3A_332 = arith.extui %eq3A_331 : i1 to i32
    %cond3A_333 = arith.constant 0 : i32
    %cond3A_334 = arith.cmpi ne, %convert_element_type3A_332, %cond3A_333 : i32
    scf.if %cond3A_334 {
      %dot_general3A = arith.constant dense<0.000000e+00> : vector<128x128xf32>
      %dot_general3A_335 = tpu.matmul %convert_element_type3A_321, %convert_element_type3A_15, %dot_general3A {dimension_numbers = #tpu.dot_dimension_numbers<[1], [0], [0], [1], [0, 0, 1, 1], [], []>, transpose_lhs_hint = false} : vector<128x128xf32>, vector<128x128xf32>, vector<128x128xf32> -> vector<128x128xf32>
      %sub3A = arith.subf %dot_general3A_335, %convert_element_type3A_321 : vector<128x128xf32>
      %get3A_336 = arith.constant 0 : index
      %get3A_337 = arith.constant 0 : index
      %get3A_338 = vector.load %arg5[%get3A_336, %get3A_337] : memref<128x1xf32, #tpu.memory_space<vmem>>, vector<128x1xf32>
      %get3A_339 = arith.constant 0 : index
      %get3A_340 = arith.constant 0 : index
      %get3A_341 = vector.load %arg4[%get3A_339, %get3A_340] : memref<128x1xf32, #tpu.memory_space<vmem>>, vector<128x1xf32>
      %add3A = arith.addf %get3A_338, %get3A_341 : vector<128x1xf32>
      %add3A_342 = vector.broadcast %add3A : vector<128x1xf32> to vector<128x128xf32>
      %add3A_343 = arith.addf %sub3A, %add3A_342 : vector<128x128xf32>
      %mul3A = arith.mulf %convert_element_type3A_321, %add3A_343 : vector<128x128xf32>
      %reduce_sum3A_344 = arith.constant dense<0.000000e+00> : vector<128xf32>
      %reduce_sum3A_345 = vector.multi_reduction <add>, %mul3A, %reduce_sum3A_344 [0] : vector<128x128xf32> to vector<128xf32>
      %convert_element_type3A_346 = arith.fptosi %reduce_sum3A_345 : vector<128xf32> to vector<128xi32>
      %swap3A = arith.constant 0 : index
      %swap3A_347 = arith.constant 13 : index
      %swap3A_348 = arith.constant 0 : index
      %swap3A_349 = vector.load %arg3[%swap3A, %swap3A_347, %swap3A_348] : memref<1x14x128xi32, #tpu.memory_space<vmem>>, vector<1x1x128xi32>
      %swap3A_350 = vector.shape_cast %swap3A_349 : vector<1x1x128xi32> to vector<128xi32>
      %swap3A_351 = vector.shape_cast %convert_element_type3A_346 : vector<128xi32> to vector<1x1x128xi32>
      tpu.vector_store %arg3[%swap3A, %swap3A_347, %swap3A_348], %swap3A_351 {strides = array<i32>} : memref<1x14x128xi32, #tpu.memory_space<vmem>>, vector<1x1x128xi32>,
      %get3A_352 = arith.constant 0 : index
      %get3A_353 = arith.constant 0 : index
      %get3A_354 = vector.load %arg4[%get3A_352, %get3A_353] : memref<128x1xf32, #tpu.memory_space<vmem>>, vector<128x1xf32>
      %add3A_355 = arith.addf %get3A_354, %broadcast_in_dim3A_324 : vector<128x1xf32>
      %swap3A_356 = arith.constant 0 : index
      %swap3A_357 = arith.constant 0 : index
      %swap3A_358 = vector.load %arg4[%swap3A_356, %swap3A_357] : memref<128x1xf32, #tpu.memory_space<vmem>>, vector<128x1xf32>
      tpu.vector_store %arg4[%swap3A_356, %swap3A_357], %add3A_355 {strides = array<i32>} : memref<128x1xf32, #tpu.memory_space<vmem>>, vector<128x1xf32>,
    } else {
    }
    return
  }
  func.func @transform_0(%arg0: i32, %arg1: i32) -> (i32, i32, i32) {
    %c0_i32 = arith.constant 0 : i32
    %c0_i32_0 = arith.constant 0 : i32
    %c0_i32_1 = arith.constant 0 : i32
    return %arg1, %c0_i32, %c0_i32_0 : i32, i32, i32
  }
  func.func @transform_1(%arg0: i32, %arg1: i32) -> (i32, i32, i32) {
    %c0_i32 = arith.constant 0 : i32
    %c0_i32_0 = arith.constant 0 : i32
    %c0_i32_1 = arith.constant 0 : i32
    return %arg1, %c0_i32, %c0_i32_0 : i32, i32, i32
  }
}

module attributes {stable_mosaic.version = 14 : i64} {
  func.func @_d_body(%arg0: i32, %arg1: memref<3584x384xf32, #tpu.memory_space<vmem>>, %arg2: memref<1x1xf32, #tpu.memory_space<vmem>>, %arg3: memref<96x96xf32, #tpu.memory_space<vmem>>, %arg4: memref<1x96xf32, #tpu.memory_space<vmem>>, %arg5: memref<3584x128xf32, #tpu.memory_space<vmem>>) attributes {dimension_semantics = [#tpu.dimension_semantics<arbitrary>], iteration_bounds = array<i64: 14>, scalar_prefetch = 0 : i64, scratch_operands = 0 : i64, tpu.core_type = #tpu.core_type<tc>, window_params = [{transform_indices = @transform_0, window_bounds = array<i64: 3584, 384>}, {pipeline_mode = #tpu.pipeline_mode<synchronous>, transform_indices = @transform_1, window_bounds = array<i64: 1, 1>}, {pipeline_mode = #tpu.pipeline_mode<synchronous>, transform_indices = @transform_2, window_bounds = array<i64: 96, 96>}, {pipeline_mode = #tpu.pipeline_mode<synchronous>, transform_indices = @transform_3, window_bounds = array<i64: 1, 96>}, {transform_indices = @transform_4, window_bounds = array<i64: 3584, 128>}]} {
    %get3A = arith.constant 0 : index
    %get3A_0 = arith.constant 0 : index
    %get3A_1 = vector.load %arg1[%get3A, %get3A_0] : memref<3584x384xf32, #tpu.memory_space<vmem>>, vector<3584x384xf32>
    %reshape3A = vector.shape_cast %get3A_1 : vector<3584x384xf32> to vector<28x128x384xf32>
    %get3A_2 = arith.constant 0 : index
    %get3A_3 = arith.constant 0 : index
    %get3A_4 = vector.load %arg2[%get3A_2, %get3A_3] : memref<1x1xf32, #tpu.memory_space<vmem>>, vector<1x1xf32>
    %get3A_5 = vector.extract %get3A_4[0, 0] : f32 from vector<1x1xf32>
    %slice3A = vector.extract_strided_slice %reshape3A {offsets = [0, 0, 0], sizes = [28, 128, 16], strides = [1, 1, 1]} : vector<28x128x384xf32> to vector<28x128x16xf32>
    %slice3A_6 = vector.extract_strided_slice %reshape3A {offsets = [0, 0, 96], sizes = [28, 128, 16], strides = [1, 1, 1]} : vector<28x128x384xf32> to vector<28x128x16xf32>
    %slice3A_7 = vector.extract_strided_slice %reshape3A {offsets = [0, 0, 192], sizes = [28, 128, 16], strides = [1, 1, 1]} : vector<28x128x384xf32> to vector<28x128x16xf32>
    %dot_general3A = arith.constant dense<0.000000e+00> : vector<28x128x128xf32>
    %dot_general3A_8 = tpu.matmul %slice3A, %slice3A_6, %dot_general3A {dimension_numbers = #tpu.dot_dimension_numbers<[2], [2], [1], [1], [0, 0, 0, 1, 1, 1], [0], [0]>, transpose_lhs_hint = false} : vector<28x128x16xf32>, vector<28x128x16xf32>, vector<28x128x128xf32> -> vector<28x128x128xf32>
    %mul3A = vector.broadcast %get3A_5 : f32 to vector<28x128x128xf32>
    %mul3A_9 = arith.mulf %dot_general3A_8, %mul3A : vector<28x128x128xf32>
    %reduce_max3A = arith.constant dense<0xFF800000> : vector<28x128xf32>
    %reduce_max3A_10 = vector.multi_reduction <maximumf>, %mul3A_9, %reduce_max3A [2] : vector<28x128x128xf32> to vector<28x128xf32>
    %broadcast_in_dim3A = vector.shape_cast %reduce_max3A_10 : vector<28x128xf32> to vector<28x128x1xf32>
    %sub3A = vector.broadcast %broadcast_in_dim3A : vector<28x128x1xf32> to vector<28x128x128xf32>
    %sub3A_11 = arith.subf %mul3A_9, %sub3A : vector<28x128x128xf32>
    %exp3A = math.exp %sub3A_11 : vector<28x128x128xf32>
    %reduce_sum3A = arith.constant dense<0.000000e+00> : vector<28x128xf32>
    %reduce_sum3A_12 = vector.multi_reduction <add>, %exp3A, %reduce_sum3A [2] : vector<28x128x128xf32> to vector<28x128xf32>
    %broadcast_in_dim3A_13 = vector.shape_cast %reduce_sum3A_12 : vector<28x128xf32> to vector<28x128x1xf32>
    %div3A = vector.broadcast %broadcast_in_dim3A_13 : vector<28x128x1xf32> to vector<28x128x128xf32>
    %div3A_14 = arith.divf %exp3A, %div3A : vector<28x128x128xf32>
    %dot_general3A_15 = arith.constant dense<0.000000e+00> : vector<28x128x16xf32>
    %dot_general3A_16 = tpu.matmul %div3A_14, %slice3A_7, %dot_general3A_15 {dimension_numbers = #tpu.dot_dimension_numbers<[2], [1], [1], [2], [0, 0, 0, 1, 1, 2], [0], [0]>, transpose_lhs_hint = false} : vector<28x128x128xf32>, vector<28x128x16xf32>, vector<28x128x16xf32> -> vector<28x128x16xf32>
    %slice3A_17 = vector.extract_strided_slice %reshape3A {offsets = [0, 0, 16], sizes = [28, 128, 16], strides = [1, 1, 1]} : vector<28x128x384xf32> to vector<28x128x16xf32>
    %slice3A_18 = vector.extract_strided_slice %reshape3A {offsets = [0, 0, 112], sizes = [28, 128, 16], strides = [1, 1, 1]} : vector<28x128x384xf32> to vector<28x128x16xf32>
    %slice3A_19 = vector.extract_strided_slice %reshape3A {offsets = [0, 0, 208], sizes = [28, 128, 16], strides = [1, 1, 1]} : vector<28x128x384xf32> to vector<28x128x16xf32>
    %dot_general3A_20 = arith.constant dense<0.000000e+00> : vector<28x128x128xf32>
    %dot_general3A_21 = tpu.matmul %slice3A_17, %slice3A_18, %dot_general3A_20 {dimension_numbers = #tpu.dot_dimension_numbers<[2], [2], [1], [1], [0, 0, 0, 1, 1, 1], [0], [0]>, transpose_lhs_hint = false} : vector<28x128x16xf32>, vector<28x128x16xf32>, vector<28x128x128xf32> -> vector<28x128x128xf32>
    %mul3A_22 = vector.broadcast %get3A_5 : f32 to vector<28x128x128xf32>
    %mul3A_23 = arith.mulf %dot_general3A_21, %mul3A_22 : vector<28x128x128xf32>
    %reduce_max3A_24 = arith.constant dense<0xFF800000> : vector<28x128xf32>
    %reduce_max3A_25 = vector.multi_reduction <maximumf>, %mul3A_23, %reduce_max3A_24 [2] : vector<28x128x128xf32> to vector<28x128xf32>
    %broadcast_in_dim3A_26 = vector.shape_cast %reduce_max3A_25 : vector<28x128xf32> to vector<28x128x1xf32>
    %sub3A_27 = vector.broadcast %broadcast_in_dim3A_26 : vector<28x128x1xf32> to vector<28x128x128xf32>
    %sub3A_28 = arith.subf %mul3A_23, %sub3A_27 : vector<28x128x128xf32>
    %exp3A_29 = math.exp %sub3A_28 : vector<28x128x128xf32>
    %reduce_sum3A_30 = arith.constant dense<0.000000e+00> : vector<28x128xf32>
    %reduce_sum3A_31 = vector.multi_reduction <add>, %exp3A_29, %reduce_sum3A_30 [2] : vector<28x128x128xf32> to vector<28x128xf32>
    %broadcast_in_dim3A_32 = vector.shape_cast %reduce_sum3A_31 : vector<28x128xf32> to vector<28x128x1xf32>
    %div3A_33 = vector.broadcast %broadcast_in_dim3A_32 : vector<28x128x1xf32> to vector<28x128x128xf32>
    %div3A_34 = arith.divf %exp3A_29, %div3A_33 : vector<28x128x128xf32>
    %dot_general3A_35 = arith.constant dense<0.000000e+00> : vector<28x128x16xf32>
    %dot_general3A_36 = tpu.matmul %div3A_34, %slice3A_19, %dot_general3A_35 {dimension_numbers = #tpu.dot_dimension_numbers<[2], [1], [1], [2], [0, 0, 0, 1, 1, 2], [0], [0]>, transpose_lhs_hint = false} : vector<28x128x128xf32>, vector<28x128x16xf32>, vector<28x128x16xf32> -> vector<28x128x16xf32>
    %slice3A_37 = vector.extract_strided_slice %reshape3A {offsets = [0, 0, 32], sizes = [28, 128, 16], strides = [1, 1, 1]} : vector<28x128x384xf32> to vector<28x128x16xf32>
    %slice3A_38 = vector.extract_strided_slice %reshape3A {offsets = [0, 0, 128], sizes = [28, 128, 16], strides = [1, 1, 1]} : vector<28x128x384xf32> to vector<28x128x16xf32>
    %slice3A_39 = vector.extract_strided_slice %reshape3A {offsets = [0, 0, 224], sizes = [28, 128, 16], strides = [1, 1, 1]} : vector<28x128x384xf32> to vector<28x128x16xf32>
    %dot_general3A_40 = arith.constant dense<0.000000e+00> : vector<28x128x128xf32>
    %dot_general3A_41 = tpu.matmul %slice3A_37, %slice3A_38, %dot_general3A_40 {dimension_numbers = #tpu.dot_dimension_numbers<[2], [2], [1], [1], [0, 0, 0, 1, 1, 1], [0], [0]>, transpose_lhs_hint = false} : vector<28x128x16xf32>, vector<28x128x16xf32>, vector<28x128x128xf32> -> vector<28x128x128xf32>
    %mul3A_42 = vector.broadcast %get3A_5 : f32 to vector<28x128x128xf32>
    %mul3A_43 = arith.mulf %dot_general3A_41, %mul3A_42 : vector<28x128x128xf32>
    %reduce_max3A_44 = arith.constant dense<0xFF800000> : vector<28x128xf32>
    %reduce_max3A_45 = vector.multi_reduction <maximumf>, %mul3A_43, %reduce_max3A_44 [2] : vector<28x128x128xf32> to vector<28x128xf32>
    %broadcast_in_dim3A_46 = vector.shape_cast %reduce_max3A_45 : vector<28x128xf32> to vector<28x128x1xf32>
    %sub3A_47 = vector.broadcast %broadcast_in_dim3A_46 : vector<28x128x1xf32> to vector<28x128x128xf32>
    %sub3A_48 = arith.subf %mul3A_43, %sub3A_47 : vector<28x128x128xf32>
    %exp3A_49 = math.exp %sub3A_48 : vector<28x128x128xf32>
    %reduce_sum3A_50 = arith.constant dense<0.000000e+00> : vector<28x128xf32>
    %reduce_sum3A_51 = vector.multi_reduction <add>, %exp3A_49, %reduce_sum3A_50 [2] : vector<28x128x128xf32> to vector<28x128xf32>
    %broadcast_in_dim3A_52 = vector.shape_cast %reduce_sum3A_51 : vector<28x128xf32> to vector<28x128x1xf32>
    %div3A_53 = vector.broadcast %broadcast_in_dim3A_52 : vector<28x128x1xf32> to vector<28x128x128xf32>
    %div3A_54 = arith.divf %exp3A_49, %div3A_53 : vector<28x128x128xf32>
    %dot_general3A_55 = arith.constant dense<0.000000e+00> : vector<28x128x16xf32>
    %dot_general3A_56 = tpu.matmul %div3A_54, %slice3A_39, %dot_general3A_55 {dimension_numbers = #tpu.dot_dimension_numbers<[2], [1], [1], [2], [0, 0, 0, 1, 1, 2], [0], [0]>, transpose_lhs_hint = false} : vector<28x128x128xf32>, vector<28x128x16xf32>, vector<28x128x16xf32> -> vector<28x128x16xf32>
    %slice3A_57 = vector.extract_strided_slice %reshape3A {offsets = [0, 0, 48], sizes = [28, 128, 16], strides = [1, 1, 1]} : vector<28x128x384xf32> to vector<28x128x16xf32>
    %slice3A_58 = vector.extract_strided_slice %reshape3A {offsets = [0, 0, 144], sizes = [28, 128, 16], strides = [1, 1, 1]} : vector<28x128x384xf32> to vector<28x128x16xf32>
    %slice3A_59 = vector.extract_strided_slice %reshape3A {offsets = [0, 0, 240], sizes = [28, 128, 16], strides = [1, 1, 1]} : vector<28x128x384xf32> to vector<28x128x16xf32>
    %dot_general3A_60 = arith.constant dense<0.000000e+00> : vector<28x128x128xf32>
    %dot_general3A_61 = tpu.matmul %slice3A_57, %slice3A_58, %dot_general3A_60 {dimension_numbers = #tpu.dot_dimension_numbers<[2], [2], [1], [1], [0, 0, 0, 1, 1, 1], [0], [0]>, transpose_lhs_hint = false} : vector<28x128x16xf32>, vector<28x128x16xf32>, vector<28x128x128xf32> -> vector<28x128x128xf32>
    %mul3A_62 = vector.broadcast %get3A_5 : f32 to vector<28x128x128xf32>
    %mul3A_63 = arith.mulf %dot_general3A_61, %mul3A_62 : vector<28x128x128xf32>
    %reduce_max3A_64 = arith.constant dense<0xFF800000> : vector<28x128xf32>
    %reduce_max3A_65 = vector.multi_reduction <maximumf>, %mul3A_63, %reduce_max3A_64 [2] : vector<28x128x128xf32> to vector<28x128xf32>
    %broadcast_in_dim3A_66 = vector.shape_cast %reduce_max3A_65 : vector<28x128xf32> to vector<28x128x1xf32>
    %sub3A_67 = vector.broadcast %broadcast_in_dim3A_66 : vector<28x128x1xf32> to vector<28x128x128xf32>
    %sub3A_68 = arith.subf %mul3A_63, %sub3A_67 : vector<28x128x128xf32>
    %exp3A_69 = math.exp %sub3A_68 : vector<28x128x128xf32>
    %reduce_sum3A_70 = arith.constant dense<0.000000e+00> : vector<28x128xf32>
    %reduce_sum3A_71 = vector.multi_reduction <add>, %exp3A_69, %reduce_sum3A_70 [2] : vector<28x128x128xf32> to vector<28x128xf32>
    %broadcast_in_dim3A_72 = vector.shape_cast %reduce_sum3A_71 : vector<28x128xf32> to vector<28x128x1xf32>
    %div3A_73 = vector.broadcast %broadcast_in_dim3A_72 : vector<28x128x1xf32> to vector<28x128x128xf32>
    %div3A_74 = arith.divf %exp3A_69, %div3A_73 : vector<28x128x128xf32>
    %dot_general3A_75 = arith.constant dense<0.000000e+00> : vector<28x128x16xf32>
    %dot_general3A_76 = tpu.matmul %div3A_74, %slice3A_59, %dot_general3A_75 {dimension_numbers = #tpu.dot_dimension_numbers<[2], [1], [1], [2], [0, 0, 0, 1, 1, 2], [0], [0]>, transpose_lhs_hint = false} : vector<28x128x128xf32>, vector<28x128x16xf32>, vector<28x128x16xf32> -> vector<28x128x16xf32>
    %slice3A_77 = vector.extract_strided_slice %reshape3A {offsets = [0, 0, 64], sizes = [28, 128, 16], strides = [1, 1, 1]} : vector<28x128x384xf32> to vector<28x128x16xf32>
    %slice3A_78 = vector.extract_strided_slice %reshape3A {offsets = [0, 0, 160], sizes = [28, 128, 16], strides = [1, 1, 1]} : vector<28x128x384xf32> to vector<28x128x16xf32>
    %slice3A_79 = vector.extract_strided_slice %reshape3A {offsets = [0, 0, 256], sizes = [28, 128, 16], strides = [1, 1, 1]} : vector<28x128x384xf32> to vector<28x128x16xf32>
    %dot_general3A_80 = arith.constant dense<0.000000e+00> : vector<28x128x128xf32>
    %dot_general3A_81 = tpu.matmul %slice3A_77, %slice3A_78, %dot_general3A_80 {dimension_numbers = #tpu.dot_dimension_numbers<[2], [2], [1], [1], [0, 0, 0, 1, 1, 1], [0], [0]>, transpose_lhs_hint = false} : vector<28x128x16xf32>, vector<28x128x16xf32>, vector<28x128x128xf32> -> vector<28x128x128xf32>
    %mul3A_82 = vector.broadcast %get3A_5 : f32 to vector<28x128x128xf32>
    %mul3A_83 = arith.mulf %dot_general3A_81, %mul3A_82 : vector<28x128x128xf32>
    %reduce_max3A_84 = arith.constant dense<0xFF800000> : vector<28x128xf32>
    %reduce_max3A_85 = vector.multi_reduction <maximumf>, %mul3A_83, %reduce_max3A_84 [2] : vector<28x128x128xf32> to vector<28x128xf32>
    %broadcast_in_dim3A_86 = vector.shape_cast %reduce_max3A_85 : vector<28x128xf32> to vector<28x128x1xf32>
    %sub3A_87 = vector.broadcast %broadcast_in_dim3A_86 : vector<28x128x1xf32> to vector<28x128x128xf32>
    %sub3A_88 = arith.subf %mul3A_83, %sub3A_87 : vector<28x128x128xf32>
    %exp3A_89 = math.exp %sub3A_88 : vector<28x128x128xf32>
    %reduce_sum3A_90 = arith.constant dense<0.000000e+00> : vector<28x128xf32>
    %reduce_sum3A_91 = vector.multi_reduction <add>, %exp3A_89, %reduce_sum3A_90 [2] : vector<28x128x128xf32> to vector<28x128xf32>
    %broadcast_in_dim3A_92 = vector.shape_cast %reduce_sum3A_91 : vector<28x128xf32> to vector<28x128x1xf32>
    %div3A_93 = vector.broadcast %broadcast_in_dim3A_92 : vector<28x128x1xf32> to vector<28x128x128xf32>
    %div3A_94 = arith.divf %exp3A_89, %div3A_93 : vector<28x128x128xf32>
    %dot_general3A_95 = arith.constant dense<0.000000e+00> : vector<28x128x16xf32>
    %dot_general3A_96 = tpu.matmul %div3A_94, %slice3A_79, %dot_general3A_95 {dimension_numbers = #tpu.dot_dimension_numbers<[2], [1], [1], [2], [0, 0, 0, 1, 1, 2], [0], [0]>, transpose_lhs_hint = false} : vector<28x128x128xf32>, vector<28x128x16xf32>, vector<28x128x16xf32> -> vector<28x128x16xf32>
    %slice3A_97 = vector.extract_strided_slice %reshape3A {offsets = [0, 0, 80], sizes = [28, 128, 16], strides = [1, 1, 1]} : vector<28x128x384xf32> to vector<28x128x16xf32>
    %slice3A_98 = vector.extract_strided_slice %reshape3A {offsets = [0, 0, 176], sizes = [28, 128, 16], strides = [1, 1, 1]} : vector<28x128x384xf32> to vector<28x128x16xf32>
    %slice3A_99 = vector.extract_strided_slice %reshape3A {offsets = [0, 0, 272], sizes = [28, 128, 16], strides = [1, 1, 1]} : vector<28x128x384xf32> to vector<28x128x16xf32>
    %dot_general3A_100 = arith.constant dense<0.000000e+00> : vector<28x128x128xf32>
    %dot_general3A_101 = tpu.matmul %slice3A_97, %slice3A_98, %dot_general3A_100 {dimension_numbers = #tpu.dot_dimension_numbers<[2], [2], [1], [1], [0, 0, 0, 1, 1, 1], [0], [0]>, transpose_lhs_hint = false} : vector<28x128x16xf32>, vector<28x128x16xf32>, vector<28x128x128xf32> -> vector<28x128x128xf32>
    %mul3A_102 = vector.broadcast %get3A_5 : f32 to vector<28x128x128xf32>
    %mul3A_103 = arith.mulf %dot_general3A_101, %mul3A_102 : vector<28x128x128xf32>
    %reduce_max3A_104 = arith.constant dense<0xFF800000> : vector<28x128xf32>
    %reduce_max3A_105 = vector.multi_reduction <maximumf>, %mul3A_103, %reduce_max3A_104 [2] : vector<28x128x128xf32> to vector<28x128xf32>
    %broadcast_in_dim3A_106 = vector.shape_cast %reduce_max3A_105 : vector<28x128xf32> to vector<28x128x1xf32>
    %sub3A_107 = vector.broadcast %broadcast_in_dim3A_106 : vector<28x128x1xf32> to vector<28x128x128xf32>
    %sub3A_108 = arith.subf %mul3A_103, %sub3A_107 : vector<28x128x128xf32>
    %exp3A_109 = math.exp %sub3A_108 : vector<28x128x128xf32>
    %reduce_sum3A_110 = arith.constant dense<0.000000e+00> : vector<28x128xf32>
    %reduce_sum3A_111 = vector.multi_reduction <add>, %exp3A_109, %reduce_sum3A_110 [2] : vector<28x128x128xf32> to vector<28x128xf32>
    %broadcast_in_dim3A_112 = vector.shape_cast %reduce_sum3A_111 : vector<28x128xf32> to vector<28x128x1xf32>
    %div3A_113 = vector.broadcast %broadcast_in_dim3A_112 : vector<28x128x1xf32> to vector<28x128x128xf32>
    %div3A_114 = arith.divf %exp3A_109, %div3A_113 : vector<28x128x128xf32>
    %dot_general3A_115 = arith.constant dense<0.000000e+00> : vector<28x128x16xf32>
    %dot_general3A_116 = tpu.matmul %div3A_114, %slice3A_99, %dot_general3A_115 {dimension_numbers = #tpu.dot_dimension_numbers<[2], [1], [1], [2], [0, 0, 0, 1, 1, 2], [0], [0]>, transpose_lhs_hint = false} : vector<28x128x128xf32>, vector<28x128x16xf32>, vector<28x128x16xf32> -> vector<28x128x16xf32>
    %concatenate3A = tpu.concatenate %dot_general3A_16, %dot_general3A_36, %dot_general3A_56, %dot_general3A_76, %dot_general3A_96, %dot_general3A_116 in 2 : vector<28x128x16xf32>, vector<28x128x16xf32>, vector<28x128x16xf32>, vector<28x128x16xf32>, vector<28x128x16xf32>, vector<28x128x16xf32> -> vector<28x128x96xf32>
    %reshape3A_117 = vector.shape_cast %concatenate3A : vector<28x128x96xf32> to vector<3584x96xf32>
    %get3A_118 = arith.constant 0 : index
    %get3A_119 = arith.constant 0 : index
    %get3A_120 = vector.load %arg3[%get3A_118, %get3A_119] : memref<96x96xf32, #tpu.memory_space<vmem>>, vector<96x96xf32>
    %dot_general3A_121 = arith.constant dense<0.000000e+00> : vector<3584x96xf32>
    %dot_general3A_122 = tpu.matmul %reshape3A_117, %get3A_120, %dot_general3A_121 {dimension_numbers = #tpu.dot_dimension_numbers<[1], [0], [0], [1], [0, 0, 1, 1], [], []>, transpose_lhs_hint = false} : vector<3584x96xf32>, vector<96x96xf32>, vector<3584x96xf32> -> vector<3584x96xf32>
    %get3A_123 = arith.constant 0 : index
    %get3A_124 = arith.constant 0 : index
    %get3A_125 = vector.load %arg4[%get3A_123, %get3A_124] : memref<1x96xf32, #tpu.memory_space<vmem>>, vector<1x96xf32>
    %add3A = vector.broadcast %get3A_125 : vector<1x96xf32> to vector<3584x96xf32>
    %add3A_126 = arith.addf %dot_general3A_122, %add3A : vector<3584x96xf32>
    %broadcast_in_dim3A_127 = arith.constant 0.000000e+00 : f32
    %broadcast_in_dim3A_128 = vector.broadcast %broadcast_in_dim3A_127 : f32 to vector<3584x32xf32>
    %concatenate3A_129 = tpu.concatenate %add3A_126, %broadcast_in_dim3A_128 in 1 : vector<3584x96xf32>, vector<3584x32xf32> -> vector<3584x128xf32>
    %swap3A = arith.constant 0 : index
    %swap3A_130 = arith.constant 0 : index
    %swap3A_131 = vector.load %arg5[%swap3A, %swap3A_130] : memref<3584x128xf32, #tpu.memory_space<vmem>>, vector<3584x128xf32>
    tpu.vector_store %arg5[%swap3A, %swap3A_130], %concatenate3A_129 {strides = array<i32>} : memref<3584x128xf32, #tpu.memory_space<vmem>>, vector<3584x128xf32>,
    return
  }
  func.func @transform_0(%arg0: i32) -> (i32, i32) {
    %c0_i32 = arith.constant 0 : i32
    %c0_i32_0 = arith.constant 0 : i32
    return %arg0, %c0_i32 : i32, i32
  }
  func.func @transform_1(%arg0: i32) -> (i32, i32) {
    %c0_i32 = arith.constant 0 : i32
    %c0_i32_0 = arith.constant 0 : i32
    %c0_i32_1 = arith.constant 0 : i32
    return %c0_i32, %c0_i32_0 : i32, i32
  }
  func.func @transform_2(%arg0: i32) -> (i32, i32) {
    %c0_i32 = arith.constant 0 : i32
    %c0_i32_0 = arith.constant 0 : i32
    %c0_i32_1 = arith.constant 0 : i32
    return %c0_i32, %c0_i32_0 : i32, i32
  }
  func.func @transform_3(%arg0: i32) -> (i32, i32) {
    %c0_i32 = arith.constant 0 : i32
    %c0_i32_0 = arith.constant 0 : i32
    %c0_i32_1 = arith.constant 0 : i32
    return %c0_i32, %c0_i32_0 : i32, i32
  }
  func.func @transform_4(%arg0: i32) -> (i32, i32) {
    %c0_i32 = arith.constant 0 : i32
    %c0_i32_0 = arith.constant 0 : i32
    return %arg0, %c0_i32 : i32, i32
  }
}

module attributes {stable_mosaic.version = 14 : i64} {
  func.func @_f_body(%arg0: i32, %arg1: memref<1792x96xf32, #tpu.memory_space<vmem>>, %arg2: memref<1792x96xf32, #tpu.memory_space<vmem>>, %arg3: memref<1792x96xf32, #tpu.memory_space<vmem>>, %arg4: memref<1792x128xf32, #tpu.memory_space<vmem>>, %arg5: memref<1792x128xf32, #tpu.memory_space<vmem>>, %arg6: memref<1792x128xf32, #tpu.memory_space<vmem>>, %arg7: memref<96x192xf32, #tpu.memory_space<vmem>>, %arg8: memref<1x192xf32, #tpu.memory_space<vmem>>, %arg9: memref<25x192xf32, #tpu.memory_space<vmem>>, %arg10: memref<1x192xf32, #tpu.memory_space<vmem>>, %arg11: memref<192x96xf32, #tpu.memory_space<vmem>>, %arg12: memref<1x96xf32, #tpu.memory_space<vmem>>, %arg13: memref<1792x96xf32, #tpu.memory_space<vmem>>) attributes {dimension_semantics = [#tpu.dimension_semantics<arbitrary>], iteration_bounds = array<i64: 28>, scalar_prefetch = 0 : i64, scratch_operands = 0 : i64, tpu.core_type = #tpu.core_type<tc>, window_params = [{transform_indices = @transform_0, window_bounds = array<i64: 1792, 96>}, {transform_indices = @transform_1, window_bounds = array<i64: 1792, 96>}, {transform_indices = @transform_2, window_bounds = array<i64: 1792, 96>}, {transform_indices = @transform_3, window_bounds = array<i64: 1792, 128>}, {transform_indices = @transform_4, window_bounds = array<i64: 1792, 128>}, {transform_indices = @transform_5, window_bounds = array<i64: 1792, 128>}, {pipeline_mode = #tpu.pipeline_mode<synchronous>, transform_indices = @transform_6, window_bounds = array<i64: 96, 192>}, {pipeline_mode = #tpu.pipeline_mode<synchronous>, transform_indices = @transform_7, window_bounds = array<i64: 1, 192>}, {pipeline_mode = #tpu.pipeline_mode<synchronous>, transform_indices = @transform_8, window_bounds = array<i64: 25, 192>}, {pipeline_mode = #tpu.pipeline_mode<synchronous>, transform_indices = @transform_9, window_bounds = array<i64: 1, 192>}, {pipeline_mode = #tpu.pipeline_mode<synchronous>, transform_indices = @transform_10, window_bounds = array<i64: 192, 96>}, {pipeline_mode = #tpu.pipeline_mode<synchronous>, transform_indices = @transform_11, window_bounds = array<i64: 1, 96>}, {transform_indices = @transform_12, window_bounds = array<i64: 1792, 96>}]} {
    %get3A = arith.constant 0 : index
    %get3A_0 = arith.constant 0 : index
    %get3A_1 = vector.load %arg1[%get3A, %get3A_0] : memref<1792x96xf32, #tpu.memory_space<vmem>>, vector<1792x96xf32>
    %get3A_2 = arith.constant 0 : index
    %get3A_3 = arith.constant 0 : index
    %get3A_4 = vector.load %arg4[%get3A_2, %get3A_3] : memref<1792x128xf32, #tpu.memory_space<vmem>>, vector<1792x96xf32>
    %add3A = arith.addf %get3A_1, %get3A_4 : vector<1792x96xf32>
    %reshape3A = vector.shape_cast %add3A : vector<1792x96xf32> to vector<8x224x96xf32>
    %slice3A = vector.extract_strided_slice %reshape3A {offsets = [6, 0, 0], sizes = [2, 224, 96], strides = [1, 1, 1]} : vector<8x224x96xf32> to vector<2x224x96xf32>
    %get3A_5 = arith.constant 0 : index
    %get3A_6 = arith.constant 0 : index
    %get3A_7 = vector.load %arg2[%get3A_5, %get3A_6] : memref<1792x96xf32, #tpu.memory_space<vmem>>, vector<1792x96xf32>
    %get3A_8 = arith.constant 0 : index
    %get3A_9 = arith.constant 0 : index
    %get3A_10 = vector.load %arg5[%get3A_8, %get3A_9] : memref<1792x128xf32, #tpu.memory_space<vmem>>, vector<1792x96xf32>
    %add3A_11 = arith.addf %get3A_7, %get3A_10 : vector<1792x96xf32>
    %reshape3A_12 = vector.shape_cast %add3A_11 : vector<1792x96xf32> to vector<8x224x96xf32>
    %get3A_13 = arith.constant 0 : index
    %get3A_14 = arith.constant 0 : index
    %get3A_15 = vector.load %arg3[%get3A_13, %get3A_14] : memref<1792x96xf32, #tpu.memory_space<vmem>>, vector<1792x96xf32>
    %get3A_16 = arith.constant 0 : index
    %get3A_17 = arith.constant 0 : index
    %get3A_18 = vector.load %arg6[%get3A_16, %get3A_17] : memref<1792x128xf32, #tpu.memory_space<vmem>>, vector<1792x96xf32>
    %add3A_19 = arith.addf %get3A_15, %get3A_18 : vector<1792x96xf32>
    %reshape3A_20 = vector.shape_cast %add3A_19 : vector<1792x96xf32> to vector<8x224x96xf32>
    %slice3A_21 = vector.extract_strided_slice %reshape3A_20 {offsets = [0, 0, 0], sizes = [2, 224, 96], strides = [1, 1, 1]} : vector<8x224x96xf32> to vector<2x224x96xf32>
    %concatenate3A = tpu.concatenate %slice3A, %reshape3A_12, %slice3A_21 in 0 : vector<2x224x96xf32>, vector<8x224x96xf32>, vector<2x224x96xf32> -> vector<12x224x96xf32>
    %reshape3A_22 = vector.shape_cast %concatenate3A : vector<12x224x96xf32> to vector<2688x96xf32>
    %reduce_sum3A = arith.constant dense<0.000000e+00> : vector<2688xf32>
    %reduce_sum3A_23 = vector.multi_reduction <add>, %reshape3A_22, %reduce_sum3A [1] : vector<2688x96xf32> to vector<2688xf32>
    %broadcast_in_dim3A = vector.shape_cast %reduce_sum3A_23 : vector<2688xf32> to vector<2688x1xf32>
    %div3A = arith.constant 9.600000e+01 : f32
    %div3A_24 = vector.broadcast %div3A : f32 to vector<2688x1xf32>
    %div3A_25 = arith.divf %broadcast_in_dim3A, %div3A_24 : vector<2688x1xf32>
    %sub3A = vector.broadcast %div3A_25 : vector<2688x1xf32> to vector<2688x96xf32>
    %sub3A_26 = arith.subf %reshape3A_22, %sub3A : vector<2688x96xf32>
    %sub3A_27 = vector.broadcast %div3A_25 : vector<2688x1xf32> to vector<2688x96xf32>
    %sub3A_28 = arith.subf %reshape3A_22, %sub3A_27 : vector<2688x96xf32>
    %mul3A = arith.mulf %sub3A_26, %sub3A_28 : vector<2688x96xf32>
    %reduce_sum3A_29 = arith.constant dense<0.000000e+00> : vector<2688xf32>
    %reduce_sum3A_30 = vector.multi_reduction <add>, %mul3A, %reduce_sum3A_29 [1] : vector<2688x96xf32> to vector<2688xf32>
    %broadcast_in_dim3A_31 = vector.shape_cast %reduce_sum3A_30 : vector<2688xf32> to vector<2688x1xf32>
    %div3A_32 = arith.constant 9.600000e+01 : f32
    %div3A_33 = vector.broadcast %div3A_32 : f32 to vector<2688x1xf32>
    %div3A_34 = arith.divf %broadcast_in_dim3A_31, %div3A_33 : vector<2688x1xf32>
    %sub3A_35 = vector.broadcast %div3A_25 : vector<2688x1xf32> to vector<2688x96xf32>
    %sub3A_36 = arith.subf %reshape3A_22, %sub3A_35 : vector<2688x96xf32>
    %add3A_37 = arith.constant 9.99999974E-6 : f32
    %add3A_38 = vector.broadcast %add3A_37 : f32 to vector<2688x1xf32>
    %add3A_39 = arith.addf %div3A_34, %add3A_38 : vector<2688x1xf32>
    %rsqrt3A = math.rsqrt %add3A_39 : vector<2688x1xf32>
    %mul3A_40 = vector.broadcast %rsqrt3A : vector<2688x1xf32> to vector<2688x96xf32>
    %mul3A_41 = arith.mulf %sub3A_36, %mul3A_40 : vector<2688x96xf32>
    %mul3A_42 = arith.constant 1.000000e+00 : f32
    %mul3A_43 = vector.broadcast %mul3A_42 : f32 to vector<2688x96xf32>
    %mul3A_44 = arith.mulf %mul3A_41, %mul3A_43 : vector<2688x96xf32>
    %add3A_45 = arith.constant 0.000000e+00 : f32
    %add3A_46 = vector.broadcast %add3A_45 : f32 to vector<2688x96xf32>
    %add3A_47 = arith.addf %mul3A_44, %add3A_46 : vector<2688x96xf32>
    %get3A_48 = arith.constant 0 : index
    %get3A_49 = arith.constant 0 : index
    %get3A_50 = vector.load %arg7[%get3A_48, %get3A_49] : memref<96x192xf32, #tpu.memory_space<vmem>>, vector<96x192xf32>
    %dot_general3A = arith.constant dense<0.000000e+00> : vector<2688x192xf32>
    %dot_general3A_51 = tpu.matmul %add3A_47, %get3A_50, %dot_general3A {dimension_numbers = #tpu.dot_dimension_numbers<[1], [0], [0], [1], [0, 0, 1, 1], [], []>, transpose_lhs_hint = false} : vector<2688x96xf32>, vector<96x192xf32>, vector<2688x192xf32> -> vector<2688x192xf32>
    %get3A_52 = arith.constant 0 : index
    %get3A_53 = arith.constant 0 : index
    %get3A_54 = vector.load %arg8[%get3A_52, %get3A_53] : memref<1x192xf32, #tpu.memory_space<vmem>>, vector<1x192xf32>
    %add3A_55 = vector.broadcast %get3A_54 : vector<1x192xf32> to vector<2688x192xf32>
    %add3A_56 = arith.addf %dot_general3A_51, %add3A_55 : vector<2688x192xf32>
    %mul3A_57 = arith.constant 5.000000e-01 : f32
    %mul3A_58 = vector.broadcast %mul3A_57 : f32 to vector<2688x192xf32>
    %mul3A_59 = arith.mulf %mul3A_58, %add3A_56 : vector<2688x192xf32>
    %mul3A_60 = arith.constant 0.707106769 : f32
    %mul3A_61 = vector.broadcast %mul3A_60 : f32 to vector<2688x192xf32>
    %mul3A_62 = arith.mulf %add3A_56, %mul3A_61 : vector<2688x192xf32>
    %erf3A = math.erf %mul3A_62 : vector<2688x192xf32>
    %add3A_63 = arith.constant 1.000000e+00 : f32
    %add3A_64 = vector.broadcast %add3A_63 : f32 to vector<2688x192xf32>
    %add3A_65 = arith.addf %add3A_64, %erf3A : vector<2688x192xf32>
    %mul3A_66 = arith.mulf %mul3A_59, %add3A_65 : vector<2688x192xf32>
    %reshape3A_67 = vector.shape_cast %mul3A_66 : vector<2688x192xf32> to vector<12x224x192xf32>
    %iota3A = tpu.iota {dimensions = array<i32: 0>} : vector<12x1x1xi32>
    %eq3A = arith.constant 0 : i32
    %eq3A_68 = arith.cmpi eq, %arg0, %eq3A : i32
    %lt3A = arith.constant 2 : i32
    %lt3A_69 = vector.broadcast %lt3A : i32 to vector<12x1x1xi32>
    %lt3A_70 = arith.cmpi slt, %iota3A, %lt3A_69 : vector<12x1x1xi32>
    %and3A = vector.broadcast %eq3A_68 : i1 to vector<12x1x1xi1>
    %and3A_71 = arith.andi %and3A, %lt3A_70 : vector<12x1x1xi1>
    %jit3A = arith.constant 0.000000e+00 : f32
    %broadcast_in_dim3A_72 = vector.shape_cast %and3A_71 : vector<12x1x1xi1> to vector<12x1x1xi1>
    %broadcast_in_dim3A_73 = vector.broadcast %broadcast_in_dim3A_72 : vector<12x1x1xi1> to vector<12x224x192xi1>
    %broadcast_in_dim3A_74 = vector.broadcast %jit3A : f32 to vector<12x224x192xf32>
    %select_n3A = arith.select %broadcast_in_dim3A_73, %broadcast_in_dim3A_74, %reshape3A_67 : vector<12x224x192xi1>, vector<12x224x192xf32>
    %eq3A_75 = arith.constant 27 : i32
    %eq3A_76 = arith.cmpi eq, %arg0, %eq3A_75 : i32
    %ge3A = arith.constant 10 : i32
    %ge3A_77 = vector.broadcast %ge3A : i32 to vector<12x1x1xi32>
    %ge3A_78 = arith.cmpi sge, %iota3A, %ge3A_77 : vector<12x1x1xi32>
    %and3A_79 = vector.broadcast %eq3A_76 : i1 to vector<12x1x1xi1>
    %and3A_80 = arith.andi %and3A_79, %ge3A_78 : vector<12x1x1xi1>
    %jit3A_81 = arith.constant 0.000000e+00 : f32
    %broadcast_in_dim3A_82 = vector.shape_cast %and3A_80 : vector<12x1x1xi1> to vector<12x1x1xi1>
    %broadcast_in_dim3A_83 = vector.broadcast %broadcast_in_dim3A_82 : vector<12x1x1xi1> to vector<12x224x192xi1>
    %broadcast_in_dim3A_84 = vector.broadcast %jit3A_81 : f32 to vector<12x224x192xf32>
    %select_n3A_85 = arith.select %broadcast_in_dim3A_83, %broadcast_in_dim3A_84, %select_n3A : vector<12x224x192xi1>, vector<12x224x192xf32>
    %broadcast_in_dim3A_86 = arith.constant 0.000000e+00 : f32
    %broadcast_in_dim3A_87 = vector.broadcast %broadcast_in_dim3A_86 : f32 to vector<12x2x192xf32>
    %concatenate3A_88 = tpu.concatenate %broadcast_in_dim3A_87, %select_n3A_85, %broadcast_in_dim3A_87 in 1 : vector<12x2x192xf32>, vector<12x224x192xf32>, vector<12x2x192xf32> -> vector<12x228x192xf32>
    %broadcast_in_dim3A_89 = arith.constant 0.000000e+00 : f32
    %broadcast_in_dim3A_90 = vector.broadcast %broadcast_in_dim3A_89 : f32 to vector<8x224x192xf32>
    %slice3A_91 = vector.extract_strided_slice %concatenate3A_88 {offsets = [0, 0, 0], sizes = [12, 224, 192], strides = [1, 1, 1]} : vector<12x228x192xf32> to vector<12x224x192xf32>
    %slice3A_92 = vector.extract_strided_slice %slice3A_91 {offsets = [0, 0, 0], sizes = [8, 224, 192], strides = [1, 1, 1]} : vector<12x224x192xf32> to vector<8x224x192xf32>
    %get3A_93 = arith.constant 0 : index
    %get3A_94 = arith.constant 0 : index
    %get3A_95 = vector.load %arg9[%get3A_93, %get3A_94] : memref<25x192xf32, #tpu.memory_space<vmem>>, vector<1x192xf32>
    %get3A_96 = vector.shape_cast %get3A_95 : vector<1x192xf32> to vector<192xf32>
    %broadcast_in_dim3A_97 = vector.shape_cast %get3A_96 : vector<192xf32> to vector<1x1x192xf32>
    %mul3A_98 = vector.broadcast %broadcast_in_dim3A_97 : vector<1x1x192xf32> to vector<8x224x192xf32>
    %mul3A_99 = arith.mulf %slice3A_92, %mul3A_98 : vector<8x224x192xf32>
    %add3A_100 = arith.addf %broadcast_in_dim3A_90, %mul3A_99 : vector<8x224x192xf32>
    %slice3A_101 = vector.extract_strided_slice %slice3A_91 {offsets = [1, 0, 0], sizes = [8, 224, 192], strides = [1, 1, 1]} : vector<12x224x192xf32> to vector<8x224x192xf32>
    %get3A_102 = arith.constant 5 : index
    %get3A_103 = arith.constant 0 : index
    %get3A_104 = vector.load %arg9[%get3A_102, %get3A_103] : memref<25x192xf32, #tpu.memory_space<vmem>>, vector<1x192xf32>
    %get3A_105 = vector.shape_cast %get3A_104 : vector<1x192xf32> to vector<192xf32>
    %broadcast_in_dim3A_106 = vector.shape_cast %get3A_105 : vector<192xf32> to vector<1x1x192xf32>
    %mul3A_107 = vector.broadcast %broadcast_in_dim3A_106 : vector<1x1x192xf32> to vector<8x224x192xf32>
    %mul3A_108 = arith.mulf %slice3A_101, %mul3A_107 : vector<8x224x192xf32>
    %add3A_109 = arith.addf %add3A_100, %mul3A_108 : vector<8x224x192xf32>
    %slice3A_110 = vector.extract_strided_slice %slice3A_91 {offsets = [2, 0, 0], sizes = [8, 224, 192], strides = [1, 1, 1]} : vector<12x224x192xf32> to vector<8x224x192xf32>
    %get3A_111 = arith.constant 10 : index
    %get3A_112 = arith.constant 0 : index
    %get3A_113 = vector.load %arg9[%get3A_111, %get3A_112] : memref<25x192xf32, #tpu.memory_space<vmem>>, vector<1x192xf32>
    %get3A_114 = vector.shape_cast %get3A_113 : vector<1x192xf32> to vector<192xf32>
    %broadcast_in_dim3A_115 = vector.shape_cast %get3A_114 : vector<192xf32> to vector<1x1x192xf32>
    %mul3A_116 = vector.broadcast %broadcast_in_dim3A_115 : vector<1x1x192xf32> to vector<8x224x192xf32>
    %mul3A_117 = arith.mulf %slice3A_110, %mul3A_116 : vector<8x224x192xf32>
    %add3A_118 = arith.addf %add3A_109, %mul3A_117 : vector<8x224x192xf32>
    %slice3A_119 = vector.extract_strided_slice %slice3A_91 {offsets = [3, 0, 0], sizes = [8, 224, 192], strides = [1, 1, 1]} : vector<12x224x192xf32> to vector<8x224x192xf32>
    %get3A_120 = arith.constant 15 : index
    %get3A_121 = arith.constant 0 : index
    %get3A_122 = vector.load %arg9[%get3A_120, %get3A_121] : memref<25x192xf32, #tpu.memory_space<vmem>>, vector<1x192xf32>
    %get3A_123 = vector.shape_cast %get3A_122 : vector<1x192xf32> to vector<192xf32>
    %broadcast_in_dim3A_124 = vector.shape_cast %get3A_123 : vector<192xf32> to vector<1x1x192xf32>
    %mul3A_125 = vector.broadcast %broadcast_in_dim3A_124 : vector<1x1x192xf32> to vector<8x224x192xf32>
    %mul3A_126 = arith.mulf %slice3A_119, %mul3A_125 : vector<8x224x192xf32>
    %add3A_127 = arith.addf %add3A_118, %mul3A_126 : vector<8x224x192xf32>
    %slice3A_128 = vector.extract_strided_slice %slice3A_91 {offsets = [4, 0, 0], sizes = [8, 224, 192], strides = [1, 1, 1]} : vector<12x224x192xf32> to vector<8x224x192xf32>
    %get3A_129 = arith.constant 20 : index
    %get3A_130 = arith.constant 0 : index
    %get3A_131 = vector.load %arg9[%get3A_129, %get3A_130] : memref<25x192xf32, #tpu.memory_space<vmem>>, vector<1x192xf32>
    %get3A_132 = vector.shape_cast %get3A_131 : vector<1x192xf32> to vector<192xf32>
    %broadcast_in_dim3A_133 = vector.shape_cast %get3A_132 : vector<192xf32> to vector<1x1x192xf32>
    %mul3A_134 = vector.broadcast %broadcast_in_dim3A_133 : vector<1x1x192xf32> to vector<8x224x192xf32>
    %mul3A_135 = arith.mulf %slice3A_128, %mul3A_134 : vector<8x224x192xf32>
    %add3A_136 = arith.addf %add3A_127, %mul3A_135 : vector<8x224x192xf32>
    %slice3A_137 = vector.extract_strided_slice %concatenate3A_88 {offsets = [0, 1, 0], sizes = [12, 224, 192], strides = [1, 1, 1]} : vector<12x228x192xf32> to vector<12x224x192xf32>
    %slice3A_138 = vector.extract_strided_slice %slice3A_137 {offsets = [0, 0, 0], sizes = [8, 224, 192], strides = [1, 1, 1]} : vector<12x224x192xf32> to vector<8x224x192xf32>
    %get3A_139 = arith.constant 1 : index
    %get3A_140 = arith.constant 0 : index
    %get3A_141 = vector.load %arg9[%get3A_139, %get3A_140] : memref<25x192xf32, #tpu.memory_space<vmem>>, vector<1x192xf32>
    %get3A_142 = vector.shape_cast %get3A_141 : vector<1x192xf32> to vector<192xf32>
    %broadcast_in_dim3A_143 = vector.shape_cast %get3A_142 : vector<192xf32> to vector<1x1x192xf32>
    %mul3A_144 = vector.broadcast %broadcast_in_dim3A_143 : vector<1x1x192xf32> to vector<8x224x192xf32>
    %mul3A_145 = arith.mulf %slice3A_138, %mul3A_144 : vector<8x224x192xf32>
    %add3A_146 = arith.addf %add3A_136, %mul3A_145 : vector<8x224x192xf32>
    %slice3A_147 = vector.extract_strided_slice %slice3A_137 {offsets = [1, 0, 0], sizes = [8, 224, 192], strides = [1, 1, 1]} : vector<12x224x192xf32> to vector<8x224x192xf32>
    %get3A_148 = arith.constant 6 : index
    %get3A_149 = arith.constant 0 : index
    %get3A_150 = vector.load %arg9[%get3A_148, %get3A_149] : memref<25x192xf32, #tpu.memory_space<vmem>>, vector<1x192xf32>
    %get3A_151 = vector.shape_cast %get3A_150 : vector<1x192xf32> to vector<192xf32>
    %broadcast_in_dim3A_152 = vector.shape_cast %get3A_151 : vector<192xf32> to vector<1x1x192xf32>
    %mul3A_153 = vector.broadcast %broadcast_in_dim3A_152 : vector<1x1x192xf32> to vector<8x224x192xf32>
    %mul3A_154 = arith.mulf %slice3A_147, %mul3A_153 : vector<8x224x192xf32>
    %add3A_155 = arith.addf %add3A_146, %mul3A_154 : vector<8x224x192xf32>
    %slice3A_156 = vector.extract_strided_slice %slice3A_137 {offsets = [2, 0, 0], sizes = [8, 224, 192], strides = [1, 1, 1]} : vector<12x224x192xf32> to vector<8x224x192xf32>
    %get3A_157 = arith.constant 11 : index
    %get3A_158 = arith.constant 0 : index
    %get3A_159 = vector.load %arg9[%get3A_157, %get3A_158] : memref<25x192xf32, #tpu.memory_space<vmem>>, vector<1x192xf32>
    %get3A_160 = vector.shape_cast %get3A_159 : vector<1x192xf32> to vector<192xf32>
    %broadcast_in_dim3A_161 = vector.shape_cast %get3A_160 : vector<192xf32> to vector<1x1x192xf32>
    %mul3A_162 = vector.broadcast %broadcast_in_dim3A_161 : vector<1x1x192xf32> to vector<8x224x192xf32>
    %mul3A_163 = arith.mulf %slice3A_156, %mul3A_162 : vector<8x224x192xf32>
    %add3A_164 = arith.addf %add3A_155, %mul3A_163 : vector<8x224x192xf32>
    %slice3A_165 = vector.extract_strided_slice %slice3A_137 {offsets = [3, 0, 0], sizes = [8, 224, 192], strides = [1, 1, 1]} : vector<12x224x192xf32> to vector<8x224x192xf32>
    %get3A_166 = arith.constant 16 : index
    %get3A_167 = arith.constant 0 : index
    %get3A_168 = vector.load %arg9[%get3A_166, %get3A_167] : memref<25x192xf32, #tpu.memory_space<vmem>>, vector<1x192xf32>
    %get3A_169 = vector.shape_cast %get3A_168 : vector<1x192xf32> to vector<192xf32>
    %broadcast_in_dim3A_170 = vector.shape_cast %get3A_169 : vector<192xf32> to vector<1x1x192xf32>
    %mul3A_171 = vector.broadcast %broadcast_in_dim3A_170 : vector<1x1x192xf32> to vector<8x224x192xf32>
    %mul3A_172 = arith.mulf %slice3A_165, %mul3A_171 : vector<8x224x192xf32>
    %add3A_173 = arith.addf %add3A_164, %mul3A_172 : vector<8x224x192xf32>
    %slice3A_174 = vector.extract_strided_slice %slice3A_137 {offsets = [4, 0, 0], sizes = [8, 224, 192], strides = [1, 1, 1]} : vector<12x224x192xf32> to vector<8x224x192xf32>
    %get3A_175 = arith.constant 21 : index
    %get3A_176 = arith.constant 0 : index
    %get3A_177 = vector.load %arg9[%get3A_175, %get3A_176] : memref<25x192xf32, #tpu.memory_space<vmem>>, vector<1x192xf32>
    %get3A_178 = vector.shape_cast %get3A_177 : vector<1x192xf32> to vector<192xf32>
    %broadcast_in_dim3A_179 = vector.shape_cast %get3A_178 : vector<192xf32> to vector<1x1x192xf32>
    %mul3A_180 = vector.broadcast %broadcast_in_dim3A_179 : vector<1x1x192xf32> to vector<8x224x192xf32>
    %mul3A_181 = arith.mulf %slice3A_174, %mul3A_180 : vector<8x224x192xf32>
    %add3A_182 = arith.addf %add3A_173, %mul3A_181 : vector<8x224x192xf32>
    %slice3A_183 = vector.extract_strided_slice %concatenate3A_88 {offsets = [0, 2, 0], sizes = [12, 224, 192], strides = [1, 1, 1]} : vector<12x228x192xf32> to vector<12x224x192xf32>
    %slice3A_184 = vector.extract_strided_slice %slice3A_183 {offsets = [0, 0, 0], sizes = [8, 224, 192], strides = [1, 1, 1]} : vector<12x224x192xf32> to vector<8x224x192xf32>
    %get3A_185 = arith.constant 2 : index
    %get3A_186 = arith.constant 0 : index
    %get3A_187 = vector.load %arg9[%get3A_185, %get3A_186] : memref<25x192xf32, #tpu.memory_space<vmem>>, vector<1x192xf32>
    %get3A_188 = vector.shape_cast %get3A_187 : vector<1x192xf32> to vector<192xf32>
    %broadcast_in_dim3A_189 = vector.shape_cast %get3A_188 : vector<192xf32> to vector<1x1x192xf32>
    %mul3A_190 = vector.broadcast %broadcast_in_dim3A_189 : vector<1x1x192xf32> to vector<8x224x192xf32>
    %mul3A_191 = arith.mulf %slice3A_184, %mul3A_190 : vector<8x224x192xf32>
    %add3A_192 = arith.addf %add3A_182, %mul3A_191 : vector<8x224x192xf32>
    %slice3A_193 = vector.extract_strided_slice %slice3A_183 {offsets = [1, 0, 0], sizes = [8, 224, 192], strides = [1, 1, 1]} : vector<12x224x192xf32> to vector<8x224x192xf32>
    %get3A_194 = arith.constant 7 : index
    %get3A_195 = arith.constant 0 : index
    %get3A_196 = vector.load %arg9[%get3A_194, %get3A_195] : memref<25x192xf32, #tpu.memory_space<vmem>>, vector<1x192xf32>
    %get3A_197 = vector.shape_cast %get3A_196 : vector<1x192xf32> to vector<192xf32>
    %broadcast_in_dim3A_198 = vector.shape_cast %get3A_197 : vector<192xf32> to vector<1x1x192xf32>
    %mul3A_199 = vector.broadcast %broadcast_in_dim3A_198 : vector<1x1x192xf32> to vector<8x224x192xf32>
    %mul3A_200 = arith.mulf %slice3A_193, %mul3A_199 : vector<8x224x192xf32>
    %add3A_201 = arith.addf %add3A_192, %mul3A_200 : vector<8x224x192xf32>
    %slice3A_202 = vector.extract_strided_slice %slice3A_183 {offsets = [2, 0, 0], sizes = [8, 224, 192], strides = [1, 1, 1]} : vector<12x224x192xf32> to vector<8x224x192xf32>
    %get3A_203 = arith.constant 12 : index
    %get3A_204 = arith.constant 0 : index
    %get3A_205 = vector.load %arg9[%get3A_203, %get3A_204] : memref<25x192xf32, #tpu.memory_space<vmem>>, vector<1x192xf32>
    %get3A_206 = vector.shape_cast %get3A_205 : vector<1x192xf32> to vector<192xf32>
    %broadcast_in_dim3A_207 = vector.shape_cast %get3A_206 : vector<192xf32> to vector<1x1x192xf32>
    %mul3A_208 = vector.broadcast %broadcast_in_dim3A_207 : vector<1x1x192xf32> to vector<8x224x192xf32>
    %mul3A_209 = arith.mulf %slice3A_202, %mul3A_208 : vector<8x224x192xf32>
    %add3A_210 = arith.addf %add3A_201, %mul3A_209 : vector<8x224x192xf32>
    %slice3A_211 = vector.extract_strided_slice %slice3A_183 {offsets = [3, 0, 0], sizes = [8, 224, 192], strides = [1, 1, 1]} : vector<12x224x192xf32> to vector<8x224x192xf32>
    %get3A_212 = arith.constant 17 : index
    %get3A_213 = arith.constant 0 : index
    %get3A_214 = vector.load %arg9[%get3A_212, %get3A_213] : memref<25x192xf32, #tpu.memory_space<vmem>>, vector<1x192xf32>
    %get3A_215 = vector.shape_cast %get3A_214 : vector<1x192xf32> to vector<192xf32>
    %broadcast_in_dim3A_216 = vector.shape_cast %get3A_215 : vector<192xf32> to vector<1x1x192xf32>
    %mul3A_217 = vector.broadcast %broadcast_in_dim3A_216 : vector<1x1x192xf32> to vector<8x224x192xf32>
    %mul3A_218 = arith.mulf %slice3A_211, %mul3A_217 : vector<8x224x192xf32>
    %add3A_219 = arith.addf %add3A_210, %mul3A_218 : vector<8x224x192xf32>
    %slice3A_220 = vector.extract_strided_slice %slice3A_183 {offsets = [4, 0, 0], sizes = [8, 224, 192], strides = [1, 1, 1]} : vector<12x224x192xf32> to vector<8x224x192xf32>
    %get3A_221 = arith.constant 22 : index
    %get3A_222 = arith.constant 0 : index
    %get3A_223 = vector.load %arg9[%get3A_221, %get3A_222] : memref<25x192xf32, #tpu.memory_space<vmem>>, vector<1x192xf32>
    %get3A_224 = vector.shape_cast %get3A_223 : vector<1x192xf32> to vector<192xf32>
    %broadcast_in_dim3A_225 = vector.shape_cast %get3A_224 : vector<192xf32> to vector<1x1x192xf32>
    %mul3A_226 = vector.broadcast %broadcast_in_dim3A_225 : vector<1x1x192xf32> to vector<8x224x192xf32>
    %mul3A_227 = arith.mulf %slice3A_220, %mul3A_226 : vector<8x224x192xf32>
    %add3A_228 = arith.addf %add3A_219, %mul3A_227 : vector<8x224x192xf32>
    %slice3A_229 = vector.extract_strided_slice %concatenate3A_88 {offsets = [0, 3, 0], sizes = [12, 224, 192], strides = [1, 1, 1]} : vector<12x228x192xf32> to vector<12x224x192xf32>
    %slice3A_230 = vector.extract_strided_slice %slice3A_229 {offsets = [0, 0, 0], sizes = [8, 224, 192], strides = [1, 1, 1]} : vector<12x224x192xf32> to vector<8x224x192xf32>
    %get3A_231 = arith.constant 3 : index
    %get3A_232 = arith.constant 0 : index
    %get3A_233 = vector.load %arg9[%get3A_231, %get3A_232] : memref<25x192xf32, #tpu.memory_space<vmem>>, vector<1x192xf32>
    %get3A_234 = vector.shape_cast %get3A_233 : vector<1x192xf32> to vector<192xf32>
    %broadcast_in_dim3A_235 = vector.shape_cast %get3A_234 : vector<192xf32> to vector<1x1x192xf32>
    %mul3A_236 = vector.broadcast %broadcast_in_dim3A_235 : vector<1x1x192xf32> to vector<8x224x192xf32>
    %mul3A_237 = arith.mulf %slice3A_230, %mul3A_236 : vector<8x224x192xf32>
    %add3A_238 = arith.addf %add3A_228, %mul3A_237 : vector<8x224x192xf32>
    %slice3A_239 = vector.extract_strided_slice %slice3A_229 {offsets = [1, 0, 0], sizes = [8, 224, 192], strides = [1, 1, 1]} : vector<12x224x192xf32> to vector<8x224x192xf32>
    %get3A_240 = arith.constant 8 : index
    %get3A_241 = arith.constant 0 : index
    %get3A_242 = vector.load %arg9[%get3A_240, %get3A_241] : memref<25x192xf32, #tpu.memory_space<vmem>>, vector<1x192xf32>
    %get3A_243 = vector.shape_cast %get3A_242 : vector<1x192xf32> to vector<192xf32>
    %broadcast_in_dim3A_244 = vector.shape_cast %get3A_243 : vector<192xf32> to vector<1x1x192xf32>
    %mul3A_245 = vector.broadcast %broadcast_in_dim3A_244 : vector<1x1x192xf32> to vector<8x224x192xf32>
    %mul3A_246 = arith.mulf %slice3A_239, %mul3A_245 : vector<8x224x192xf32>
    %add3A_247 = arith.addf %add3A_238, %mul3A_246 : vector<8x224x192xf32>
    %slice3A_248 = vector.extract_strided_slice %slice3A_229 {offsets = [2, 0, 0], sizes = [8, 224, 192], strides = [1, 1, 1]} : vector<12x224x192xf32> to vector<8x224x192xf32>
    %get3A_249 = arith.constant 13 : index
    %get3A_250 = arith.constant 0 : index
    %get3A_251 = vector.load %arg9[%get3A_249, %get3A_250] : memref<25x192xf32, #tpu.memory_space<vmem>>, vector<1x192xf32>
    %get3A_252 = vector.shape_cast %get3A_251 : vector<1x192xf32> to vector<192xf32>
    %broadcast_in_dim3A_253 = vector.shape_cast %get3A_252 : vector<192xf32> to vector<1x1x192xf32>
    %mul3A_254 = vector.broadcast %broadcast_in_dim3A_253 : vector<1x1x192xf32> to vector<8x224x192xf32>
    %mul3A_255 = arith.mulf %slice3A_248, %mul3A_254 : vector<8x224x192xf32>
    %add3A_256 = arith.addf %add3A_247, %mul3A_255 : vector<8x224x192xf32>
    %slice3A_257 = vector.extract_strided_slice %slice3A_229 {offsets = [3, 0, 0], sizes = [8, 224, 192], strides = [1, 1, 1]} : vector<12x224x192xf32> to vector<8x224x192xf32>
    %get3A_258 = arith.constant 18 : index
    %get3A_259 = arith.constant 0 : index
    %get3A_260 = vector.load %arg9[%get3A_258, %get3A_259] : memref<25x192xf32, #tpu.memory_space<vmem>>, vector<1x192xf32>
    %get3A_261 = vector.shape_cast %get3A_260 : vector<1x192xf32> to vector<192xf32>
    %broadcast_in_dim3A_262 = vector.shape_cast %get3A_261 : vector<192xf32> to vector<1x1x192xf32>
    %mul3A_263 = vector.broadcast %broadcast_in_dim3A_262 : vector<1x1x192xf32> to vector<8x224x192xf32>
    %mul3A_264 = arith.mulf %slice3A_257, %mul3A_263 : vector<8x224x192xf32>
    %add3A_265 = arith.addf %add3A_256, %mul3A_264 : vector<8x224x192xf32>
    %slice3A_266 = vector.extract_strided_slice %slice3A_229 {offsets = [4, 0, 0], sizes = [8, 224, 192], strides = [1, 1, 1]} : vector<12x224x192xf32> to vector<8x224x192xf32>
    %get3A_267 = arith.constant 23 : index
    %get3A_268 = arith.constant 0 : index
    %get3A_269 = vector.load %arg9[%get3A_267, %get3A_268] : memref<25x192xf32, #tpu.memory_space<vmem>>, vector<1x192xf32>
    %get3A_270 = vector.shape_cast %get3A_269 : vector<1x192xf32> to vector<192xf32>
    %broadcast_in_dim3A_271 = vector.shape_cast %get3A_270 : vector<192xf32> to vector<1x1x192xf32>
    %mul3A_272 = vector.broadcast %broadcast_in_dim3A_271 : vector<1x1x192xf32> to vector<8x224x192xf32>
    %mul3A_273 = arith.mulf %slice3A_266, %mul3A_272 : vector<8x224x192xf32>
    %add3A_274 = arith.addf %add3A_265, %mul3A_273 : vector<8x224x192xf32>
    %slice3A_275 = vector.extract_strided_slice %concatenate3A_88 {offsets = [0, 4, 0], sizes = [12, 224, 192], strides = [1, 1, 1]} : vector<12x228x192xf32> to vector<12x224x192xf32>
    %slice3A_276 = vector.extract_strided_slice %slice3A_275 {offsets = [0, 0, 0], sizes = [8, 224, 192], strides = [1, 1, 1]} : vector<12x224x192xf32> to vector<8x224x192xf32>
    %get3A_277 = arith.constant 4 : index
    %get3A_278 = arith.constant 0 : index
    %get3A_279 = vector.load %arg9[%get3A_277, %get3A_278] : memref<25x192xf32, #tpu.memory_space<vmem>>, vector<1x192xf32>
    %get3A_280 = vector.shape_cast %get3A_279 : vector<1x192xf32> to vector<192xf32>
    %broadcast_in_dim3A_281 = vector.shape_cast %get3A_280 : vector<192xf32> to vector<1x1x192xf32>
    %mul3A_282 = vector.broadcast %broadcast_in_dim3A_281 : vector<1x1x192xf32> to vector<8x224x192xf32>
    %mul3A_283 = arith.mulf %slice3A_276, %mul3A_282 : vector<8x224x192xf32>
    %add3A_284 = arith.addf %add3A_274, %mul3A_283 : vector<8x224x192xf32>
    %slice3A_285 = vector.extract_strided_slice %slice3A_275 {offsets = [1, 0, 0], sizes = [8, 224, 192], strides = [1, 1, 1]} : vector<12x224x192xf32> to vector<8x224x192xf32>
    %get3A_286 = arith.constant 9 : index
    %get3A_287 = arith.constant 0 : index
    %get3A_288 = vector.load %arg9[%get3A_286, %get3A_287] : memref<25x192xf32, #tpu.memory_space<vmem>>, vector<1x192xf32>
    %get3A_289 = vector.shape_cast %get3A_288 : vector<1x192xf32> to vector<192xf32>
    %broadcast_in_dim3A_290 = vector.shape_cast %get3A_289 : vector<192xf32> to vector<1x1x192xf32>
    %mul3A_291 = vector.broadcast %broadcast_in_dim3A_290 : vector<1x1x192xf32> to vector<8x224x192xf32>
    %mul3A_292 = arith.mulf %slice3A_285, %mul3A_291 : vector<8x224x192xf32>
    %add3A_293 = arith.addf %add3A_284, %mul3A_292 : vector<8x224x192xf32>
    %slice3A_294 = vector.extract_strided_slice %slice3A_275 {offsets = [2, 0, 0], sizes = [8, 224, 192], strides = [1, 1, 1]} : vector<12x224x192xf32> to vector<8x224x192xf32>
    %get3A_295 = arith.constant 14 : index
    %get3A_296 = arith.constant 0 : index
    %get3A_297 = vector.load %arg9[%get3A_295, %get3A_296] : memref<25x192xf32, #tpu.memory_space<vmem>>, vector<1x192xf32>
    %get3A_298 = vector.shape_cast %get3A_297 : vector<1x192xf32> to vector<192xf32>
    %broadcast_in_dim3A_299 = vector.shape_cast %get3A_298 : vector<192xf32> to vector<1x1x192xf32>
    %mul3A_300 = vector.broadcast %broadcast_in_dim3A_299 : vector<1x1x192xf32> to vector<8x224x192xf32>
    %mul3A_301 = arith.mulf %slice3A_294, %mul3A_300 : vector<8x224x192xf32>
    %add3A_302 = arith.addf %add3A_293, %mul3A_301 : vector<8x224x192xf32>
    %slice3A_303 = vector.extract_strided_slice %slice3A_275 {offsets = [3, 0, 0], sizes = [8, 224, 192], strides = [1, 1, 1]} : vector<12x224x192xf32> to vector<8x224x192xf32>
    %get3A_304 = arith.constant 19 : index
    %get3A_305 = arith.constant 0 : index
    %get3A_306 = vector.load %arg9[%get3A_304, %get3A_305] : memref<25x192xf32, #tpu.memory_space<vmem>>, vector<1x192xf32>
    %get3A_307 = vector.shape_cast %get3A_306 : vector<1x192xf32> to vector<192xf32>
    %broadcast_in_dim3A_308 = vector.shape_cast %get3A_307 : vector<192xf32> to vector<1x1x192xf32>
    %mul3A_309 = vector.broadcast %broadcast_in_dim3A_308 : vector<1x1x192xf32> to vector<8x224x192xf32>
    %mul3A_310 = arith.mulf %slice3A_303, %mul3A_309 : vector<8x224x192xf32>
    %add3A_311 = arith.addf %add3A_302, %mul3A_310 : vector<8x224x192xf32>
    %slice3A_312 = vector.extract_strided_slice %slice3A_275 {offsets = [4, 0, 0], sizes = [8, 224, 192], strides = [1, 1, 1]} : vector<12x224x192xf32> to vector<8x224x192xf32>
    %get3A_313 = arith.constant 24 : index
    %get3A_314 = arith.constant 0 : index
    %get3A_315 = vector.load %arg9[%get3A_313, %get3A_314] : memref<25x192xf32, #tpu.memory_space<vmem>>, vector<1x192xf32>
    %get3A_316 = vector.shape_cast %get3A_315 : vector<1x192xf32> to vector<192xf32>
    %broadcast_in_dim3A_317 = vector.shape_cast %get3A_316 : vector<192xf32> to vector<1x1x192xf32>
    %mul3A_318 = vector.broadcast %broadcast_in_dim3A_317 : vector<1x1x192xf32> to vector<8x224x192xf32>
    %mul3A_319 = arith.mulf %slice3A_312, %mul3A_318 : vector<8x224x192xf32>
    %add3A_320 = arith.addf %add3A_311, %mul3A_319 : vector<8x224x192xf32>
    %get3A_321 = arith.constant 0 : index
    %get3A_322 = arith.constant 0 : index
    %get3A_323 = vector.load %arg10[%get3A_321, %get3A_322] : memref<1x192xf32, #tpu.memory_space<vmem>>, vector<1x192xf32>
    %broadcast_in_dim3A_324 = vector.shape_cast %get3A_323 : vector<1x192xf32> to vector<1x1x192xf32>
    %add3A_325 = vector.broadcast %broadcast_in_dim3A_324 : vector<1x1x192xf32> to vector<8x224x192xf32>
    %add3A_326 = arith.addf %add3A_320, %add3A_325 : vector<8x224x192xf32>
    %mul3A_327 = arith.constant 5.000000e-01 : f32
    %mul3A_328 = vector.broadcast %mul3A_327 : f32 to vector<8x224x192xf32>
    %mul3A_329 = arith.mulf %mul3A_328, %add3A_326 : vector<8x224x192xf32>
    %mul3A_330 = arith.constant 0.707106769 : f32
    %mul3A_331 = vector.broadcast %mul3A_330 : f32 to vector<8x224x192xf32>
    %mul3A_332 = arith.mulf %add3A_326, %mul3A_331 : vector<8x224x192xf32>
    %erf3A_333 = math.erf %mul3A_332 : vector<8x224x192xf32>
    %add3A_334 = arith.constant 1.000000e+00 : f32
    %add3A_335 = vector.broadcast %add3A_334 : f32 to vector<8x224x192xf32>
    %add3A_336 = arith.addf %add3A_335, %erf3A_333 : vector<8x224x192xf32>
    %mul3A_337 = arith.mulf %mul3A_329, %add3A_336 : vector<8x224x192xf32>
    %slice3A_338 = vector.extract_strided_slice %select_n3A_85 {offsets = [2, 0, 0], sizes = [8, 224, 192], strides = [1, 1, 1]} : vector<12x224x192xf32> to vector<8x224x192xf32>
    %add3A_339 = arith.addf %slice3A_338, %mul3A_337 : vector<8x224x192xf32>
    %reshape3A_340 = vector.shape_cast %add3A_339 : vector<8x224x192xf32> to vector<1792x192xf32>
    %get3A_341 = arith.constant 0 : index
    %get3A_342 = arith.constant 0 : index
    %get3A_343 = vector.load %arg11[%get3A_341, %get3A_342] : memref<192x96xf32, #tpu.memory_space<vmem>>, vector<192x96xf32>
    %dot_general3A_344 = arith.constant dense<0.000000e+00> : vector<1792x96xf32>
    %dot_general3A_345 = tpu.matmul %reshape3A_340, %get3A_343, %dot_general3A_344 {dimension_numbers = #tpu.dot_dimension_numbers<[1], [0], [0], [1], [0, 0, 1, 1], [], []>, transpose_lhs_hint = false} : vector<1792x192xf32>, vector<192x96xf32>, vector<1792x96xf32> -> vector<1792x96xf32>
    %get3A_346 = arith.constant 0 : index
    %get3A_347 = arith.constant 0 : index
    %get3A_348 = vector.load %arg12[%get3A_346, %get3A_347] : memref<1x96xf32, #tpu.memory_space<vmem>>, vector<1x96xf32>
    %add3A_349 = vector.broadcast %get3A_348 : vector<1x96xf32> to vector<1792x96xf32>
    %add3A_350 = arith.addf %dot_general3A_345, %add3A_349 : vector<1792x96xf32>
    %reshape3A_351 = vector.shape_cast %reshape3A_12 : vector<8x224x96xf32> to vector<1792x96xf32>
    %add3A_352 = arith.addf %reshape3A_351, %add3A_350 : vector<1792x96xf32>
    %swap3A = arith.constant 0 : index
    %swap3A_353 = arith.constant 0 : index
    %swap3A_354 = vector.load %arg13[%swap3A, %swap3A_353] : memref<1792x96xf32, #tpu.memory_space<vmem>>, vector<1792x96xf32>
    tpu.vector_store %arg13[%swap3A, %swap3A_353], %add3A_352 {strides = array<i32>} : memref<1792x96xf32, #tpu.memory_space<vmem>>, vector<1792x96xf32>,
    return
  }
  func.func @transform_0(%arg0: i32) -> (i32, i32) {
    %sub3A = arith.constant 1 : i32
    %sub3A_0 = arith.subi %arg0, %sub3A : i32
    %jit3A = arith.constant 0 : i32
    %jit3A_1 = arith.constant 27 : i32
    %max3A = arith.maxsi %jit3A, %sub3A_0 : i32
    %min3A = arith.minsi %jit3A_1, %max3A : i32
    %c0_i32 = arith.constant 0 : i32
    %c0_i32_2 = arith.constant 0 : i32
    return %min3A, %c0_i32 : i32, i32
  }
  func.func @transform_1(%arg0: i32) -> (i32, i32) {
    %c0_i32 = arith.constant 0 : i32
    %c0_i32_0 = arith.constant 0 : i32
    return %arg0, %c0_i32 : i32, i32
  }
  func.func @transform_2(%arg0: i32) -> (i32, i32) {
    %add3A = arith.constant 1 : i32
    %add3A_0 = arith.addi %arg0, %add3A : i32
    %jit3A = arith.constant 0 : i32
    %jit3A_1 = arith.constant 27 : i32
    %max3A = arith.maxsi %jit3A, %add3A_0 : i32
    %min3A = arith.minsi %jit3A_1, %max3A : i32
    %c0_i32 = arith.constant 0 : i32
    %c0_i32_2 = arith.constant 0 : i32
    return %min3A, %c0_i32 : i32, i32
  }
  func.func @transform_3(%arg0: i32) -> (i32, i32) {
    %sub3A = arith.constant 1 : i32
    %sub3A_0 = arith.subi %arg0, %sub3A : i32
    %jit3A = arith.constant 0 : i32
    %jit3A_1 = arith.constant 27 : i32
    %max3A = arith.maxsi %jit3A, %sub3A_0 : i32
    %min3A = arith.minsi %jit3A_1, %max3A : i32
    %c0_i32 = arith.constant 0 : i32
    %c0_i32_2 = arith.constant 0 : i32
    return %min3A, %c0_i32 : i32, i32
  }
  func.func @transform_4(%arg0: i32) -> (i32, i32) {
    %c0_i32 = arith.constant 0 : i32
    %c0_i32_0 = arith.constant 0 : i32
    return %arg0, %c0_i32 : i32, i32
  }
  func.func @transform_5(%arg0: i32) -> (i32, i32) {
    %add3A = arith.constant 1 : i32
    %add3A_0 = arith.addi %arg0, %add3A : i32
    %jit3A = arith.constant 0 : i32
    %jit3A_1 = arith.constant 27 : i32
    %max3A = arith.maxsi %jit3A, %add3A_0 : i32
    %min3A = arith.minsi %jit3A_1, %max3A : i32
    %c0_i32 = arith.constant 0 : i32
    %c0_i32_2 = arith.constant 0 : i32
    return %min3A, %c0_i32 : i32, i32
  }
  func.func @transform_6(%arg0: i32) -> (i32, i32) {
    %c0_i32 = arith.constant 0 : i32
    %c0_i32_0 = arith.constant 0 : i32
    %c0_i32_1 = arith.constant 0 : i32
    return %c0_i32, %c0_i32_0 : i32, i32
  }
  func.func @transform_7(%arg0: i32) -> (i32, i32) {
    %c0_i32 = arith.constant 0 : i32
    %c0_i32_0 = arith.constant 0 : i32
    %c0_i32_1 = arith.constant 0 : i32
    return %c0_i32, %c0_i32_0 : i32, i32
  }
  func.func @transform_8(%arg0: i32) -> (i32, i32) {
    %c0_i32 = arith.constant 0 : i32
    %c0_i32_0 = arith.constant 0 : i32
    %c0_i32_1 = arith.constant 0 : i32
    return %c0_i32, %c0_i32_0 : i32, i32
  }
  func.func @transform_9(%arg0: i32) -> (i32, i32) {
    %c0_i32 = arith.constant 0 : i32
    %c0_i32_0 = arith.constant 0 : i32
    %c0_i32_1 = arith.constant 0 : i32
    return %c0_i32, %c0_i32_0 : i32, i32
  }
  func.func @transform_10(%arg0: i32) -> (i32, i32) {
    %c0_i32 = arith.constant 0 : i32
    %c0_i32_0 = arith.constant 0 : i32
    %c0_i32_1 = arith.constant 0 : i32
    return %c0_i32, %c0_i32_0 : i32, i32
  }
  func.func @transform_11(%arg0: i32) -> (i32, i32) {
    %c0_i32 = arith.constant 0 : i32
    %c0_i32_0 = arith.constant 0 : i32
    %c0_i32_1 = arith.constant 0 : i32
    return %c0_i32, %c0_i32_0 : i32, i32
  }
  func.func @transform_12(%arg0: i32) -> (i32, i32) {
    %c0_i32 = arith.constant 0 : i32
    %c0_i32_0 = arith.constant 0 : i32
    return %arg0, %c0_i32 : i32, i32
  }
}

module attributes {stable_mosaic.version = 14 : i64} {
  func.func @_g_body(%arg0: i32, %arg1: memref<1792x128xf32, #tpu.memory_space<vmem>>, %arg2: memref<1792x96xf32, #tpu.memory_space<vmem>>, %arg3: memref<128x96xf32, #tpu.memory_space<vmem>>, %arg4: memref<128x1xf32, #tpu.memory_space<vmem>>, %arg5: memref<128x96xf32, #tpu.memory_space<vmem>>, %arg6: memref<1x128xf32, #tpu.memory_space<vmem>>, %arg7: memref<128x96xf32, #tpu.memory_space<vmem>>) attributes {dimension_semantics = [#tpu.dimension_semantics<arbitrary>], iteration_bounds = array<i64: 28>, scalar_prefetch = 0 : i64, scratch_operands = 2 : i64, tpu.core_type = #tpu.core_type<tc>, window_params = [{transform_indices = @transform_0, window_bounds = array<i64: 1792, 128>}, {transform_indices = @transform_1, window_bounds = array<i64: 1792, 96>}, {pipeline_mode = #tpu.pipeline_mode<synchronous>, transform_indices = @transform_2, window_bounds = array<i64: 128, 96>}, {pipeline_mode = #tpu.pipeline_mode<synchronous>, transform_indices = @transform_3, window_bounds = array<i64: 128, 1>}, {pipeline_mode = #tpu.pipeline_mode<synchronous>, transform_indices = @transform_4, window_bounds = array<i64: 128, 96>}]} {
    %eq3A = arith.constant 0 : i32
    %eq3A_0 = arith.cmpi eq, %arg0, %eq3A : i32
    %convert_element_type3A = arith.extui %eq3A_0 : i1 to i32
    %cond3A = arith.constant 0 : i32
    %cond3A_1 = arith.cmpi ne, %convert_element_type3A, %cond3A : i32
    scf.if %cond3A_1 {
      %broadcast_in_dim3A_26 = arith.constant 0.000000e+00 : f32
      %broadcast_in_dim3A_27 = vector.broadcast %broadcast_in_dim3A_26 : f32 to vector<1x128xf32>
      %swap3A_28 = arith.constant 0 : index
      %swap3A_29 = arith.constant 0 : index
      %swap3A_30 = vector.load %arg6[%swap3A_28, %swap3A_29] : memref<1x128xf32, #tpu.memory_space<vmem>>, vector<1x128xf32>
      tpu.vector_store %arg6[%swap3A_28, %swap3A_29], %broadcast_in_dim3A_27 {strides = array<i32>} : memref<1x128xf32, #tpu.memory_space<vmem>>, vector<1x128xf32>,
      %broadcast_in_dim3A_31 = arith.constant 0.000000e+00 : f32
      %broadcast_in_dim3A_32 = vector.broadcast %broadcast_in_dim3A_31 : f32 to vector<128x96xf32>
      %swap3A_33 = arith.constant 0 : index
      %swap3A_34 = arith.constant 0 : index
      %swap3A_35 = vector.load %arg7[%swap3A_33, %swap3A_34] : memref<128x96xf32, #tpu.memory_space<vmem>>, vector<128x96xf32>
      tpu.vector_store %arg7[%swap3A_33, %swap3A_34], %broadcast_in_dim3A_32 {strides = array<i32>} : memref<128x96xf32, #tpu.memory_space<vmem>>, vector<128x96xf32>,
    } else {
    }
    %get3A = arith.constant 0 : index
    %get3A_2 = arith.constant 0 : index
    %get3A_3 = vector.load %arg1[%get3A, %get3A_2] : memref<1792x128xf32, #tpu.memory_space<vmem>>, vector<1792x128xf32>
    %exp3A = math.exp %get3A_3 : vector<1792x128xf32>
    %get3A_4 = arith.constant 0 : index
    %get3A_5 = arith.constant 0 : index
    %get3A_6 = vector.load %arg6[%get3A_4, %get3A_5] : memref<1x128xf32, #tpu.memory_space<vmem>>, vector<1x128xf32>
    %reduce_sum3A = arith.constant dense<0.000000e+00> : vector<128xf32>
    %reduce_sum3A_7 = vector.multi_reduction <add>, %exp3A, %reduce_sum3A [0] : vector<1792x128xf32> to vector<128xf32>
    %broadcast_in_dim3A = vector.shape_cast %reduce_sum3A_7 : vector<128xf32> to vector<1x128xf32>
    %add3A = arith.addf %get3A_6, %broadcast_in_dim3A : vector<1x128xf32>
    %swap3A = arith.constant 0 : index
    %swap3A_8 = arith.constant 0 : index
    %swap3A_9 = vector.load %arg6[%swap3A, %swap3A_8] : memref<1x128xf32, #tpu.memory_space<vmem>>, vector<1x128xf32>
    tpu.vector_store %arg6[%swap3A, %swap3A_8], %add3A {strides = array<i32>} : memref<1x128xf32, #tpu.memory_space<vmem>>, vector<1x128xf32>,
    %get3A_10 = arith.constant 0 : index
    %get3A_11 = arith.constant 0 : index
    %get3A_12 = vector.load %arg7[%get3A_10, %get3A_11] : memref<128x96xf32, #tpu.memory_space<vmem>>, vector<128x96xf32>
    %get3A_13 = arith.constant 0 : index
    %get3A_14 = arith.constant 0 : index
    %get3A_15 = vector.load %arg2[%get3A_13, %get3A_14] : memref<1792x96xf32, #tpu.memory_space<vmem>>, vector<1792x96xf32>
    %dot_general3A = arith.constant dense<0.000000e+00> : vector<128x96xf32>
    %dot_general3A_16 = tpu.matmul %exp3A, %get3A_15, %dot_general3A {dimension_numbers = #tpu.dot_dimension_numbers<[0], [0], [1], [1], [0, 1, 1, 1], [], []>, transpose_lhs_hint = false} : vector<1792x128xf32>, vector<1792x96xf32>, vector<128x96xf32> -> vector<128x96xf32>
    %add3A_17 = arith.addf %get3A_12, %dot_general3A_16 : vector<128x96xf32>
    %swap3A_18 = arith.constant 0 : index
    %swap3A_19 = arith.constant 0 : index
    %swap3A_20 = vector.load %arg7[%swap3A_18, %swap3A_19] : memref<128x96xf32, #tpu.memory_space<vmem>>, vector<128x96xf32>
    tpu.vector_store %arg7[%swap3A_18, %swap3A_19], %add3A_17 {strides = array<i32>} : memref<128x96xf32, #tpu.memory_space<vmem>>, vector<128x96xf32>,
    %eq3A_21 = arith.constant 27 : i32
    %eq3A_22 = arith.cmpi eq, %arg0, %eq3A_21 : i32
    %convert_element_type3A_23 = arith.extui %eq3A_22 : i1 to i32
    %cond3A_24 = arith.constant 0 : i32
    %cond3A_25 = arith.cmpi ne, %convert_element_type3A_23, %cond3A_24 : i32
    scf.if %cond3A_25 {
      %get3A_26 = arith.constant 0 : index
      %get3A_27 = arith.constant 0 : index
      %get3A_28 = vector.load %arg7[%get3A_26, %get3A_27] : memref<128x96xf32, #tpu.memory_space<vmem>>, vector<128x96xf32>
      %get3A_29 = arith.constant 0 : index
      %get3A_30 = arith.constant 0 : index
      %get3A_31 = vector.load %arg6[%get3A_29, %get3A_30] : memref<1x128xf32, #tpu.memory_space<vmem>>, vector<1x128xf32>
      %reshape3A = vector.shape_cast %get3A_31 : vector<1x128xf32> to vector<128x1xf32>
      %div3A = vector.broadcast %reshape3A : vector<128x1xf32> to vector<128x96xf32>
      %div3A_32 = arith.divf %get3A_28, %div3A : vector<128x96xf32>
      %get3A_33 = arith.constant 0 : index
      %get3A_34 = arith.constant 0 : index
      %get3A_35 = vector.load %arg4[%get3A_33, %get3A_34] : memref<128x1xf32, #tpu.memory_space<vmem>>, vector<128x1xf32>
      %logistic3A = arith.negf %get3A_35 : vector<128x1xf32>
      %logistic3A_36 = math.exp %logistic3A : vector<128x1xf32>
      %logistic3A_37 = arith.constant 1.000000e+00 : f32
      %logistic3A_38 = vector.broadcast %logistic3A_37 : f32 to vector<128x1xf32>
      %logistic3A_39 = arith.addf %logistic3A_38, %logistic3A_36 : vector<128x1xf32>
      %logistic3A_40 = arith.divf %logistic3A_38, %logistic3A_39 : vector<128x1xf32>
      %get3A_41 = arith.constant 0 : index
      %get3A_42 = arith.constant 0 : index
      %get3A_43 = vector.load %arg3[%get3A_41, %get3A_42] : memref<128x96xf32, #tpu.memory_space<vmem>>, vector<128x96xf32>
      %mul3A = vector.broadcast %logistic3A_40 : vector<128x1xf32> to vector<128x96xf32>
      %mul3A_44 = arith.mulf %mul3A, %get3A_43 : vector<128x96xf32>
      %sub3A = arith.constant 1.000000e+00 : f32
      %sub3A_45 = vector.broadcast %sub3A : f32 to vector<128x1xf32>
      %sub3A_46 = arith.subf %sub3A_45, %logistic3A_40 : vector<128x1xf32>
      %mul3A_47 = vector.broadcast %sub3A_46 : vector<128x1xf32> to vector<128x96xf32>
      %mul3A_48 = arith.mulf %mul3A_47, %div3A_32 : vector<128x96xf32>
      %add3A_49 = arith.addf %mul3A_44, %mul3A_48 : vector<128x96xf32>
      %reduce_sum3A_50 = arith.constant dense<0.000000e+00> : vector<128xf32>
      %reduce_sum3A_51 = vector.multi_reduction <add>, %add3A_49, %reduce_sum3A_50 [1] : vector<128x96xf32> to vector<128xf32>
      %broadcast_in_dim3A_52 = vector.shape_cast %reduce_sum3A_51 : vector<128xf32> to vector<128x1xf32>
      %div3A_53 = arith.constant 9.600000e+01 : f32
      %div3A_54 = vector.broadcast %div3A_53 : f32 to vector<128x1xf32>
      %div3A_55 = arith.divf %broadcast_in_dim3A_52, %div3A_54 : vector<128x1xf32>
      %sub3A_56 = vector.broadcast %div3A_55 : vector<128x1xf32> to vector<128x96xf32>
      %sub3A_57 = arith.subf %add3A_49, %sub3A_56 : vector<128x96xf32>
      %sub3A_58 = vector.broadcast %div3A_55 : vector<128x1xf32> to vector<128x96xf32>
      %sub3A_59 = arith.subf %add3A_49, %sub3A_58 : vector<128x96xf32>
      %mul3A_60 = arith.mulf %sub3A_57, %sub3A_59 : vector<128x96xf32>
      %reduce_sum3A_61 = arith.constant dense<0.000000e+00> : vector<128xf32>
      %reduce_sum3A_62 = vector.multi_reduction <add>, %mul3A_60, %reduce_sum3A_61 [1] : vector<128x96xf32> to vector<128xf32>
      %broadcast_in_dim3A_63 = vector.shape_cast %reduce_sum3A_62 : vector<128xf32> to vector<128x1xf32>
      %div3A_64 = arith.constant 9.600000e+01 : f32
      %div3A_65 = vector.broadcast %div3A_64 : f32 to vector<128x1xf32>
      %div3A_66 = arith.divf %broadcast_in_dim3A_63, %div3A_65 : vector<128x1xf32>
      %sub3A_67 = vector.broadcast %div3A_55 : vector<128x1xf32> to vector<128x96xf32>
      %sub3A_68 = arith.subf %add3A_49, %sub3A_67 : vector<128x96xf32>
      %add3A_69 = arith.constant 9.99999974E-6 : f32
      %add3A_70 = vector.broadcast %add3A_69 : f32 to vector<128x1xf32>
      %add3A_71 = arith.addf %div3A_66, %add3A_70 : vector<128x1xf32>
      %rsqrt3A = math.rsqrt %add3A_71 : vector<128x1xf32>
      %mul3A_72 = vector.broadcast %rsqrt3A : vector<128x1xf32> to vector<128x96xf32>
      %mul3A_73 = arith.mulf %sub3A_68, %mul3A_72 : vector<128x96xf32>
      %mul3A_74 = arith.constant 1.000000e+00 : f32
      %mul3A_75 = vector.broadcast %mul3A_74 : f32 to vector<128x96xf32>
      %mul3A_76 = arith.mulf %mul3A_73, %mul3A_75 : vector<128x96xf32>
      %add3A_77 = arith.constant 0.000000e+00 : f32
      %add3A_78 = vector.broadcast %add3A_77 : f32 to vector<128x96xf32>
      %add3A_79 = arith.addf %mul3A_76, %add3A_78 : vector<128x96xf32>
      %swap3A_80 = arith.constant 0 : index
      %swap3A_81 = arith.constant 0 : index
      %swap3A_82 = vector.load %arg5[%swap3A_80, %swap3A_81] : memref<128x96xf32, #tpu.memory_space<vmem>>, vector<128x96xf32>
      tpu.vector_store %arg5[%swap3A_80, %swap3A_81], %add3A_79 {strides = array<i32>} : memref<128x96xf32, #tpu.memory_space<vmem>>, vector<128x96xf32>,
    } else {
    }
    return
  }
  func.func @transform_0(%arg0: i32) -> (i32, i32) {
    %c0_i32 = arith.constant 0 : i32
    %c0_i32_0 = arith.constant 0 : i32
    return %arg0, %c0_i32 : i32, i32
  }
  func.func @transform_1(%arg0: i32) -> (i32, i32) {
    %c0_i32 = arith.constant 0 : i32
    %c0_i32_0 = arith.constant 0 : i32
    return %arg0, %c0_i32 : i32, i32
  }
  func.func @transform_2(%arg0: i32) -> (i32, i32) {
    %c0_i32 = arith.constant 0 : i32
    %c0_i32_0 = arith.constant 0 : i32
    %c0_i32_1 = arith.constant 0 : i32
    return %c0_i32, %c0_i32_0 : i32, i32
  }
  func.func @transform_3(%arg0: i32) -> (i32, i32) {
    %c0_i32 = arith.constant 0 : i32
    %c0_i32_0 = arith.constant 0 : i32
    %c0_i32_1 = arith.constant 0 : i32
    return %c0_i32, %c0_i32_0 : i32, i32
  }
  func.func @transform_4(%arg0: i32) -> (i32, i32) {
    %c0_i32 = arith.constant 0 : i32
    %c0_i32_0 = arith.constant 0 : i32
    %c0_i32_1 = arith.constant 0 : i32
    return %c0_i32, %c0_i32_0 : i32, i32
  }
}

</mosaic_0001>

<sc_bundles>
// kernel: kernel.10.cloned.1.call-start
scs
__scs_entry_jumppad:
0x0: {  	(pc) =	sbr.rel $0x88, $3  }
0x1: {  	(tag) =	ssettag $0x0;
	lr =	simm.s32 $0x1  }
0x2: {  	[smem:$0x3F88] =	sst lr;
	_ =	strace $0xD0000000  }
0x3: {  	_ = 	snop  }
0x4: {  	_ = 	snop  }
0x5: {  	_ = 	snop  }
0x6: {  	_ = 	snop  }
0x7: {  	_ = 	snop  }
__scs_overlays_trampoline_lowered:
0x8: {  	[smem:$0x3F97] =	sst s0  }
0x9: {  	[smem:$0x3F98] =	sst s1  }
0xa: {  	[smem:$0x3F99] =	sst s2  }
0xb: {  	[smem:$0x3F9A] =	sst s3  }
0xc: {  	[smem:$0x3F9B] =	sst s4  }
0xd: {  	[smem:$0x3F9C] =	sst s5  }
0xe: {  	[smem:$0x3F9D] =	sst s6  }
0xf: {  	[smem:$0x3F9E] =	sst s7  }
0x10: {  	[smem:$0x3F9F] =	sst s8  }
0x11: {  	[smem:$0x3FA0] =	sst s9;
	s0 =	simm.s32 @!p0 $0x0  }
0x12: {  	s1 =	sld [smem:$0x3F86];
	s0 =	simm.s32 @p0 $0x1  }
0x13: {  	[smem:$0x3FA1] =	sst s0;
	s0 =	simm.s32 @!p1 $0x0  }
0x14: {  	s2 =	sld [smem:$0x3F85];
	s0 =	simm.s32 @p1 $0x1  }
0x15: {  	[smem:$0x3FA2] =	sst s0;
	s0 =	simm.s32 @!p2 $0x0  }
0x16: {  	s3 =	sld [smem:$0x3FDB];
	s0 =	simm.s32 @p2 $0x1  }
0x17: {  	s4 =	simm.s32 $0x1BF5;
	[smem:$0x3FA4] =	sst s0  }
0x18: {  	s0 =	sld [smem:$0x3F87];
	_ =	swait.ge [sflag:s4], $0x0  }
0x19: {  	s7 =	sld [smem:$0x3F88]  }
0x1a: {  	s8 =	sadd.s32 $0xFFFFE003, lr  }
0x1b: {  	s9 =	sadd.s32 $0xFFFFFEF7, lr;
	s5 =	simm.s32 $0xFFFFFFFF;
	p2 =	slt.u32 s8, $0xFFFFF086  }
0x1c: {  	p1 =	slt.u32 s9, $0xF7A;
	s5 =	simm.s32 @!p2 $0x0  }
0x1d: {  	s5 =	simm.s32 @p1 $0x1;
	p0 =	seq.s32 s7, s2  }
0x1e: {  	s7 =	smul.u32 @!p0 $0xF7A, s2;
	p2 =	seq.s32 @!p0 s5, $0x0  }
0x1f: {  	s9 =	smul.u32 $0xF7A, s1;
	s8 =	simm.s32 @!p0 $0x1BF5;
	p2 =	por !p2, p0  }
0x20: {  	[sflag:s8] =	ssyncset.s32 @!p0 $0xFFFFF086;
	s6 =	sadd.s32 @!p0 s3, s7;
	s7 =	simm.s32 @!p0 $0x108  }
0x21: {  	s3 =	sadd.s32 s3, s9;
	s6 =	sadd.s32 @!p0 $0x88, s6;
	s7 =	simm.s32 @p2 $0x1082  }
0x22: {  	[simem:s7], [sflag:s8] =	dma.local @!p0 [hbm:s6], $0xF7A  }
0x23: {  	s9 =	sor.u32 $0xD0000000, s2;
	s6 =	simm.s32 $0x108;
	_ =	swait.ge @!p0 [sflag:s8], $0x0  }
0x24: {  	s3 =	sadd.s32 $0x88, s3;
	s6 =	simm.s32 @!p1 $0x1082;
	[sflag:s4] =	ssyncset.s32 $0xFFFFF086  }
0x25: {  	[simem:s6], [sflag:s4] =	dma.local [hbm:s3], $0xF7A  }
0x26: {  	[smem:$0x3F88] =	sst s1;
	(tag) =	ssettag s2;
	_ =	strace s9  }
0x27: {  	s1 =	sld [smem:$0x3F98]  }
0x28: {  	s2 =	sld [smem:$0x3F99]  }
0x29: {  	s4 =	sld [smem:$0x3F9B]  }
0x2a: {  	p0 =	seq.s32 s5, $0x0;
	s5 =	sld [smem:$0x3F9C]  }
0x2b: {  	s6 =	sld [smem:$0x3F9D]  }
0x2c: {  	s7 =	sld [smem:$0x3F9E]  }
0x2d: {  	s3 =	simm.s32 $0x108;
	s8 =	sld [smem:$0x3F9F]  }
0x2e: {  	s3 =	simm.s32 @!p0 $0x1082;
	s9 =	sld [smem:$0x3FA0]  }
0x2f: {  	lr =	sadd.s32 s0, s3;
	s0 =	sld [smem:$0x3F97]  }
0x30: {  	s3 =	sld [smem:$0x3F9A]  }
0x31: {  	[smem:$0x3FA3] =	sst s10  }
0x32: {  	s10 =	sld [smem:$0x3FA1];
	_ =	sdelay $0x3  }
0x33: {  	p0 =	seq.s32 s10, $0x1;
	s10 =	sld [smem:$0x3FA3];
	_ =	sdelay $0x3  }
0x34: {  	[smem:$0x3FA3] =	sst s10  }
0x35: {  	s10 =	sld [smem:$0x3FA2];
	_ =	sdelay $0x3  }
0x36: {  	p1 =	seq.s32 s10, $0x1;
	s10 =	sld [smem:$0x3FA3];
	_ =	sdelay $0x3  }
0x37: {  	[smem:$0x3FA3] =	sst s10  }
0x38: {  	s10 =	sld [smem:$0x3FA4]  }
0x39: {  	_ = 	snop;
	(pc) =	sbr.ind lr, $3  }
0x3a: {  	_ = 	snop  }
0x3b: {  	_ = 	snop  }
0x3c: {  	p2 =	seq.s32 s10, $0x1;
	s10 =	sld [smem:$0x3FA3]  }
0x3d: {  	_ =	shalt  }
0x3e: {  	_ =	shalt  }
0x3f: {  	_ =	shalt  }
0x40: {  	_ =	shalt  }
0x41: {  	_ =	shalt  }
0x42: {  	_ =	shalt  }
0x43: {  	_ =	shalt  }
0x44: {  	_ =	shalt  }
0x45: {  	_ =	shalt  }
0x46: {  	_ =	shalt  }
0x47: {  	_ =	shalt  }
0x48: {  	_ =	shalt  }
0x49: {  	_ =	shalt  }
0x4a: {  	_ =	shalt  }
0x4b: {  	_ =	shalt  }
0x4c: {  	_ =	shalt  }
0x4d: {  	_ =	shalt  }
0x4e: {  	_ =	shalt  }
0x4f: {  	_ =	shalt  }
0x50: {  	_ =	shalt  }
0x51: {  	_ =	shalt  }
0x52: {  	_ =	shalt  }
0x53: {  	_ =	shalt  }
0x54: {  	_ =	shalt  }
0x55: {  	_ =	shalt  }
0x56: {  	_ =	shalt  }
0x57: {  	_ =	shalt  }
0x58: {  	_ =	shalt  }
0x59: {  	_ =	shalt  }
0x5a: {  	_ =	shalt  }
0x5b: {  	_ =	shalt  }
0x5c: {  	_ =	shalt  }
0x5d: {  	_ =	shalt  }
0x5e: {  	_ =	shalt  }
0x5f: {  	_ =	shalt  }
0x60: {  	_ =	shalt  }
0x61: {  	_ =	shalt  }
0x62: {  	_ =	shalt  }
0x63: {  	_ =	shalt  }
0x64: {  	_ =	shalt  }
0x65: {  	_ =	shalt  }
0x66: {  	_ =	shalt  }
0x67: {  	_ =	shalt  }
0x68: {  	_ =	shalt  }
0x69: {  	_ =	shalt  }
0x6a: {  	_ =	shalt  }
0x6b: {  	_ =	shalt  }
0x6c: {  	_ =	shalt  }
0x6d: {  	_ =	shalt  }
0x6e: {  	_ =	shalt  }
0x6f: {  	_ =	shalt  }
0x70: {  	_ =	shalt  }
0x71: {  	_ =	shalt  }
0x72: {  	_ =	shalt  }
0x73: {  	_ =	shalt  }
0x74: {  	_ =	shalt  }
0x75: {  	_ =	shalt  }
0x76: {  	_ =	shalt  }
0x77: {  	_ =	shalt  }
0x78: {  	_ =	shalt  }
0x79: {  	_ =	shalt  }
0x7a: {  	_ =	shalt  }
0x7b: {  	_ =	shalt  }
0x7c: {  	_ =	shalt  }
0x7d: {  	_ =	shalt  }
0x7e: {  	_ =	shalt  }
0x7f: {  	_ =	shalt  }
0x80: {  	_ =	shalt  }
0x81: {  	_ =	shalt  }
0x82: {  	_ =	shalt  }
0x83: {  	_ =	shalt  }
0x84: {  	_ =	shalt  }
0x85: {  	_ =	shalt  }
0x86: {  	_ =	shalt  }
0x87: {  	_ =	shalt  }
.Lfunc_end0:
.L_simem_size_0:
called_computation_lowered:
.L_overlay_start_0:
0x88: {  	s2 =	sld [smem:$0x3FD9]  }
0x89: {  	s3 =	sld [smem:$0x3FFE];
	_ =	sdelay $0x1  }
0x8a: {  	s1 =	srdreg.scid  }
0x8b: {  	s0 =	sand.u32 $0x1, s1  }
0x8c: {  	s14 =	sshll.u32 s0, $0xA;
	s2 =	sadd.s32 s3, s2  }
0x8d: {  	s2 =	sadd.s32 s2, s14  }
0x8e: {  	[smem:$0x3FAF] =	sst s2  }
0x8f: {  	_ = 	snop  }
0x90: {  	s2 =	sld [smem:$0x3FD0];
	_ =	sdelay $0x2  }
0x91: {  	s15 =	simm.s32 $0xA;
	s4 =	simm.s32 $0x10  }
0x92: {  	[smem:s4], [sflag:s15] =	dma.local [hbm:s2], $0x1  }
0x93: {  	_ =	swait.eq [sflag:s15], $0x1  }
0x94: {  	[sflag:s15] =	ssyncset.done $0x0  }
0x95: {  	[sflag:s15] =	ssyncadd.s32 $0xFFFFFFFF  }
0x96: {  	s16 =	sld [smem:$0x10];
	(tm) =	ssettm $0x1  }
0x97: {  	s17 =	sld [smem:$0x3FFB];
	_ =	sdelay $0x3  }
0x98: {  	_ =	strace s17  }
0x99: {  	s3 =	sld [smem:$0x3FFC];
	_ =	sdelay $0x3  }
0x9a: {  	_ =	strace s3  }
0x9b: {  	s3 =	sld [smem:$0x3FFD];
	_ =	sdelay $0x3  }
0x9c: {  	_ =	strace s3  }
0x9d: {  	_ =	strace $0x8FFFFFFF  }
0x9e: {  	s18 =	sld [smem:$0x3FDB];
	_ =	sdelay $0x1  }
0x9f: {  	s19 =	simm.s32 $_scs_section_size  }
0xa0: {  	s5 =	simm.s32 $_size__tile_overlayer_lowered;
	s6 =	simm.s32 $_tile_overlayer_lowered  }
0xa1: {  	s22 =	simm.s32 $0x1BFF;
	s21 =	sshll.u32 s6, $0x1;
	s3 =	sadd.s32 s19, s18  }
0xa2: {  	s7 =	simm.s32 $0x0;
	s20 =	sshll.u32 s5, $0x1;
	s5 =	sadd.s32 s21, s3  }
0xa3: {  	[timem:s7], [sflag:s22] =	dma.local [hbm:s5], s20  }
0xa4: {  	_ =	swait.ge [sflag:s22], s20  }
0xa5: {  	s4 =	ssub.s32 $0x0, s20;
	[sflag:s22] =	ssyncset.done $0x0  }
0xa6: {  	[sflag:s22] =	ssyncadd.s32 s4;
	_ =	sdelay $0x1  }
0xa7: {  	s23 =	simm.s32 $0x1B8B  }
0xa8: {  	_ =	swait.ge [sflag:s23], $0x1  }
0xa9: {  	[sflag:s23] =	ssyncset.done $0x0  }
0xaa: {  	s25 =	simm.s32 $0x1B8E;
	s24 =	sld [smem:$0x3FFE];
	[sflag:s23] =	ssyncadd.s32 $0xFFFFFFFF  }
0xab: {  	s26 =	simm.s32 $execute0_lowered;
	[smem:$0x3FD2] =	sst s25  }
0xac: {  	s5 =	sshll.u32 s26, $0x1;
	_ =	strace $0x80000046;
	[dreg:$0x1] =	wrdreg $0xFFFFFFFF  }
0xad: {  	s28 =	simm.s32 $_size_execute0_lowered;
	s3 =	sadd.s32 s3, s5;
	[dreg:$0x0] =	wrdreg $0x0  }
0xae: {  	s5 =	sshll.u32 s28, $0x1;
	[dreg:$0x2] =	wrdreg s3  }
0xaf: {  	[dreg:$0x3] =	wrdreg s5  }
0xb0: {  	[dreg:$0x4] =	wrdreg $0xC0  }
0xb1: {  	_ =	task [dreg:s7], $0x5FFFF  }
0xb2: {  	[dreg:$0x1] =	wrdreg $0xFFFFFFFF  }
0xb3: {  	[dreg:$0x0] =	wrdreg $0x60  }
0xb4: {  	[dreg:$0x2] =	wrdreg s24  }
0xb5: {  	[dreg:$0x3] =	wrdreg s16  }
0xb6: {  	[dreg:$0x4] =	wrdreg $0x9  }
0xb7: {  	_ =	task.clear_ibuf [dreg:s7], $0x5FFFF;
	_ =	strace $0x90000046  }
0xb8: {  	s29 =	simm.s32 $0x9;
	_ =	strace $0x80000048  }
0xb9: {  	_ =	swait.ge [sflag:s29], $0x1  }
0xba: {  	[sflag:s29] =	ssyncadd.s32 $0xFFFFFFFF  }
0xbb: {  	_ =	strace $0x90000048  }
0xbc: {  	_ =	sfence  }
0xbd: {  	s30 =	sld [smem:$0x0];
	_ =	sdelay $0x2  }
0xbe: {  	s31 =	sshll.u32 s1, $0xD;
	s1 =	sshrl.u32 s1, $0x2  }
0xbf: {  	s3 =	sand.u32 $0x4000, s31;
	s1 =	sadd.s32 s1, s30  }
0xc0: {  	s0 =	sor.u32 s3, s0;
	s1 =	sshll.u32 s1, $0x11  }
0xc1: {  	s0 =	sor.u32 s1, s0  }
0xc2: {  	s0 =	sadd.s32 $0x8F2B, s0  }
0xc3: {  	[sflag:s0] =	ssyncadd.remote.s32 $0x1  }
0xc4: {  	_ =	sfence.sel $0xFFFF  }
0xc5: {  	[dreg:$0x0] =	wrdreg $0xFFFFFFFF;
	(pc) =	sbr.abs _section_cstart, $3  }
0xc6: {  	[dreg:$0x1] =	wrdreg $0xFFFFFFFF  }
0xc7: {  	_ =	task.clear_ibuf [dreg:s7], $0x2FFFF;
	_ =	strace $0x9FFFFFFF  }
0xc8: {  	(tm) =	ssettm $0x7FFFFFFF  }
0xc9: {  	_ =	shalt  }
tec
execute0_lowered:
.L_overlay_start_1:
0x0: {  	(tag) =	ssettag $0x1  }
0x1: {  	s0 =	srdreg.scid  }
0x2: {  	s2 =	stileid.u32;
	s5 =	rddreg [dreg:$0x1];
	s1 =	sand.u32 $0x1, s0  }
0x3: {  	s3 =	smul.u32 $0xC40, s2;
	s0 =	rddreg [dreg:$0x0];
	s2 =	simm.s32 $0x0  }
0x4: {  	s12 =	simm.s32 $0x900;
	[smem:$0x7FF] =	sst s2  }
0x5: {  	s13 =	simm.s32 $0xD00;
	_ =	strace $0x80000047;
	[dreg:$0x4] =	wrdreg s12  }
0x6: {  	s14 =	simm.s32 $0x1500;
	[dreg:$0x5] =	wrdreg s13  }
0x7: {  	s15 =	simm.s32 $0x1900;
	[dreg:$0x6] =	wrdreg s14  }
0x8: {  	s16 =	simm.s32 $0x2100;
	[dreg:$0x7] =	wrdreg s15  }
0x9: {  	s17 =	simm.s32 $0x2500;
	[dreg:$0x8] =	wrdreg s16  }
0xa: {  	s18 =	simm.s32 $0x2D00;
	[dreg:$0x9] =	wrdreg s17  }
0xb: {  	s19 =	simm.s32 $0x3100;
	[dreg:$0xa] =	wrdreg s18  }
0xc: {  	s20 =	simm.s32 $0x3900;
	[dreg:$0xb] =	wrdreg s19  }
0xd: {  	s21 =	simm.s32 $0x3D00;
	[dreg:$0xc] =	wrdreg s20  }
0xe: {  	s22 =	simm.s32 $0x4500;
	[dreg:$0xd] =	wrdreg s21  }
0xf: {  	s23 =	simm.s32 $0x4900;
	[dreg:$0xe] =	wrdreg s22  }
0x10: {  	s24 =	simm.s32 $0x5100;
	[dreg:$0xf] =	wrdreg s23  }
0x11: {  	s25 =	simm.s32 $0x5500;
	[dreg:$0x10] =	wrdreg s24  }
0x12: {  	s26 =	simm.s32 $0x5D00;
	[dreg:$0x11] =	wrdreg s25  }
0x13: {  	s6 =	simm.s32 $0x6900;
	[dreg:$0x12] =	wrdreg s26  }
0x14: {  	s7 =	simm.s32 $0x6D00;
	[dreg:$0x14] =	wrdreg s6  }
0x15: {  	s8 =	simm.s32 $0x7500;
	[dreg:$0x15] =	wrdreg s7  }
0x16: {  	s9 =	simm.s32 $0x7900;
	[dreg:$0x16] =	wrdreg s8  }
0x17: {  	s10 =	simm.s32 $0x8100;
	[dreg:$0x17] =	wrdreg s9  }
0x18: {  	[dreg:$0x18] =	wrdreg s10;
	s12 =	simm.s32 $0x8D00  }
0x19: {  	s28 =	simm.s32 $0x14500;
	s13 =	simm.s32 $0x9100;
	[dreg:$0x1a] =	wrdreg s12  }
0x1a: {  	s29 =	simm.s32 $0x14D00;
	s14 =	simm.s32 $0x9900;
	[dreg:$0x1b] =	wrdreg s13  }
0x1b: {  	s30 =	simm.s32 $0x1;
	s15 =	simm.s32 $0x9D00;
	[dreg:$0x1c] =	wrdreg s14  }
0x1c: {  	s31 =	simm.s32 $0x0;
	s16 =	simm.s32 $0xA500;
	[dreg:$0x1d] =	wrdreg s15  }
0x1d: {  	s4 =	smul.u32 $0x620, s1;
	s17 =	simm.s32 $0xA900;
	[dreg:$0x1e] =	wrdreg s16  }
0x1e: {  	s1 =	ssub.s32 $0x2, s1;
	s18 =	simm.s32 $0xB100;
	[dreg:$0x1f] =	wrdreg s17  }
0x1f: {  	s19 =	sshrl.u32 s1, $0x1;
	s20 =	simm.s32 $0xB500;
	[smem:$0x7F5] =	sst s18  }
0x20: {  	s21 =	simm.s32 $0xBD00;
	s22 =	simm.s32 $0xC100;
	[smem:$0x7F6] =	sst s20  }
0x21: {  	s23 =	simm.s32 $0xC900;
	s25 =	simm.s32 $0xCD00;
	[smem:$0x7F7] =	sst s21  }
0x22: {  	s7 =	simm.s32 $0x2;
	s26 =	simm.s32 $0xD500;
	[smem:$0x7F9] =	sst s22  }
0x23: {  	s8 =	simm.s32 $0x100;
	s9 =	simm.s32 $0xD900;
	[smem:$0x7FB] =	sst s23  }
0x24: {  	s10 =	simm.s32 $0xE100;
	s3 =	sadd.s32 s4, s3;
	[smem:$0x7FC] =	sst s25  }
0x25: {  	s1 =	ssub.s32 s1, s19;
	s4 =	sadd.s32 $0x49B300, s0;
	[smem:$0x7FD] =	sst s26  }
0x26: {  	s12 =	simm.s32 $0xED00;
	s13 =	simm.s32 $0xF100;
	s14 =	simm.s32 $0xF900  }
0x27: {  	s15 =	simm.s32 $0xFD00;
	s16 =	simm.s32 $0x10500;
	s17 =	simm.s32 $0x10900  }
0x28: {  	s18 =	simm.s32 $0x11100;
	s19 =	simm.s32 $0x11500;
	s20 =	simm.s32 $0x11D00  }
0x29: {  	s21 =	simm.s32 $0x12100;
	s22 =	simm.s32 $0x12900;
	s23 =	simm.s32 $0x12D00  }
0x2a: {  	s25 =	simm.s32 $0x13900;
	s3 =	sshrl.u32 s3, $0x3;
	s1 =	smax.u32 s1, $0x1  }
0x2b: {  	s11 =	sadd.s32 s3, s5;
	s3 =	smul.u32 $0x180, s3;
	[smem:$0x7F8] =	sst s1  }
0x2c: {  	s26 =	simm.s32 $0x14100;
	s5 =	simm.s32 $0x6100;
	[dreg:$0x3] =	wrdreg s11  }
0x2d: {  	v2 =	vlaneseq.u32;
	[dreg:$0x13] =	wrdreg s5;
	s11 =	simm.s32 $0x8500;
	s6 =	sadd.s32 s3, s0  }
0x2e: {  	vm0 =	vmmov $0xffff;
	vm1 =	vmmov $0xff;
	v1 =	vshrl.u32 v2, $0x3;
	[dreg:$0x19] =	wrdreg s11;
	s3 =	sadd.s32 $0x49B200, s0;
	s24 =	sadd.s32 $0xC7200, s6  }
0x2f: {  	v0 =	vand.u32 $0x7, v2;
	v2 =	vor.u32 $0x8, v2;
	v1 =	vmul.u32 $0x8, v1;
	s11 =	simm.s32 $0xE500;
	[smem:$0x7FA] =	sst s24;
	s24 =	simm.s32 $0x13500  }
.LBB2_1:
0x30: {  	s6 =	sld [smem:$0x7FA];
	s0 =	simm.s32 $0x0  }
.LBB2_2:
0x31: {  	s5 =	rddreg [dreg:$0x3]  }
0x32: {  	s5 =	sadd.s32 s0, s5  }
0x33: {  	[tilespmem:s2], [sflag:$0x2] =	stream.linear.gather [hbm4b:s5+s2], $0xE0, $0x38;
	[tilespmem:$0x15100] =	vst v63  }
0x34: {  	_ =	swait.ge [sflag:s7], $0xE0  }
0x35: {  	[sflag:s7] =	ssyncset.done $0x0  }
0x36: {  	[sflag:s7] =	ssyncadd.s32 $0xFFFFFF20  }
0x37: {  	[tilespmem:s8], [sflag:$0x2] =	stream.linear.gather [hbm4b:s6+s2], $0x15000, $0x38;
	[tilespmem:$0x15100] =	vst v63  }
0x38: {  	_ =	swait.ge [sflag:s7], $0x15000  }
0x39: {  	[sflag:s7] =	ssyncset.done $0x0  }
0x3a: {  	[sflag:s7] =	ssyncadd.s32 $0xFFFEB000  }
0x3b: {  	v3 =	vld [tilespmem:$0x0];
	_ =	sdelay $0x4  }
0x3c: {  	v4 =	vshrl.u32 v3, $0x3  }
0x3d: {  	v4 =	vmul.u32 $0x18, v4  }
0x3e: {  	v3 =	vand.u32 $0x7, v3  }
0x3f: {  	v3 =	vor.u32 v3, v4  }
0x40: {  	v4 =	vperm.xlane v3, v0;
	_ =	sdelay $0x1  }
0x41: {  	v4 =	vadd.s32 v1, v4;
	_ =	sdelay $0x1  }
0x42: {  	v3 =	vperm.xlane v3, v2;
	_ =	sdelay $0x1  }
0x43: {  	v3 =	vadd.s32 v1, v3  }
0x44: {  	[hbm4b:s3+s2] =	stream.indirect_vreg.scatter [tilespmem:s8], [sflag:$0x1], $0x80, v4, vm0, $0xb8;
	[tilespmem:$0x15100] =	vst v63  }
0x45: {  	s5 =	rddreg [dreg:$0x4]  }
0x46: {  	[hbm4b:s4+s2] =	stream.indirect_vreg.scatter [tilespmem:s5], [sflag:$0x1], $0x80, v4, vm1, $0xb8;
	[tilespmem:$0x15100] =	vst v63  }
0x47: {  	s1 =	rddreg [dreg:$0x5]  }
0x48: {  	[hbm4b:s3+s2] =	stream.indirect_vreg.scatter [tilespmem:s1], [sflag:$0x1], $0x80, v3, vm0, $0xb8;
	[tilespmem:$0x15100] =	vst v63  }
0x49: {  	s5 =	rddreg [dreg:$0x6]  }
0x4a: {  	[hbm4b:s4+s2] =	stream.indirect_vreg.scatter [tilespmem:s5], [sflag:$0x1], $0x80, v3, vm1, $0xb8;
	[tilespmem:$0x15100] =	vst v63  }
0x4b: {  	v3 =	vld [tilespmem:$0x10];
	_ =	sdelay $0x4  }
0x4c: {  	v51 =	vshrl.u32 v3, $0x3  }
0x4d: {  	v4 =	vmul.u32 $0x18, v51  }
0x4e: {  	v3 =	vand.u32 $0x7, v3  }
0x4f: {  	v3 =	vor.u32 v3, v4  }
0x50: {  	v4 =	vperm.xlane v3, v0;
	_ =	sdelay $0x1  }
0x51: {  	v4 =	vadd.s32 v1, v4;
	_ =	sdelay $0x1  }
0x52: {  	v3 =	vperm.xlane v3, v2;
	_ =	sdelay $0x1  }
0x53: {  	s1 =	rddreg [dreg:$0x7];
	v3 =	vadd.s32 v1, v3  }
0x54: {  	[hbm4b:s3+s2] =	stream.indirect_vreg.scatter [tilespmem:s1], [sflag:$0x1], $0x80, v4, vm0, $0xb8;
	[tilespmem:$0x15100] =	vst v63  }
0x55: {  	s5 =	rddreg [dreg:$0x8]  }
0x56: {  	[hbm4b:s4+s2] =	stream.indirect_vreg.scatter [tilespmem:s5], [sflag:$0x1], $0x80, v4, vm1, $0xb8;
	[tilespmem:$0x15100] =	vst v63  }
0x57: {  	s1 =	rddreg [dreg:$0x9]  }
0x58: {  	[hbm4b:s3+s2] =	stream.indirect_vreg.scatter [tilespmem:s1], [sflag:$0x1], $0x80, v3, vm0, $0xb8;
	[tilespmem:$0x15100] =	vst v63  }
0x59: {  	s5 =	rddreg [dreg:$0xa]  }
0x5a: {  	[hbm4b:s4+s2] =	stream.indirect_vreg.scatter [tilespmem:s5], [sflag:$0x1], $0x80, v3, vm1, $0xb8;
	[tilespmem:$0x15100] =	vst v63  }
0x5b: {  	v3 =	vld [tilespmem:$0x20];
	_ =	sdelay $0x4  }
0x5c: {  	v52 =	vshrl.u32 v3, $0x3  }
0x5d: {  	v4 =	vmul.u32 $0x18, v52  }
0x5e: {  	v3 =	vand.u32 $0x7, v3  }
0x5f: {  	v3 =	vor.u32 v3, v4  }
0x60: {  	v4 =	vperm.xlane v3, v0;
	_ =	sdelay $0x1  }
0x61: {  	v4 =	vadd.s32 v1, v4;
	_ =	sdelay $0x1  }
0x62: {  	v3 =	vperm.xlane v3, v2;
	_ =	sdelay $0x1  }
0x63: {  	s1 =	rddreg [dreg:$0xb];
	v3 =	vadd.s32 v1, v3  }
0x64: {  	[hbm4b:s3+s2] =	stream.indirect_vreg.scatter [tilespmem:s1], [sflag:$0x1], $0x80, v4, vm0, $0xb8;
	[tilespmem:$0x15100] =	vst v63  }
0x65: {  	s5 =	rddreg [dreg:$0xc]  }
0x66: {  	[hbm4b:s4+s2] =	stream.indirect_vreg.scatter [tilespmem:s5], [sflag:$0x1], $0x80, v4, vm1, $0xb8;
	[tilespmem:$0x15100] =	vst v63  }
0x67: {  	s1 =	rddreg [dreg:$0xd]  }
0x68: {  	[hbm4b:s3+s2] =	stream.indirect_vreg.scatter [tilespmem:s1], [sflag:$0x1], $0x80, v3, vm0, $0xb8;
	[tilespmem:$0x15100] =	vst v63  }
0x69: {  	s5 =	rddreg [dreg:$0xe]  }
0x6a: {  	[hbm4b:s4+s2] =	stream.indirect_vreg.scatter [tilespmem:s5], [sflag:$0x1], $0x80, v3, vm1, $0xb8;
	[tilespmem:$0x15100] =	vst v63  }
0x6b: {  	v3 =	vld [tilespmem:$0x30];
	_ =	sdelay $0x4  }
0x6c: {  	v53 =	vshrl.u32 v3, $0x3  }
0x6d: {  	v4 =	vmul.u32 $0x18, v53  }
0x6e: {  	v3 =	vand.u32 $0x7, v3  }
0x6f: {  	v3 =	vor.u32 v3, v4  }
0x70: {  	v4 =	vperm.xlane v3, v0;
	_ =	sdelay $0x1  }
0x71: {  	v4 =	vadd.s32 v1, v4;
	_ =	sdelay $0x1  }
0x72: {  	v3 =	vperm.xlane v3, v2;
	_ =	sdelay $0x1  }
0x73: {  	s1 =	rddreg [dreg:$0xf];
	v3 =	vadd.s32 v1, v3  }
0x74: {  	[hbm4b:s3+s2] =	stream.indirect_vreg.scatter [tilespmem:s1], [sflag:$0x1], $0x80, v4, vm0, $0xb8;
	[tilespmem:$0x15100] =	vst v63  }
0x75: {  	s5 =	rddreg [dreg:$0x10]  }
0x76: {  	[hbm4b:s4+s2] =	stream.indirect_vreg.scatter [tilespmem:s5], [sflag:$0x1], $0x80, v4, vm1, $0xb8;
	[tilespmem:$0x15100] =	vst v63  }
0x77: {  	s1 =	rddreg [dreg:$0x11]  }
0x78: {  	[hbm4b:s3+s2] =	stream.indirect_vreg.scatter [tilespmem:s1], [sflag:$0x1], $0x80, v3, vm0, $0xb8;
	[tilespmem:$0x15100] =	vst v63  }
0x79: {  	s5 =	rddreg [dreg:$0x12]  }
0x7a: {  	[hbm4b:s4+s2] =	stream.indirect_vreg.scatter [tilespmem:s5], [sflag:$0x1], $0x80, v3, vm1, $0xb8;
	[tilespmem:$0x15100] =	vst v63  }
0x7b: {  	v3 =	vld [tilespmem:$0x40];
	_ =	sdelay $0x4  }
0x7c: {  	v54 =	vshrl.u32 v3, $0x3  }
0x7d: {  	v4 =	vmul.u32 $0x18, v54  }
0x7e: {  	v3 =	vand.u32 $0x7, v3  }
0x7f: {  	v3 =	vor.u32 v3, v4  }
0x80: {  	v4 =	vperm.xlane v3, v0;
	_ =	sdelay $0x1  }
0x81: {  	v4 =	vadd.s32 v1, v4;
	_ =	sdelay $0x1  }
0x82: {  	v3 =	vperm.xlane v3, v2;
	_ =	sdelay $0x1  }
0x83: {  	s1 =	rddreg [dreg:$0x13];
	v3 =	vadd.s32 v1, v3  }
0x84: {  	[hbm4b:s3+s2] =	stream.indirect_vreg.scatter [tilespmem:s1], [sflag:$0x1], $0x80, v4, vm0, $0xb8;
	[tilespmem:$0x15100] =	vst v63  }
0x85: {  	s5 =	rddreg [dreg:$0x14]  }
0x86: {  	[hbm4b:s4+s2] =	stream.indirect_vreg.scatter [tilespmem:s5], [sflag:$0x1], $0x80, v4, vm1, $0xb8;
	[tilespmem:$0x15100] =	vst v63  }
0x87: {  	s1 =	rddreg [dreg:$0x15]  }
0x88: {  	[hbm4b:s3+s2] =	stream.indirect_vreg.scatter [tilespmem:s1], [sflag:$0x1], $0x80, v3, vm0, $0xb8;
	[tilespmem:$0x15100] =	vst v63  }
0x89: {  	s5 =	rddreg [dreg:$0x16]  }
0x8a: {  	[hbm4b:s4+s2] =	stream.indirect_vreg.scatter [tilespmem:s5], [sflag:$0x1], $0x80, v3, vm1, $0xb8;
	[tilespmem:$0x15100] =	vst v63  }
0x8b: {  	v3 =	vld [tilespmem:$0x50];
	_ =	sdelay $0x4  }
0x8c: {  	v55 =	vshrl.u32 v3, $0x3  }
0x8d: {  	v4 =	vmul.u32 $0x18, v55  }
0x8e: {  	v3 =	vand.u32 $0x7, v3  }
0x8f: {  	v3 =	vor.u32 v3, v4  }
0x90: {  	v4 =	vperm.xlane v3, v0;
	_ =	sdelay $0x1  }
0x91: {  	v4 =	vadd.s32 v1, v4;
	_ =	sdelay $0x1  }
0x92: {  	v3 =	vperm.xlane v3, v2;
	_ =	sdelay $0x1  }
0x93: {  	s1 =	rddreg [dreg:$0x17];
	v3 =	vadd.s32 v1, v3  }
0x94: {  	[hbm4b:s3+s2] =	stream.indirect_vreg.scatter [tilespmem:s1], [sflag:$0x1], $0x80, v4, vm0, $0xb8;
	[tilespmem:$0x15100] =	vst v63  }
0x95: {  	s5 =	rddreg [dreg:$0x18]  }
0x96: {  	[hbm4b:s4+s2] =	stream.indirect_vreg.scatter [tilespmem:s5], [sflag:$0x1], $0x80, v4, vm1, $0xb8;
	[tilespmem:$0x15100] =	vst v63  }
0x97: {  	s1 =	rddreg [dreg:$0x19]  }
0x98: {  	[hbm4b:s3+s2] =	stream.indirect_vreg.scatter [tilespmem:s1], [sflag:$0x1], $0x80, v3, vm0, $0xb8;
	[tilespmem:$0x15100] =	vst v63  }
0x99: {  	s5 =	rddreg [dreg:$0x1a]  }
0x9a: {  	[hbm4b:s4+s2] =	stream.indirect_vreg.scatter [tilespmem:s5], [sflag:$0x1], $0x80, v3, vm1, $0xb8;
	[tilespmem:$0x15100] =	vst v63  }
0x9b: {  	v3 =	vld [tilespmem:$0x60];
	_ =	sdelay $0x4  }
0x9c: {  	v56 =	vshrl.u32 v3, $0x3  }
0x9d: {  	v4 =	vmul.u32 $0x18, v56  }
0x9e: {  	v3 =	vand.u32 $0x7, v3  }
0x9f: {  	v3 =	vor.u32 v3, v4  }
0xa0: {  	v4 =	vperm.xlane v3, v0;
	_ =	sdelay $0x1  }
0xa1: {  	v4 =	vadd.s32 v1, v4;
	_ =	sdelay $0x1  }
0xa2: {  	v3 =	vperm.xlane v3, v2;
	_ =	sdelay $0x1  }
0xa3: {  	s1 =	rddreg [dreg:$0x1b];
	v3 =	vadd.s32 v1, v3  }
0xa4: {  	[hbm4b:s3+s2] =	stream.indirect_vreg.scatter [tilespmem:s1], [sflag:$0x1], $0x80, v4, vm0, $0xb8;
	[tilespmem:$0x15100] =	vst v63  }
0xa5: {  	s5 =	rddreg [dreg:$0x1c]  }
0xa6: {  	[hbm4b:s4+s2] =	stream.indirect_vreg.scatter [tilespmem:s5], [sflag:$0x1], $0x80, v4, vm1, $0xb8;
	[tilespmem:$0x15100] =	vst v63  }
0xa7: {  	s1 =	rddreg [dreg:$0x1d]  }
0xa8: {  	[hbm4b:s3+s2] =	stream.indirect_vreg.scatter [tilespmem:s1], [sflag:$0x1], $0x80, v3, vm0, $0xb8;
	[tilespmem:$0x15100] =	vst v63  }
0xa9: {  	s5 =	rddreg [dreg:$0x1e]  }
0xaa: {  	[hbm4b:s4+s2] =	stream.indirect_vreg.scatter [tilespmem:s5], [sflag:$0x1], $0x80, v3, vm1, $0xb8;
	[tilespmem:$0x15100] =	vst v63  }
0xab: {  	v3 =	vld [tilespmem:$0x70];
	_ =	sdelay $0x4  }
0xac: {  	v57 =	vshrl.u32 v3, $0x3  }
0xad: {  	v4 =	vmul.u32 $0x18, v57  }
0xae: {  	v3 =	vand.u32 $0x7, v3  }
0xaf: {  	v3 =	vor.u32 v3, v4  }
0xb0: {  	v4 =	vperm.xlane v3, v0;
	_ =	sdelay $0x1  }
0xb1: {  	v4 =	vadd.s32 v1, v4;
	_ =	sdelay $0x1  }
0xb2: {  	v3 =	vperm.xlane v3, v2  }
0xb3: {  	s1 =	rddreg [dreg:$0x1f]  }
0xb4: {  	s5 =	sld [smem:$0x7F5];
	v3 =	vadd.s32 v1, v3  }
0xb5: {  	[hbm4b:s3+s2] =	stream.indirect_vreg.scatter [tilespmem:s1], [sflag:$0x1], $0x80, v4, vm0, $0xb8;
	[tilespmem:$0x15100] =	vst v63  }
0xb6: {  	s1 =	sld [smem:$0x7F6]  }
0xb7: {  	[hbm4b:s4+s2] =	stream.indirect_vreg.scatter [tilespmem:s5], [sflag:$0x1], $0x80, v4, vm1, $0xb8;
	[tilespmem:$0x15100] =	vst v63  }
0xb8: {  	s5 =	sld [smem:$0x7F7]  }
0xb9: {  	[hbm4b:s3+s2] =	stream.indirect_vreg.scatter [tilespmem:s1], [sflag:$0x1], $0x80, v3, vm0, $0xb8;
	[tilespmem:$0x15100] =	vst v63  }
0xba: {  	_ = 	snop  }
0xbb: {  	[hbm4b:s4+s2] =	stream.indirect_vreg.scatter [tilespmem:s5], [sflag:$0x1], $0x80, v3, vm1, $0xb8;
	[tilespmem:$0x15100] =	vst v63  }
0xbc: {  	v3 =	vld [tilespmem:$0x80];
	_ =	sdelay $0x4  }
0xbd: {  	v58 =	vshrl.u32 v3, $0x3  }
0xbe: {  	v4 =	vmul.u32 $0x18, v58  }
0xbf: {  	v3 =	vand.u32 $0x7, v3  }
0xc0: {  	v3 =	vor.u32 v3, v4  }
0xc1: {  	v4 =	vperm.xlane v3, v0;
	_ =	sdelay $0x1  }
0xc2: {  	v4 =	vadd.s32 v1, v4;
	_ =	sdelay $0x1  }
0xc3: {  	s1 =	sld [smem:$0x7F9];
	v3 =	vperm.xlane v3, v2;
	_ =	sdelay $0x1  }
0xc4: {  	s5 =	sld [smem:$0x7FB];
	v3 =	vadd.s32 v1, v3  }
0xc5: {  	[hbm4b:s3+s2] =	stream.indirect_vreg.scatter [tilespmem:s1], [sflag:$0x1], $0x80, v4, vm0, $0xb8;
	[tilespmem:$0x15100] =	vst v63  }
0xc6: {  	s1 =	sld [smem:$0x7FC]  }
0xc7: {  	[hbm4b:s4+s2] =	stream.indirect_vreg.scatter [tilespmem:s5], [sflag:$0x1], $0x80, v4, vm1, $0xb8;
	[tilespmem:$0x15100] =	vst v63  }
0xc8: {  	s5 =	sld [smem:$0x7FD]  }
0xc9: {  	[hbm4b:s3+s2] =	stream.indirect_vreg.scatter [tilespmem:s1], [sflag:$0x1], $0x80, v3, vm0, $0xb8;
	[tilespmem:$0x15100] =	vst v63  }
0xca: {  	_ = 	snop  }
0xcb: {  	[hbm4b:s4+s2] =	stream.indirect_vreg.scatter [tilespmem:s5], [sflag:$0x1], $0x80, v3, vm1, $0xb8;
	[tilespmem:$0x15100] =	vst v63  }
0xcc: {  	v3 =	vld [tilespmem:$0x90];
	_ =	sdelay $0x4  }
0xcd: {  	v59 =	vshrl.u32 v3, $0x3  }
0xce: {  	v4 =	vmul.u32 $0x18, v59  }
0xcf: {  	v3 =	vand.u32 $0x7, v3  }
0xd0: {  	v3 =	vor.u32 v3, v4  }
0xd1: {  	v4 =	vperm.xlane v3, v0;
	_ =	sdelay $0x1  }
0xd2: {  	v4 =	vadd.s32 v1, v4;
	_ =	sdelay $0x1  }
0xd3: {  	v3 =	vperm.xlane v3, v2;
	_ =	sdelay $0x1  }
0xd4: {  	v3 =	vadd.s32 v1, v3  }
0xd5: {  	[hbm4b:s3+s2] =	stream.indirect_vreg.scatter [tilespmem:s9], [sflag:$0x1], $0x80, v4, vm0, $0xb8;
	[tilespmem:$0x15100] =	vst v63  }
0xd6: {  	_ = 	snop  }
0xd7: {  	[hbm4b:s4+s2] =	stream.indirect_vreg.scatter [tilespmem:s10], [sflag:$0x1], $0x80, v4, vm1, $0xb8;
	[tilespmem:$0x15100] =	vst v63  }
0xd8: {  	_ = 	snop  }
0xd9: {  	[hbm4b:s3+s2] =	stream.indirect_vreg.scatter [tilespmem:s11], [sflag:$0x1], $0x80, v3, vm0, $0xb8;
	[tilespmem:$0x15100] =	vst v63  }
0xda: {  	_ = 	snop  }
0xdb: {  	[hbm4b:s4+s2] =	stream.indirect_vreg.scatter [tilespmem:s12], [sflag:$0x1], $0x80, v3, vm1, $0xb8;
	[tilespmem:$0x15100] =	vst v63  }
0xdc: {  	v3 =	vld [tilespmem:$0xA0];
	_ =	sdelay $0x4  }
0xdd: {  	v60 =	vshrl.u32 v3, $0x3  }
0xde: {  	v4 =	vmul.u32 $0x18, v60  }
0xdf: {  	v3 =	vand.u32 $0x7, v3  }
0xe0: {  	v3 =	vor.u32 v3, v4  }
0xe1: {  	v4 =	vperm.xlane v3, v0;
	_ =	sdelay $0x1  }
0xe2: {  	v4 =	vadd.s32 v1, v4;
	_ =	sdelay $0x1  }
0xe3: {  	v3 =	vperm.xlane v3, v2;
	_ =	sdelay $0x1  }
0xe4: {  	v3 =	vadd.s32 v1, v3  }
0xe5: {  	[hbm4b:s3+s2] =	stream.indirect_vreg.scatter [tilespmem:s13], [sflag:$0x1], $0x80, v4, vm0, $0xb8;
	[tilespmem:$0x15100] =	vst v63  }
0xe6: {  	_ = 	snop  }
0xe7: {  	[hbm4b:s4+s2] =	stream.indirect_vreg.scatter [tilespmem:s14], [sflag:$0x1], $0x80, v4, vm1, $0xb8;
	[tilespmem:$0x15100] =	vst v63  }
0xe8: {  	_ = 	snop  }
0xe9: {  	[hbm4b:s3+s2] =	stream.indirect_vreg.scatter [tilespmem:s15], [sflag:$0x1], $0x80, v3, vm0, $0xb8;
	[tilespmem:$0x15100] =	vst v63  }
0xea: {  	_ = 	snop  }
0xeb: {  	[hbm4b:s4+s2] =	stream.indirect_vreg.scatter [tilespmem:s16], [sflag:$0x1], $0x80, v3, vm1, $0xb8;
	[tilespmem:$0x15100] =	vst v63  }
0xec: {  	v3 =	vld [tilespmem:$0xB0];
	_ =	sdelay $0x4  }
0xed: {  	v61 =	vshrl.u32 v3, $0x3  }
0xee: {  	v4 =	vmul.u32 $0x18, v61  }
0xef: {  	v3 =	vand.u32 $0x7, v3  }
0xf0: {  	v3 =	vor.u32 v3, v4  }
0xf1: {  	v4 =	vperm.xlane v3, v0;
	_ =	sdelay $0x1  }
0xf2: {  	v4 =	vadd.s32 v1, v4;
	_ =	sdelay $0x1  }
0xf3: {  	v3 =	vperm.xlane v3, v2;
	_ =	sdelay $0x1  }
0xf4: {  	v3 =	vadd.s32 v1, v3  }
0xf5: {  	[hbm4b:s3+s2] =	stream.indirect_vreg.scatter [tilespmem:s17], [sflag:$0x1], $0x80, v4, vm0, $0xb8;
	[tilespmem:$0x15100] =	vst v63  }
0xf6: {  	_ = 	snop  }
0xf7: {  	[hbm4b:s4+s2] =	stream.indirect_vreg.scatter [tilespmem:s18], [sflag:$0x1], $0x80, v4, vm1, $0xb8;
	[tilespmem:$0x15100] =	vst v63  }
0xf8: {  	_ = 	snop  }
0xf9: {  	[hbm4b:s3+s2] =	stream.indirect_vreg.scatter [tilespmem:s19], [sflag:$0x1], $0x80, v3, vm0, $0xb8;
	[tilespmem:$0x15100] =	vst v63  }
0xfa: {  	_ = 	snop  }
0xfb: {  	[hbm4b:s4+s2] =	stream.indirect_vreg.scatter [tilespmem:s20], [sflag:$0x1], $0x80, v3, vm1, $0xb8;
	[tilespmem:$0x15100] =	vst v63  }
0xfc: {  	v3 =	vld [tilespmem:$0xC0];
	_ =	sdelay $0x4  }
0xfd: {  	v62 =	vshrl.u32 v3, $0x3  }
0xfe: {  	v4 =	vmul.u32 $0x18, v62  }
0xff: {  	v3 =	vand.u32 $0x7, v3  }
0x100: {  	v3 =	vor.u32 v3, v4  }
0x101: {  	v4 =	vperm.xlane v3, v0;
	_ =	sdelay $0x1  }
0x102: {  	v4 =	vadd.s32 v1, v4;
	_ =	sdelay $0x1  }
0x103: {  	v3 =	vperm.xlane v3, v2;
	_ =	sdelay $0x1  }
0x104: {  	v3 =	vadd.s32 v1, v3  }
0x105: {  	[hbm4b:s3+s2] =	stream.indirect_vreg.scatter [tilespmem:s21], [sflag:$0x1], $0x80, v4, vm0, $0xb8;
	[tilespmem:$0x15100] =	vst v63  }
0x106: {  	_ = 	snop  }
0x107: {  	[hbm4b:s4+s2] =	stream.indirect_vreg.scatter [tilespmem:s22], [sflag:$0x1], $0x80, v4, vm1, $0xb8;
	[tilespmem:$0x15100] =	vst v63  }
0x108: {  	_ = 	snop  }
0x109: {  	[hbm4b:s3+s2] =	stream.indirect_vreg.scatter [tilespmem:s23], [sflag:$0x1], $0x80, v3, vm0, $0xb8;
	[tilespmem:$0x15100] =	vst v63  }
0x10a: {  	_ = 	snop  }
0x10b: {  	[hbm4b:s4+s2] =	stream.indirect_vreg.scatter [tilespmem:s24], [sflag:$0x1], $0x80, v3, vm1, $0xb8;
	[tilespmem:$0x15100] =	vst v63  }
0x10c: {  	v3 =	vld [tilespmem:$0xD0];
	_ =	sdelay $0x4  }
0x10d: {  	v63 =	vshrl.u32 v3, $0x3  }
0x10e: {  	v4 =	vmul.u32 $0x18, v63  }
0x10f: {  	v3 =	vand.u32 $0x7, v3  }
0x110: {  	v3 =	vor.u32 v3, v4  }
0x111: {  	v4 =	vperm.xlane v3, v0;
	_ =	sdelay $0x1  }
0x112: {  	v4 =	vadd.s32 v1, v4;
	_ =	sdelay $0x1  }
0x113: {  	v3 =	vperm.xlane v3, v2;
	_ =	sdelay $0x1  }
0x114: {  	v3 =	vadd.s32 v1, v3  }
0x115: {  	[hbm4b:s3+s2] =	stream.indirect_vreg.scatter [tilespmem:s25], [sflag:$0x1], $0x80, v4, vm0, $0xb8;
	[tilespmem:$0x15100] =	vst v63  }
0x116: {  	_ = 	snop  }
0x117: {  	[hbm4b:s4+s2] =	stream.indirect_vreg.scatter [tilespmem:s26], [sflag:$0x1], $0x80, v4, vm1, $0xb8;
	[tilespmem:$0x15100] =	vst v63  }
0x118: {  	p0 =	sne.s32 s0, $0xA8  }
0x119: {  	[hbm4b:s3+s2] =	stream.indirect_vreg.scatter [tilespmem:s28], [sflag:$0x1], $0x80, v3, vm0, $0xb8;
	[tilespmem:$0x15100] =	vst v63  }
.Ltmp0:
0x11a: {  	_ = 	snop;
	(pc) =	sbr.rel @p0 .LBB2_2-.Ltmp0, $4  }
0x11b: {  	[hbm4b:s4+s2] =	stream.indirect_vreg.scatter [tilespmem:s29], [sflag:$0x1], $0x80, v3, vm1, $0xb8;
	[tilespmem:$0x15100] =	vst v63  }
0x11c: {  	_ =	swait.ge [sflag:s30], $0x15000  }
0x11d: {  	[sflag:s30] =	ssyncset.done $0x0  }
0x11e: {  	s0 =	sadd.s32 $0x1C, s0;
	s6 =	sadd.s32 $0x2A00, s6;
	[sflag:s30] =	ssyncadd.s32 $0xFFFEB000  }
0x11f: {  	s0 =	sld [smem:$0x7F8];
	_ =	sdelay $0x1  }
0x120: {  	s31 =	sadd.s32 $0x1, s31  }
0x121: {  	p0 =	sne.s32 s31, s0  }
.Ltmp1:
0x122: {  	_ = 	snop;
	(pc) =	sbr.rel @p0 .LBB2_1-.Ltmp1, $1  }
0x123: {  	_ =	sdelay $0x3  }
0x124: {  	_ =	sfence.sel $0x180000  }
0x125: {  	[bflag:$0x0] =	sbarrier.arrive $0xFFFF  }
0x126: {  	_ =	strace $0x90000047  }
0x127: {  	s0 =	stileid.u32;
	[bflag:$0x2] =	sbarrier.arrive $0xFFFF  }
0x128: {  	p0 =	sne.s32 s0, $0x0;
	s0 =	rddreg [dreg:$0x2]  }
0x129: {  	s0 =	sadd.s32 @!p0 $0x100000, s0  }
0x12a: {  	[sflag:s0] =	ssyncadd.tile.s32 @!p0 $0x1;
	_ =	shalt  }
.Lfunc_end2:
_tile_overlayer_lowered:
.L_overlay_start_2:
0x12b: {  	(tag) =	ssettag $0x2  }
0x12c: {  	s0 =	rddreg [dreg:$0x0];
	s2 =	stileid.u32  }
0x12d: {  	s1 =	rddreg [dreg:$0x1];
	p0 =	sne.s32 s2, $0x0  }
0x12e: {  	s3 =	rddreg [dreg:$0x2];
	[bflag:$0x3] =	sbarrier.arrive $0xFFFF;
	s2 =	simm.s32 @!p0 $0x1C02  }
0x12f: {  	[timem:s3], [sflag:s2] =	dma.local @!p0 [hbm:s0], s1  }
0x130: {  	s0 =	simm.s32 @!p0 $0x2  }
0x131: {  	_ =	swait.ge @!p0 [sflag:s0], s1  }
0x132: {  	s1 =	ssub.s32 @!p0 $0x0, s1;
	[sflag:s0] =	ssyncset.done @!p0 $0x0  }
0x133: {  	[sflag:s0] =	ssyncadd.s32 @!p0 s1  }
0x134: {  	[bflag:$0x3] =	sbarrier.arrive $0xFFFF  }
0x135: {  	_ =	shalt  }

// kernel: kernel.13.cloned.1.call-start
scs
__scs_entry_jumppad:
0x0: {  	(pc) =	sbr.rel $0x88, $3  }
0x1: {  	(tag) =	ssettag $0x0;
	lr =	simm.s32 $0x1  }
0x2: {  	[smem:$0x3F88] =	sst lr;
	_ =	strace $0xD0000000  }
0x3: {  	_ = 	snop  }
0x4: {  	_ = 	snop  }
0x5: {  	_ = 	snop  }
0x6: {  	_ = 	snop  }
0x7: {  	_ = 	snop  }
__scs_overlays_trampoline_lowered:
0x8: {  	[smem:$0x3F97] =	sst s0  }
0x9: {  	[smem:$0x3F98] =	sst s1  }
0xa: {  	[smem:$0x3F99] =	sst s2  }
0xb: {  	[smem:$0x3F9A] =	sst s3  }
0xc: {  	[smem:$0x3F9B] =	sst s4  }
0xd: {  	[smem:$0x3F9C] =	sst s5  }
0xe: {  	[smem:$0x3F9D] =	sst s6  }
0xf: {  	[smem:$0x3F9E] =	sst s7  }
0x10: {  	[smem:$0x3F9F] =	sst s8  }
0x11: {  	[smem:$0x3FA0] =	sst s9;
	s0 =	simm.s32 @!p0 $0x0  }
0x12: {  	s1 =	sld [smem:$0x3F86];
	s0 =	simm.s32 @p0 $0x1  }
0x13: {  	[smem:$0x3FA1] =	sst s0;
	s0 =	simm.s32 @!p1 $0x0  }
0x14: {  	s2 =	sld [smem:$0x3F85];
	s0 =	simm.s32 @p1 $0x1  }
0x15: {  	[smem:$0x3FA2] =	sst s0;
	s0 =	simm.s32 @!p2 $0x0  }
0x16: {  	s3 =	sld [smem:$0x3FDB];
	s0 =	simm.s32 @p2 $0x1  }
0x17: {  	s4 =	simm.s32 $0x1BF5;
	[smem:$0x3FA4] =	sst s0  }
0x18: {  	s0 =	sld [smem:$0x3F87];
	_ =	swait.ge [sflag:s4], $0x0  }
0x19: {  	s7 =	sld [smem:$0x3F88]  }
0x1a: {  	s8 =	sadd.s32 $0xFFFFE003, lr  }
0x1b: {  	s9 =	sadd.s32 $0xFFFFFEF7, lr;
	s5 =	simm.s32 $0xFFFFFFFF;
	p2 =	slt.u32 s8, $0xFFFFF086  }
0x1c: {  	p1 =	slt.u32 s9, $0xF7A;
	s5 =	simm.s32 @!p2 $0x0  }
0x1d: {  	s5 =	simm.s32 @p1 $0x1;
	p0 =	seq.s32 s7, s2  }
0x1e: {  	s7 =	smul.u32 @!p0 $0xF7A, s2;
	p2 =	seq.s32 @!p0 s5, $0x0  }
0x1f: {  	s9 =	smul.u32 $0xF7A, s1;
	s8 =	simm.s32 @!p0 $0x1BF5;
	p2 =	por !p2, p0  }
0x20: {  	[sflag:s8] =	ssyncset.s32 @!p0 $0xFFFFF086;
	s6 =	sadd.s32 @!p0 s3, s7;
	s7 =	simm.s32 @!p0 $0x108  }
0x21: {  	s3 =	sadd.s32 s3, s9;
	s6 =	sadd.s32 @!p0 $0x88, s6;
	s7 =	simm.s32 @p2 $0x1082  }
0x22: {  	[simem:s7], [sflag:s8] =	dma.local @!p0 [hbm:s6], $0xF7A  }
0x23: {  	s9 =	sor.u32 $0xD0000000, s2;
	s6 =	simm.s32 $0x108;
	_ =	swait.ge @!p0 [sflag:s8], $0x0  }
0x24: {  	s3 =	sadd.s32 $0x88, s3;
	s6 =	simm.s32 @!p1 $0x1082;
	[sflag:s4] =	ssyncset.s32 $0xFFFFF086  }
0x25: {  	[simem:s6], [sflag:s4] =	dma.local [hbm:s3], $0xF7A  }
0x26: {  	[smem:$0x3F88] =	sst s1;
	(tag) =	ssettag s2;
	_ =	strace s9  }
0x27: {  	s1 =	sld [smem:$0x3F98]  }
0x28: {  	s2 =	sld [smem:$0x3F99]  }
0x29: {  	s4 =	sld [smem:$0x3F9B]  }
0x2a: {  	p0 =	seq.s32 s5, $0x0;
	s5 =	sld [smem:$0x3F9C]  }
0x2b: {  	s6 =	sld [smem:$0x3F9D]  }
0x2c: {  	s7 =	sld [smem:$0x3F9E]  }
0x2d: {  	s3 =	simm.s32 $0x108;
	s8 =	sld [smem:$0x3F9F]  }
0x2e: {  	s3 =	simm.s32 @!p0 $0x1082;
	s9 =	sld [smem:$0x3FA0]  }
0x2f: {  	lr =	sadd.s32 s0, s3;
	s0 =	sld [smem:$0x3F97]  }
0x30: {  	s3 =	sld [smem:$0x3F9A]  }
0x31: {  	[smem:$0x3FA3] =	sst s10  }
0x32: {  	s10 =	sld [smem:$0x3FA1];
	_ =	sdelay $0x3  }
0x33: {  	p0 =	seq.s32 s10, $0x1;
	s10 =	sld [smem:$0x3FA3];
	_ =	sdelay $0x3  }
0x34: {  	[smem:$0x3FA3] =	sst s10  }
0x35: {  	s10 =	sld [smem:$0x3FA2];
	_ =	sdelay $0x3  }
0x36: {  	p1 =	seq.s32 s10, $0x1;
	s10 =	sld [smem:$0x3FA3];
	_ =	sdelay $0x3  }
0x37: {  	[smem:$0x3FA3] =	sst s10  }
0x38: {  	s10 =	sld [smem:$0x3FA4]  }
0x39: {  	_ = 	snop;
	(pc) =	sbr.ind lr, $3  }
0x3a: {  	_ = 	snop  }
0x3b: {  	_ = 	snop  }
0x3c: {  	p2 =	seq.s32 s10, $0x1;
	s10 =	sld [smem:$0x3FA3]  }
0x3d: {  	_ =	shalt  }
0x3e: {  	_ =	shalt  }
0x3f: {  	_ =	shalt  }
0x40: {  	_ =	shalt  }
0x41: {  	_ =	shalt  }
0x42: {  	_ =	shalt  }
0x43: {  	_ =	shalt  }
0x44: {  	_ =	shalt  }
0x45: {  	_ =	shalt  }
0x46: {  	_ =	shalt  }
0x47: {  	_ =	shalt  }
0x48: {  	_ =	shalt  }
0x49: {  	_ =	shalt  }
0x4a: {  	_ =	shalt  }
0x4b: {  	_ =	shalt  }
0x4c: {  	_ =	shalt  }
0x4d: {  	_ =	shalt  }
0x4e: {  	_ =	shalt  }
0x4f: {  	_ =	shalt  }
0x50: {  	_ =	shalt  }
0x51: {  	_ =	shalt  }
0x52: {  	_ =	shalt  }
0x53: {  	_ =	shalt  }
0x54: {  	_ =	shalt  }
0x55: {  	_ =	shalt  }
0x56: {  	_ =	shalt  }
0x57: {  	_ =	shalt  }
0x58: {  	_ =	shalt  }
0x59: {  	_ =	shalt  }
0x5a: {  	_ =	shalt  }
0x5b: {  	_ =	shalt  }
0x5c: {  	_ =	shalt  }
0x5d: {  	_ =	shalt  }
0x5e: {  	_ =	shalt  }
0x5f: {  	_ =	shalt  }
0x60: {  	_ =	shalt  }
0x61: {  	_ =	shalt  }
0x62: {  	_ =	shalt  }
0x63: {  	_ =	shalt  }
0x64: {  	_ =	shalt  }
0x65: {  	_ =	shalt  }
0x66: {  	_ =	shalt  }
0x67: {  	_ =	shalt  }
0x68: {  	_ =	shalt  }
0x69: {  	_ =	shalt  }
0x6a: {  	_ =	shalt  }
0x6b: {  	_ =	shalt  }
0x6c: {  	_ =	shalt  }
0x6d: {  	_ =	shalt  }
0x6e: {  	_ =	shalt  }
0x6f: {  	_ =	shalt  }
0x70: {  	_ =	shalt  }
0x71: {  	_ =	shalt  }
0x72: {  	_ =	shalt  }
0x73: {  	_ =	shalt  }
0x74: {  	_ =	shalt  }
0x75: {  	_ =	shalt  }
0x76: {  	_ =	shalt  }
0x77: {  	_ =	shalt  }
0x78: {  	_ =	shalt  }
0x79: {  	_ =	shalt  }
0x7a: {  	_ =	shalt  }
0x7b: {  	_ =	shalt  }
0x7c: {  	_ =	shalt  }
0x7d: {  	_ =	shalt  }
0x7e: {  	_ =	shalt  }
0x7f: {  	_ =	shalt  }
0x80: {  	_ =	shalt  }
0x81: {  	_ =	shalt  }
0x82: {  	_ =	shalt  }
0x83: {  	_ =	shalt  }
0x84: {  	_ =	shalt  }
0x85: {  	_ =	shalt  }
0x86: {  	_ =	shalt  }
0x87: {  	_ =	shalt  }
.Lfunc_end0:
.L_simem_size_0:
called_computation.1_lowered:
.L_overlay_start_0:
0x88: {  	s2 =	sld [smem:$0x3FD9]  }
0x89: {  	s3 =	sld [smem:$0x3FFE];
	_ =	sdelay $0x1  }
0x8a: {  	s1 =	srdreg.scid  }
0x8b: {  	s0 =	sand.u32 $0x1, s1  }
0x8c: {  	s14 =	sshll.u32 s0, $0xA;
	s2 =	sadd.s32 s3, s2  }
0x8d: {  	s2 =	sadd.s32 s2, s14  }
0x8e: {  	[smem:$0x3FAF] =	sst s2  }
0x8f: {  	_ = 	snop  }
0x90: {  	s2 =	sld [smem:$0x3FD0];
	_ =	sdelay $0x2  }
0x91: {  	s15 =	simm.s32 $0xA;
	s4 =	simm.s32 $0x10  }
0x92: {  	[smem:s4], [sflag:s15] =	dma.local [hbm:s2], $0x1  }
0x93: {  	_ =	swait.eq [sflag:s15], $0x1  }
0x94: {  	[sflag:s15] =	ssyncset.done $0x0  }
0x95: {  	[sflag:s15] =	ssyncadd.s32 $0xFFFFFFFF  }
0x96: {  	s16 =	sld [smem:$0x10];
	(tm) =	ssettm $0x1  }
0x97: {  	s17 =	sld [smem:$0x3FFB];
	_ =	sdelay $0x3  }
0x98: {  	_ =	strace s17  }
0x99: {  	s3 =	sld [smem:$0x3FFC];
	_ =	sdelay $0x3  }
0x9a: {  	_ =	strace s3  }
0x9b: {  	s3 =	sld [smem:$0x3FFD];
	_ =	sdelay $0x3  }
0x9c: {  	_ =	strace s3  }
0x9d: {  	_ =	strace $0x8FFFFFFF  }
0x9e: {  	s18 =	sld [smem:$0x3FDB];
	_ =	sdelay $0x1  }
0x9f: {  	s19 =	simm.s32 $_scs_section_size  }
0xa0: {  	s5 =	simm.s32 $_size__tile_overlayer_lowered;
	s6 =	simm.s32 $_tile_overlayer_lowered  }
0xa1: {  	s22 =	simm.s32 $0x1BFF;
	s21 =	sshll.u32 s6, $0x1;
	s3 =	sadd.s32 s19, s18  }
0xa2: {  	s7 =	simm.s32 $0x0;
	s20 =	sshll.u32 s5, $0x1;
	s5 =	sadd.s32 s21, s3  }
0xa3: {  	[timem:s7], [sflag:s22] =	dma.local [hbm:s5], s20  }
0xa4: {  	_ =	swait.ge [sflag:s22], s20  }
0xa5: {  	s4 =	ssub.s32 $0x0, s20;
	[sflag:s22] =	ssyncset.done $0x0  }
0xa6: {  	[sflag:s22] =	ssyncadd.s32 s4;
	_ =	sdelay $0x1  }
0xa7: {  	s23 =	simm.s32 $0x1B8B  }
0xa8: {  	_ =	swait.ge [sflag:s23], $0x1  }
0xa9: {  	[sflag:s23] =	ssyncset.done $0x0  }
0xaa: {  	s25 =	simm.s32 $0x1B8E;
	s24 =	sld [smem:$0x3FFE];
	[sflag:s23] =	ssyncadd.s32 $0xFFFFFFFF  }
0xab: {  	s26 =	simm.s32 $execute0_lowered;
	[smem:$0x3FD2] =	sst s25  }
0xac: {  	s5 =	sshll.u32 s26, $0x1;
	_ =	strace $0x80000049;
	[dreg:$0x1] =	wrdreg $0xFFFFFFFF  }
0xad: {  	s28 =	simm.s32 $_size_execute0_lowered;
	s3 =	sadd.s32 s3, s5;
	[dreg:$0x0] =	wrdreg $0x0  }
0xae: {  	s5 =	sshll.u32 s28, $0x1;
	[dreg:$0x2] =	wrdreg s3  }
0xaf: {  	[dreg:$0x3] =	wrdreg s5  }
0xb0: {  	[dreg:$0x4] =	wrdreg $0xC0  }
0xb1: {  	_ =	task [dreg:s7], $0x5FFFF  }
0xb2: {  	[dreg:$0x1] =	wrdreg $0xFFFFFFFF  }
0xb3: {  	[dreg:$0x0] =	wrdreg $0x60  }
0xb4: {  	[dreg:$0x2] =	wrdreg s24  }
0xb5: {  	[dreg:$0x3] =	wrdreg s16  }
0xb6: {  	[dreg:$0x4] =	wrdreg $0x9  }
0xb7: {  	_ =	task.clear_ibuf [dreg:s7], $0x5FFFF;
	_ =	strace $0x90000049  }
0xb8: {  	s29 =	simm.s32 $0x9;
	_ =	strace $0x8000004B  }
0xb9: {  	_ =	swait.ge [sflag:s29], $0x1  }
0xba: {  	[sflag:s29] =	ssyncadd.s32 $0xFFFFFFFF  }
0xbb: {  	_ =	strace $0x9000004B  }
0xbc: {  	_ =	sfence  }
0xbd: {  	s30 =	sld [smem:$0x0];
	_ =	sdelay $0x2  }
0xbe: {  	s31 =	sshll.u32 s1, $0xD;
	s1 =	sshrl.u32 s1, $0x2  }
0xbf: {  	s3 =	sand.u32 $0x4000, s31;
	s1 =	sadd.s32 s1, s30  }
0xc0: {  	s0 =	sor.u32 s3, s0;
	s1 =	sshll.u32 s1, $0x11  }
0xc1: {  	s0 =	sor.u32 s1, s0  }
0xc2: {  	s0 =	sadd.s32 $0x8F2B, s0  }
0xc3: {  	[sflag:s0] =	ssyncadd.remote.s32 $0x1  }
0xc4: {  	_ =	sfence.sel $0xFFFF  }
0xc5: {  	[dreg:$0x0] =	wrdreg $0xFFFFFFFF;
	(pc) =	sbr.abs _section_cstart, $3  }
0xc6: {  	[dreg:$0x1] =	wrdreg $0xFFFFFFFF  }
0xc7: {  	_ =	task.clear_ibuf [dreg:s7], $0x2FFFF;
	_ =	strace $0x9FFFFFFF  }
0xc8: {  	(tm) =	ssettm $0x7FFFFFFF  }
0xc9: {  	_ =	shalt  }
tec
execute0_lowered:
.L_overlay_start_1:
0x0: {  	(tag) =	ssettag $0x1  }
0x1: {  	s1 =	srdreg.scid;
	s0 =	stileid.u32  }
0x2: {  	s21 =	sand.u32 $0x1, s1;
	s26 =	sshll.u32 s0, $0x1  }
0x3: {  	s9 =	rddreg [dreg:$0x0];
	s10 =	sor.u32 s21, s26  }
0x4: {  	s20 =	rddreg [dreg:$0x1];
	s22 =	smul.u32 $0x620, s10  }
0x5: {  	s2 =	simm.s32 $0x0;
	s1 =	rddreg [dreg:$0x2]  }
0x6: {  	[smem:$0x7FF] =	sst s2;
	s3 =	sshrl.u32 s22, $0x3  }
0x7: {  	_ =	strace $0x8000004A;
	s4 =	sadd.s32 s20, s3;
	s3 =	simm.s32 $0x2  }
0x8: {  	[tilespmem:s2], [sflag:$0x2] =	stream.linear.gather [hbm4b:s4+s2], $0xE0, $0x38;
	[tilespmem:$0x7100] =	vst v63  }
0x9: {  	_ =	swait.ge [sflag:s3], $0xE0  }
0xa: {  	s6 =	simm.s32 $0xE0;
	s7 =	simm.s32 $0x100;
	[sflag:s3] =	ssyncset.done $0x0  }
0xb: {  	s8 =	simm.s32 $0x1;
	s5 =	sadd.s32 $0x3200, s9;
	[sflag:s3] =	ssyncadd.s32 $0xFFFFFF20  }
0xc: {  	[tilespmem:s7], [sflag:$0x1] =	stream.indirect.gather [hbm4b:s5+s6], $0x80, s2, s6, $0xb8;
	[tilespmem:$0x7100] =	vst v63  }
0xd: {  	s10 =	smul.u32 $0x6200, s10;
	_ =	swait.ge [sflag:s8], $0x7000  }
0xe: {  	s23 =	sadd.s32 $0xC7200, s9;
	[sflag:s8] =	ssyncset.done $0x0  }
0xf: {  	s9 =	sadd.s32 s23, s10;
	[sflag:s8] =	ssyncadd.s32 $0xFFFF9000  }
0x10: {  	[hbm4b:s9+s2] =	stream.linear.scatter [tilespmem:s7], [sflag:$0x2], $0x7000, $0x38;
	[tilespmem:$0x7100] =	vst v63  }
0x11: {  	s11 =	sadd.s32 $0xE0, s22;
	_ =	swait.ge [sflag:s3], $0x7000  }
0x12: {  	s28 =	sshrl.u32 s11, $0x3;
	[sflag:s3] =	ssyncset.done $0x0  }
0x13: {  	s10 =	sadd.s32 s20, s28;
	[sflag:s3] =	ssyncadd.s32 $0xFFFF9000  }
0x14: {  	[tilespmem:s2], [sflag:$0x2] =	stream.linear.gather [hbm4b:s10+s2], $0xE0, $0x38;
	[tilespmem:$0x7100] =	vst v63  }
0x15: {  	_ =	swait.ge [sflag:s3], $0xE0  }
0x16: {  	[sflag:s3] =	ssyncset.done $0x0  }
0x17: {  	[sflag:s3] =	ssyncadd.s32 $0xFFFFFF20  }
0x18: {  	[tilespmem:s7], [sflag:$0x1] =	stream.indirect.gather [hbm4b:s5+s6], $0x80, s2, s6, $0xb8;
	[tilespmem:$0x7100] =	vst v63  }
0x19: {  	_ =	swait.ge [sflag:s8], $0x7000  }
0x1a: {  	s11 =	sshll.u32 s11, $0x4;
	[sflag:s8] =	ssyncset.done $0x0  }
0x1b: {  	s11 =	sadd.s32 s23, s11;
	[sflag:s8] =	ssyncadd.s32 $0xFFFF9000  }
0x1c: {  	[hbm4b:s11+s2] =	stream.linear.scatter [tilespmem:s7], [sflag:$0x2], $0x7000, $0x38;
	[tilespmem:$0x7100] =	vst v63  }
0x1d: {  	s13 =	sadd.s32 $0x1C0, s22;
	_ =	swait.ge [sflag:s3], $0x7000  }
0x1e: {  	s12 =	sshrl.u32 s13, $0x3;
	[sflag:s3] =	ssyncset.done $0x0  }
0x1f: {  	s12 =	sadd.s32 s20, s12;
	[sflag:s3] =	ssyncadd.s32 $0xFFFF9000  }
0x20: {  	[tilespmem:s2], [sflag:$0x2] =	stream.linear.gather [hbm4b:s12+s2], $0xE0, $0x38;
	[tilespmem:$0x7100] =	vst v63  }
0x21: {  	_ =	swait.ge [sflag:s3], $0xE0  }
0x22: {  	[sflag:s3] =	ssyncset.done $0x0  }
0x23: {  	[sflag:s3] =	ssyncadd.s32 $0xFFFFFF20  }
0x24: {  	[tilespmem:s7], [sflag:$0x1] =	stream.indirect.gather [hbm4b:s5+s6], $0x80, s2, s6, $0xb8;
	[tilespmem:$0x7100] =	vst v63  }
0x25: {  	_ =	swait.ge [sflag:s8], $0x7000  }
0x26: {  	s13 =	sshll.u32 s13, $0x4;
	[sflag:s8] =	ssyncset.done $0x0  }
0x27: {  	s13 =	sadd.s32 s23, s13;
	[sflag:s8] =	ssyncadd.s32 $0xFFFF9000  }
0x28: {  	[hbm4b:s13+s2] =	stream.linear.scatter [tilespmem:s7], [sflag:$0x2], $0x7000, $0x38;
	[tilespmem:$0x7100] =	vst v63  }
0x29: {  	s15 =	sadd.s32 $0x2A0, s22;
	_ =	swait.ge [sflag:s3], $0x7000  }
0x2a: {  	s14 =	sshrl.u32 s15, $0x3;
	[sflag:s3] =	ssyncset.done $0x0  }
0x2b: {  	s14 =	sadd.s32 s20, s14;
	[sflag:s3] =	ssyncadd.s32 $0xFFFF9000  }
0x2c: {  	[tilespmem:s2], [sflag:$0x2] =	stream.linear.gather [hbm4b:s14+s2], $0xE0, $0x38;
	[tilespmem:$0x7100] =	vst v63  }
0x2d: {  	_ =	swait.ge [sflag:s3], $0xE0  }
0x2e: {  	[sflag:s3] =	ssyncset.done $0x0  }
0x2f: {  	[sflag:s3] =	ssyncadd.s32 $0xFFFFFF20  }
0x30: {  	[tilespmem:s7], [sflag:$0x1] =	stream.indirect.gather [hbm4b:s5+s6], $0x80, s2, s6, $0xb8;
	[tilespmem:$0x7100] =	vst v63  }
0x31: {  	_ =	swait.ge [sflag:s8], $0x7000  }
0x32: {  	s15 =	sshll.u32 s15, $0x4;
	[sflag:s8] =	ssyncset.done $0x0  }
0x33: {  	s15 =	sadd.s32 s23, s15;
	[sflag:s8] =	ssyncadd.s32 $0xFFFF9000  }
0x34: {  	[hbm4b:s15+s2] =	stream.linear.scatter [tilespmem:s7], [sflag:$0x2], $0x7000, $0x38;
	[tilespmem:$0x7100] =	vst v63  }
0x35: {  	s17 =	sadd.s32 $0x380, s22;
	_ =	swait.ge [sflag:s3], $0x7000  }
0x36: {  	s16 =	sshrl.u32 s17, $0x3;
	[sflag:s3] =	ssyncset.done $0x0  }
0x37: {  	s16 =	sadd.s32 s20, s16;
	[sflag:s3] =	ssyncadd.s32 $0xFFFF9000  }
0x38: {  	[tilespmem:s2], [sflag:$0x2] =	stream.linear.gather [hbm4b:s16+s2], $0xE0, $0x38;
	[tilespmem:$0x7100] =	vst v63  }
0x39: {  	_ =	swait.ge [sflag:s3], $0xE0  }
0x3a: {  	[sflag:s3] =	ssyncset.done $0x0  }
0x3b: {  	[sflag:s3] =	ssyncadd.s32 $0xFFFFFF20  }
0x3c: {  	[tilespmem:s7], [sflag:$0x1] =	stream.indirect.gather [hbm4b:s5+s6], $0x80, s2, s6, $0xb8;
	[tilespmem:$0x7100] =	vst v63  }
0x3d: {  	_ =	swait.ge [sflag:s8], $0x7000  }
0x3e: {  	s17 =	sshll.u32 s17, $0x4;
	[sflag:s8] =	ssyncset.done $0x0  }
0x3f: {  	s17 =	sadd.s32 s23, s17;
	[sflag:s8] =	ssyncadd.s32 $0xFFFF9000  }
0x40: {  	[hbm4b:s17+s2] =	stream.linear.scatter [tilespmem:s7], [sflag:$0x2], $0x7000, $0x38;
	[tilespmem:$0x7100] =	vst v63  }
0x41: {  	s19 =	sadd.s32 $0x460, s22;
	_ =	swait.ge [sflag:s3], $0x7000  }
0x42: {  	s18 =	sshrl.u32 s19, $0x3;
	[sflag:s3] =	ssyncset.done $0x0  }
0x43: {  	s18 =	sadd.s32 s20, s18;
	[sflag:s3] =	ssyncadd.s32 $0xFFFF9000  }
0x44: {  	[tilespmem:s2], [sflag:$0x2] =	stream.linear.gather [hbm4b:s18+s2], $0xE0, $0x38;
	[tilespmem:$0x7100] =	vst v63  }
0x45: {  	_ =	swait.ge [sflag:s3], $0xE0  }
0x46: {  	[sflag:s3] =	ssyncset.done $0x0  }
0x47: {  	[sflag:s3] =	ssyncadd.s32 $0xFFFFFF20  }
0x48: {  	[tilespmem:s7], [sflag:$0x1] =	stream.indirect.gather [hbm4b:s5+s6], $0x80, s2, s6, $0xb8;
	[tilespmem:$0x7100] =	vst v63  }
0x49: {  	_ =	swait.ge [sflag:s8], $0x7000  }
0x4a: {  	s19 =	sshll.u32 s19, $0x4;
	[sflag:s8] =	ssyncset.done $0x0  }
0x4b: {  	s19 =	sadd.s32 s23, s19;
	[sflag:s8] =	ssyncadd.s32 $0xFFFF9000  }
0x4c: {  	[hbm4b:s19+s2] =	stream.linear.scatter [tilespmem:s7], [sflag:$0x2], $0x7000, $0x38;
	[tilespmem:$0x7100] =	vst v63  }
0x4d: {  	s22 =	sadd.s32 $0x540, s22;
	_ =	swait.ge [sflag:s3], $0x7000  }
0x4e: {  	s24 =	sshrl.u32 s22, $0x3;
	[sflag:s3] =	ssyncset.done $0x0  }
0x4f: {  	s21 =	ssub.s32 $0x2, s21;
	s20 =	sadd.s32 s20, s24;
	[sflag:s3] =	ssyncadd.s32 $0xFFFF9000  }
0x50: {  	[tilespmem:s2], [sflag:$0x2] =	stream.linear.gather [hbm4b:s20+s2], $0xE0, $0x38;
	[tilespmem:$0x7100] =	vst v63  }
0x51: {  	s29 =	sshrl.u32 s21, $0x1;
	_ =	swait.ge [sflag:s3], $0xE0  }
0x52: {  	s24 =	ssub.s32 s21, s29;
	[sflag:s3] =	ssyncset.done $0x0  }
0x53: {  	s31 =	smax.u32 s24, $0x1;
	[sflag:s3] =	ssyncadd.s32 $0xFFFFFF20  }
0x54: {  	[tilespmem:s7], [sflag:$0x1] =	stream.indirect.gather [hbm4b:s5+s6], $0x80, s2, s6, $0xb8;
	[tilespmem:$0x7100] =	vst v63  }
0x55: {  	p0 =	sne.s32 s31, $0x1;
	_ =	swait.ge [sflag:s8], $0x7000  }
.Ltmp0:
0x56: {  	s30 =	sshll.u32 s22, $0x4;
	[sflag:s8] =	ssyncset.done $0x0;
	(pc) =	sbr.rel @!p0 .LBB2_2-.Ltmp0, $4  }
0x57: {  	s21 =	sadd.s32 s23, s30;
	[sflag:s8] =	ssyncadd.s32 $0xFFFF9000  }
0x58: {  	[hbm4b:s21+s2] =	stream.linear.scatter [tilespmem:s7], [sflag:$0x2], $0x7000, $0x38;
	[tilespmem:$0x7100] =	vst v63  }
0x59: {  	_ =	swait.ge [sflag:s3], $0x7000  }
0x5a: {  	s22 =	sadd.s32 $0xFFFFFFFF, s31;
	[sflag:s3] =	ssyncset.done $0x0  }
.LBB2_1:
0x5b: {  	p0 =	sne.s32 s22, $0x1;
	s22 =	sadd.s32 $0xFFFFFFFF, s22;
	[sflag:s3] =	ssyncadd.s32 $0xFFFF9000  }
0x5c: {  	[tilespmem:s2], [sflag:$0x2] =	stream.linear.gather [hbm4b:s4+s2], $0xE0, $0x38;
	[tilespmem:$0x7100] =	vst v63  }
0x5d: {  	_ =	swait.ge [sflag:s3], $0xE0  }
0x5e: {  	[sflag:s3] =	ssyncset.done $0x0  }
0x5f: {  	[sflag:s3] =	ssyncadd.s32 $0xFFFFFF20  }
0x60: {  	[tilespmem:s7], [sflag:$0x1] =	stream.indirect.gather [hbm4b:s5+s6], $0x80, s2, s6, $0xb8;
	[tilespmem:$0x7100] =	vst v63  }
0x61: {  	_ =	swait.ge [sflag:s8], $0x7000  }
0x62: {  	[sflag:s8] =	ssyncset.done $0x0  }
0x63: {  	[sflag:s8] =	ssyncadd.s32 $0xFFFF9000  }
0x64: {  	[hbm4b:s9+s2] =	stream.linear.scatter [tilespmem:s7], [sflag:$0x2], $0x7000, $0x38;
	[tilespmem:$0x7100] =	vst v63  }
0x65: {  	_ =	swait.ge [sflag:s3], $0x7000  }
0x66: {  	[sflag:s3] =	ssyncset.done $0x0  }
0x67: {  	[sflag:s3] =	ssyncadd.s32 $0xFFFF9000  }
0x68: {  	[tilespmem:s2], [sflag:$0x2] =	stream.linear.gather [hbm4b:s10+s2], $0xE0, $0x38;
	[tilespmem:$0x7100] =	vst v63  }
0x69: {  	_ =	swait.ge [sflag:s3], $0xE0  }
0x6a: {  	[sflag:s3] =	ssyncset.done $0x0  }
0x6b: {  	[sflag:s3] =	ssyncadd.s32 $0xFFFFFF20  }
0x6c: {  	[tilespmem:s7], [sflag:$0x1] =	stream.indirect.gather [hbm4b:s5+s6], $0x80, s2, s6, $0xb8;
	[tilespmem:$0x7100] =	vst v63  }
0x6d: {  	_ =	swait.ge [sflag:s8], $0x7000  }
0x6e: {  	[sflag:s8] =	ssyncset.done $0x0  }
0x6f: {  	[sflag:s8] =	ssyncadd.s32 $0xFFFF9000  }
0x70: {  	[hbm4b:s11+s2] =	stream.linear.scatter [tilespmem:s7], [sflag:$0x2], $0x7000, $0x38;
	[tilespmem:$0x7100] =	vst v63  }
0x71: {  	_ =	swait.ge [sflag:s3], $0x7000  }
0x72: {  	[sflag:s3] =	ssyncset.done $0x0  }
0x73: {  	[sflag:s3] =	ssyncadd.s32 $0xFFFF9000  }
0x74: {  	[tilespmem:s2], [sflag:$0x2] =	stream.linear.gather [hbm4b:s12+s2], $0xE0, $0x38;
	[tilespmem:$0x7100] =	vst v63  }
0x75: {  	_ =	swait.ge [sflag:s3], $0xE0  }
0x76: {  	[sflag:s3] =	ssyncset.done $0x0  }
0x77: {  	[sflag:s3] =	ssyncadd.s32 $0xFFFFFF20  }
0x78: {  	[tilespmem:s7], [sflag:$0x1] =	stream.indirect.gather [hbm4b:s5+s6], $0x80, s2, s6, $0xb8;
	[tilespmem:$0x7100] =	vst v63  }
0x79: {  	_ =	swait.ge [sflag:s8], $0x7000  }
0x7a: {  	[sflag:s8] =	ssyncset.done $0x0  }
0x7b: {  	[sflag:s8] =	ssyncadd.s32 $0xFFFF9000  }
0x7c: {  	[hbm4b:s13+s2] =	stream.linear.scatter [tilespmem:s7], [sflag:$0x2], $0x7000, $0x38;
	[tilespmem:$0x7100] =	vst v63  }
0x7d: {  	_ =	swait.ge [sflag:s3], $0x7000  }
0x7e: {  	[sflag:s3] =	ssyncset.done $0x0  }
0x7f: {  	[sflag:s3] =	ssyncadd.s32 $0xFFFF9000  }
0x80: {  	[tilespmem:s2], [sflag:$0x2] =	stream.linear.gather [hbm4b:s14+s2], $0xE0, $0x38;
	[tilespmem:$0x7100] =	vst v63  }
0x81: {  	_ =	swait.ge [sflag:s3], $0xE0  }
0x82: {  	[sflag:s3] =	ssyncset.done $0x0  }
0x83: {  	[sflag:s3] =	ssyncadd.s32 $0xFFFFFF20  }
0x84: {  	[tilespmem:s7], [sflag:$0x1] =	stream.indirect.gather [hbm4b:s5+s6], $0x80, s2, s6, $0xb8;
	[tilespmem:$0x7100] =	vst v63  }
0x85: {  	_ =	swait.ge [sflag:s8], $0x7000  }
0x86: {  	[sflag:s8] =	ssyncset.done $0x0  }
0x87: {  	[sflag:s8] =	ssyncadd.s32 $0xFFFF9000  }
0x88: {  	[hbm4b:s15+s2] =	stream.linear.scatter [tilespmem:s7], [sflag:$0x2], $0x7000, $0x38;
	[tilespmem:$0x7100] =	vst v63  }
0x89: {  	_ =	swait.ge [sflag:s3], $0x7000  }
0x8a: {  	[sflag:s3] =	ssyncset.done $0x0  }
0x8b: {  	[sflag:s3] =	ssyncadd.s32 $0xFFFF9000  }
0x8c: {  	[tilespmem:s2], [sflag:$0x2] =	stream.linear.gather [hbm4b:s16+s2], $0xE0, $0x38;
	[tilespmem:$0x7100] =	vst v63  }
0x8d: {  	_ =	swait.ge [sflag:s3], $0xE0  }
0x8e: {  	[sflag:s3] =	ssyncset.done $0x0  }
0x8f: {  	[sflag:s3] =	ssyncadd.s32 $0xFFFFFF20  }
0x90: {  	[tilespmem:s7], [sflag:$0x1] =	stream.indirect.gather [hbm4b:s5+s6], $0x80, s2, s6, $0xb8;
	[tilespmem:$0x7100] =	vst v63  }
0x91: {  	_ =	swait.ge [sflag:s8], $0x7000  }
0x92: {  	[sflag:s8] =	ssyncset.done $0x0  }
0x93: {  	[sflag:s8] =	ssyncadd.s32 $0xFFFF9000  }
0x94: {  	[hbm4b:s17+s2] =	stream.linear.scatter [tilespmem:s7], [sflag:$0x2], $0x7000, $0x38;
	[tilespmem:$0x7100] =	vst v63  }
0x95: {  	_ =	swait.ge [sflag:s3], $0x7000  }
0x96: {  	[sflag:s3] =	ssyncset.done $0x0  }
0x97: {  	[sflag:s3] =	ssyncadd.s32 $0xFFFF9000  }
0x98: {  	[tilespmem:s2], [sflag:$0x2] =	stream.linear.gather [hbm4b:s18+s2], $0xE0, $0x38;
	[tilespmem:$0x7100] =	vst v63  }
0x99: {  	_ =	swait.ge [sflag:s3], $0xE0  }
0x9a: {  	[sflag:s3] =	ssyncset.done $0x0  }
0x9b: {  	[sflag:s3] =	ssyncadd.s32 $0xFFFFFF20  }
0x9c: {  	[tilespmem:s7], [sflag:$0x1] =	stream.indirect.gather [hbm4b:s5+s6], $0x80, s2, s6, $0xb8;
	[tilespmem:$0x7100] =	vst v63  }
0x9d: {  	_ =	swait.ge [sflag:s8], $0x7000  }
0x9e: {  	[sflag:s8] =	ssyncset.done $0x0  }
0x9f: {  	[sflag:s8] =	ssyncadd.s32 $0xFFFF9000  }
0xa0: {  	[hbm4b:s19+s2] =	stream.linear.scatter [tilespmem:s7], [sflag:$0x2], $0x7000, $0x38;
	[tilespmem:$0x7100] =	vst v63  }
0xa1: {  	_ =	swait.ge [sflag:s3], $0x7000  }
0xa2: {  	[sflag:s3] =	ssyncset.done $0x0  }
0xa3: {  	[sflag:s3] =	ssyncadd.s32 $0xFFFF9000  }
0xa4: {  	[tilespmem:s2], [sflag:$0x2] =	stream.linear.gather [hbm4b:s20+s2], $0xE0, $0x38;
	[tilespmem:$0x7100] =	vst v63  }
0xa5: {  	_ =	swait.ge [sflag:s3], $0xE0  }
0xa6: {  	[sflag:s3] =	ssyncset.done $0x0  }
0xa7: {  	[sflag:s3] =	ssyncadd.s32 $0xFFFFFF20  }
0xa8: {  	[tilespmem:s7], [sflag:$0x1] =	stream.indirect.gather [hbm4b:s5+s6], $0x80, s2, s6, $0xb8;
	[tilespmem:$0x7100] =	vst v63  }
0xa9: {  	_ =	swait.ge [sflag:s8], $0x7000  }
.Ltmp1:
0xaa: {  	[sflag:s8] =	ssyncset.done $0x0;
	(pc) =	sbr.rel @p0 .LBB2_1-.Ltmp1, $4  }
0xab: {  	[sflag:s8] =	ssyncadd.s32 $0xFFFF9000  }
0xac: {  	[hbm4b:s21+s2] =	stream.linear.scatter [tilespmem:s7], [sflag:$0x2], $0x7000, $0x38;
	[tilespmem:$0x7100] =	vst v63  }
0xad: {  	_ =	swait.ge [sflag:s3], $0x7000  }
0xae: {  	[sflag:s3] =	ssyncset.done $0x0  }
.LBB2_2:
0xaf: {  	[sflag:s3] =	ssyncadd.s32 $0xFFFF9000  }
0xb0: {  	_ =	sfence.sel $0x180000  }
0xb1: {  	[bflag:$0x0] =	sbarrier.arrive $0xFFFF  }
0xb2: {  	p0 =	sne.s32 s0, $0x0;
	_ =	strace $0x9000004A  }
0xb3: {  	s0 =	sadd.s32 @!p0 $0x100000, s1;
	[bflag:$0x2] =	sbarrier.arrive $0xFFFF  }
0xb4: {  	[sflag:s0] =	ssyncadd.tile.s32 @!p0 $0x1;
	_ =	shalt  }
.Lfunc_end2:
_tile_overlayer_lowered:
.L_overlay_start_2:
0xb5: {  	(tag) =	ssettag $0x2  }
0xb6: {  	s0 =	rddreg [dreg:$0x0];
	s2 =	stileid.u32  }
0xb7: {  	s1 =	rddreg [dreg:$0x1];
	p0 =	sne.s32 s2, $0x0  }
0xb8: {  	s3 =	rddreg [dreg:$0x2];
	[bflag:$0x3] =	sbarrier.arrive $0xFFFF;
	s2 =	simm.s32 @!p0 $0x1C02  }
0xb9: {  	[timem:s3], [sflag:s2] =	dma.local @!p0 [hbm:s0], s1  }
0xba: {  	s0 =	simm.s32 @!p0 $0x2  }
0xbb: {  	_ =	swait.ge @!p0 [sflag:s0], s1  }
0xbc: {  	s1 =	ssub.s32 @!p0 $0x0, s1;
	[sflag:s0] =	ssyncset.done @!p0 $0x0  }
0xbd: {  	[sflag:s0] =	ssyncadd.s32 @!p0 s1  }
0xbe: {  	[bflag:$0x3] =	sbarrier.arrive $0xFFFF  }
0xbf: {  	_ =	shalt  }

</sc_bundles>
